<compile_context>
chip_gen: v7x
topology: tpu7x:2x2x1
jax: 0.10.2.dev20260603
libtpu: 0.0.44.dev20260713+nightly
codegen_flags: <defaults>
</compile_context>

<pallas_src>
import functools

import jax
import jax.numpy as jnp
from jax import lax
from jax.experimental import pallas as pl
from jax.experimental.pallas import tpu as pltpu
from jax.experimental.pallas import tpu_sc as plsc

B = 64
TOTAL = 256
POS = 64
NEG = TOTAL - POS
NLAB = 81
DROW = 4 * NLAB
MAXGT = 100
GTL_PAD = 104
NC, NS = 2, 16
NW = NC * NS
BPW = B // NW

DSIZE = TOTAL * DROW
LSIZE = TOTAL * NLAB

_LN2 = 0.6931471805599453
_SQRT2 = 1.4142135623730951


def _vlog(x):
    bits = lax.bitcast_convert_type(x, jnp.int32)
    e = (bits >> 23) - 127
    m = lax.bitcast_convert_type((bits & 0x7FFFFF) | 0x3F800000, jnp.float32)
    big = m > _SQRT2
    m = jnp.where(big, m * 0.5, m)
    e = e + big.astype(jnp.int32)
    s = (m - 1.0) / (m + 1.0)
    s2 = s * s
    p = 2.0 * s * (1.0 + s2 * (1.0 / 3.0 + s2 * (0.2 + s2 * (1.0 / 7.0))))
    return e.astype(jnp.float32) * _LN2 + p


def _sc_body(roi_h, gtb_h, gtl_h, gti_h, d_out, l_out,
             dbuf, lbuf, roi_v, gtb_v, gtl_v, idx_v, offs_v):
    wid = lax.axis_index("s") * NC + lax.axis_index("c")
    iota = lax.iota(jnp.int32, 16)
    zf = jnp.zeros((16,), jnp.float32)
    zi = jnp.zeros((16,), jnp.int32)
    ones = jnp.ones((16,), jnp.int32)

    def _zero_d(i, c):
        base = i * 256
        for j in range(16):
            dbuf[pl.ds(base + j * 16, 16)] = zf
        return c

    lax.fori_loop(0, DSIZE // 256, _zero_d, 0)

    def _zero_l(i, c):
        base = i * 256
        for j in range(16):
            lbuf[pl.ds(base + j * 16, 16)] = zi
        return c

    lax.fori_loop(0, LSIZE // 256, _zero_l, 0)

    for c in range(NEG // 16):
        t = POS + c * 16 + iota
        plsc.store_scatter(lbuf, [t * NLAB + (NLAB - 1)], ones)

    for bb in range(BPW):
        b = wid * BPW + bb
        pltpu.sync_copy(roi_h.at[b], roi_v)
        pltpu.sync_copy(gtb_h.at[b], gtb_v)
        pltpu.sync_copy(gtl_h.at[b], gtl_v)
        pltpu.sync_copy(gti_h.at[b], idx_v)
        if bb > 0:
            for c in range(POS // 16):
                od = offs_v[pl.ds(c * 16, 16)]
                for k in range(4):
                    plsc.store_scatter(dbuf, [od + k], zf)
                ol = offs_v[pl.ds(64 + c * 16, 16)]
                plsc.store_scatter(lbuf, [ol], zi)
        for c in range(POS // 16):
            gi = idx_v[pl.ds(c * 16, 16)]
            gb = gi * 4
            gy1 = plsc.load_gather(gtb_v, [gb])
            gx1 = plsc.load_gather(gtb_v, [gb + 1])
            gy2 = plsc.load_gather(gtb_v, [gb + 2])
            gx2 = plsc.load_gather(gtb_v, [gb + 3])
            lg = plsc.load_gather(gtl_v, [gi])
            rb = iota * 4 + c * 64
            ry1 = plsc.load_gather(roi_v, [rb])
            rx1 = plsc.load_gather(roi_v, [rb + 1])
            ry2 = plsc.load_gather(roi_v, [rb + 2])
            rx2 = plsc.load_gather(roi_v, [rb + 3])
            bw = rx2 - rx1
            bh = ry2 - ry1
            bcx = rx1 + 0.5 * bw
            bcy = ry1 + 0.5 * bh
            gw = gx2 - gx1
            gh = gy2 - gy1
            gcx = gx1 + 0.5 * gw
            gcy = gy1 + 0.5 * gh
            bw = jnp.where(bw == 0.0, 1e-3, bw)
            bh = jnp.where(bh == 0.0, 1e-3, bh)
            wz = gw == 0.0
            hz = gh == 0.0
            dx = jnp.where(wz, 0.0, (gcx - bcx) / bw)
            dy = jnp.where(hz, 0.0, (gcy - bcy) / bh)
            dw = jnp.where(wz, 0.0, _vlog(gw / bw))
            dh = jnp.where(hz, 0.0, _vlog(gh / bh))
            t = c * 16 + iota
            od = t * DROW + lg * 4
            ol = t * NLAB + lg
            plsc.store_scatter(dbuf, [od], dy)
            plsc.store_scatter(dbuf, [od + 1], dx)
            plsc.store_scatter(dbuf, [od + 2], dh)
            plsc.store_scatter(dbuf, [od + 3], dw)
            plsc.store_scatter(lbuf, [ol], ones)
            if bb + 1 < BPW:
                offs_v[pl.ds(c * 16, 16)] = od
                offs_v[pl.ds(64 + c * 16, 16)] = ol
        pltpu.sync_copy(dbuf, d_out.at[b])
        pltpu.sync_copy(lbuf, l_out.at[b])


_sc_call = functools.partial(
    pl.kernel,
    out_type=[
        jax.ShapeDtypeStruct((B, DSIZE), jnp.float32),
        jax.ShapeDtypeStruct((B, LSIZE), jnp.int32),
    ],
    mesh=plsc.VectorSubcoreMesh(core_axis_name="c", subcore_axis_name="s",
                                num_cores=NC),
    compiler_params=pltpu.CompilerParams(needs_layout_passes=False),
    scratch_types=[
        pltpu.VMEM((DSIZE,), jnp.float32),
        pltpu.VMEM((LSIZE,), jnp.int32),
        pltpu.VMEM((TOTAL * 4,), jnp.float32),
        pltpu.VMEM((MAXGT * 4,), jnp.float32),
        pltpu.VMEM((GTL_PAD,), jnp.int32),
        pltpu.VMEM((POS,), jnp.int32),
        pltpu.VMEM((128,), jnp.int32),
    ],
)(_sc_body)


def kernel(roi_bboxes, gt_boxes, gt_labels, gt_box_indices):
    roi_f = roi_bboxes.reshape(B, TOTAL * 4)
    gtb_f = gt_boxes.reshape(B, MAXGT * 4)
    gtl_p = jnp.pad(gt_labels, ((0, 0), (0, GTL_PAD - MAXGT)))
    d_out, l_out = _sc_call(roi_f, gtb_f, gtl_p, gt_box_indices)
    return (d_out.reshape(B, TOTAL, DROW), l_out.reshape(B, TOTAL, NLAB))

# --- scband reference (transcript-rebuilt; emitter-appended) ---
"""Pipeline reference for scband-ro-idelta-2345052143696 (READ-ONLY COPY).

The authoritative reference and input builder live on the scoring server;
editing this copy changes nothing except your own understanding.
"""

import jax, jax.numpy as jnp
import numpy as np

TOTAL_LABELS = 81
TOTAL_POS = 64
TOTAL_NEG = 192
TOTAL = TOTAL_POS + TOTAL_NEG
BATCH = 64
MAX_GT = 100


def _make_boxes(key, shape):
    # rand fill, then enforce well-formed boxes (y1<=y2, x1<=x2) in [0,1]
    u = jax.random.uniform(key, shape, dtype=jnp.float32)
    y1 = jnp.minimum(u[..., 0], u[..., 2])
    y2 = jnp.maximum(u[..., 0], u[..., 2])
    x1 = jnp.minimum(u[..., 1], u[..., 3])
    x2 = jnp.maximum(u[..., 1], u[..., 3])
    return jnp.stack([y1, x1, y2, x2], axis=-1)


def setup_inputs(seed: int = 0) -> dict:
    key = jax.random.key(seed)
    k1, k2, k3, k4 = jax.random.split(key, 4)
    roi_bboxes = _make_boxes(k1, (BATCH, TOTAL, 4))
    gt_boxes = _make_boxes(k2, (BATCH, MAX_GT, 4))
    gt_labels = jax.random.randint(k3, (BATCH, MAX_GT), 0, 80, dtype=jnp.int32)
    gt_box_indices = jax.random.randint(k4, (BATCH, TOTAL_POS), 0, MAX_GT, dtype=jnp.int32)
    return {"roi_bboxes": roi_bboxes, "gt_boxes": gt_boxes,
            "gt_labels": gt_labels, "gt_box_indices": gt_box_indices}


def _get_deltas_from_bboxes(bboxes, gt_boxes):
    bbox_width = bboxes[..., 3] - bboxes[..., 1]
    bbox_height = bboxes[..., 2] - bboxes[..., 0]
    bbox_ctr_x = bboxes[..., 1] + 0.5 * bbox_width
    bbox_ctr_y = bboxes[..., 0] + 0.5 * bbox_height
    gt_width = gt_boxes[..., 3] - gt_boxes[..., 1]
    gt_height = gt_boxes[..., 2] - gt_boxes[..., 0]
    gt_ctr_x = gt_boxes[..., 1] + 0.5 * gt_width
    gt_ctr_y = gt_boxes[..., 0] + 0.5 * gt_height
    bbox_width = jnp.where(bbox_width == 0, 1e-3, bbox_width)
    bbox_height = jnp.where(bbox_height == 0, 1e-3, bbox_height)
    delta_x = jnp.where(gt_width == 0, 0.0, (gt_ctr_x - bbox_ctr_x) / bbox_width)
    delta_y = jnp.where(gt_height == 0, 0.0, (gt_ctr_y - bbox_ctr_y) / bbox_height)
    delta_w = jnp.where(gt_width == 0, 0.0, jnp.log(gt_width / bbox_width))
    delta_h = jnp.where(gt_height == 0, 0.0, jnp.log(gt_height / bbox_height))
    return jnp.stack([delta_y, delta_x, delta_h, delta_w], axis=-1)


def reference(roi_bboxes, gt_boxes, gt_labels, gt_box_indices):
    B = roi_bboxes.shape[0]
    b_col = jnp.arange(B)[:, None]
    # helpers.get_gt_boxes_map: gather pos gt boxes, pad negs with zeros
    pos_gt_boxes_map = gt_boxes[b_col, gt_box_indices]            # (B, POS, 4)
    neg_gt_boxes_map = jnp.zeros((B, TOTAL_NEG, 4), jnp.float32)
    gt_boxes_map = jnp.concatenate([pos_gt_boxes_map, neg_gt_boxes_map], axis=1)
    # labels map: gathered pos labels + background (total_labels-1) for negs
    pos_gt_labels_map = gt_labels[b_col, gt_box_indices]          # (B, POS)
    neg_gt_labels_map = jnp.full((B, TOTAL_NEG), TOTAL_LABELS - 1, jnp.int32)
    gt_labels_map = jnp.concatenate([pos_gt_labels_map, neg_gt_labels_map], axis=1)  # (B, TOTAL)
    # bbox regression deltas
    roi_bbox_deltas = _get_deltas_from_bboxes(roi_bboxes, gt_boxes_map)  # (B, TOTAL, 4)
    # scatter_nd into (B, TOTAL, TOTAL_LABELS, 4) at (b, t, label)
    t_row = jnp.arange(TOTAL)[None, :]
    deltas_scat = jnp.zeros((B, TOTAL, TOTAL_LABELS, 4), jnp.float32)
    deltas_scat = deltas_scat.at[b_col, t_row, gt_labels_map].add(roi_bbox_deltas)
    roi_bbox_deltas_out = deltas_scat.reshape(B, TOTAL, TOTAL_LABELS * 4)
    labels_scat = jnp.zeros((B, TOTAL, TOTAL_LABELS), jnp.int32)
    labels_scat = labels_scat.at[b_col, t_row, gt_labels_map].add(jnp.ones((B, TOTAL), jnp.int32))
    return (jax.lax.stop_gradient(roi_bbox_deltas_out),
            jax.lax.stop_gradient(labels_scat))

if __name__ == "__main__":
    import jax
    _d = setup_inputs()
    print(jax.jit(kernel)(*tuple(_d.values())))

</pallas_src>

<mosaic_0001>
#map = affine_map<(d0, d1) -> (0, 0)>
module attributes {stable_mosaic.version = 14 : i64} {
  func.func @_sc_body(%arg0: i32, %arg1: i32, %arg2: memref<64x1024xf32, #tpu.memory_space<hbm>>, %arg3: memref<64x400xf32, #tpu.memory_space<hbm>>, %arg4: memref<64x104xi32, #tpu.memory_space<hbm>>, %arg5: memref<64x64xi32, #tpu.memory_space<hbm>>, %arg6: memref<64x82944xf32, #tpu.memory_space<hbm>>, %arg7: memref<64x20736xi32, #tpu.memory_space<hbm>>, %arg8: memref<82944xf32, #tpu.memory_space<vmem>>, %arg9: memref<20736xi32, #tpu.memory_space<vmem>>, %arg10: memref<1024xf32, #tpu.memory_space<vmem>>, %arg11: memref<400xf32, #tpu.memory_space<vmem>>, %arg12: memref<104xi32, #tpu.memory_space<vmem>>, %arg13: memref<64xi32, #tpu.memory_space<vmem>>, %arg14: memref<128xi32, #tpu.memory_space<vmem>>) attributes {dimension_semantics = [#tpu.dimension_semantics<core_parallel>, #tpu.dimension_semantics<subcore_parallel>], iteration_bounds = array<i64: 2, 16>, scalar_prefetch = 0 : i64, scratch_operands = 7 : i64, tpu.core_type = #tpu.core_type<sc_vector_subcore>, window_params = [{transform_indices = #map}, {transform_indices = #map}, {transform_indices = #map}, {transform_indices = #map}, {transform_indices = #map}, {transform_indices = #map}]} {
    %mul3A = arith.constant 2 : i32
    %mul3A_0 = arith.muli %arg1, %mul3A : i32
    %add3A = arith.addi %mul3A_0, %arg0 : i32
    %iota3A = tpu.iota {dimensions = array<i32: 0>} : vector<16xi32>
    %broadcast_in_dim3A = arith.constant 0.000000e+00 : f32
    %broadcast_in_dim3A_1 = vector.broadcast %broadcast_in_dim3A : f32 to vector<16xf32>
    %broadcast_in_dim3A_2 = arith.constant 0 : i32
    %broadcast_in_dim3A_3 = vector.broadcast %broadcast_in_dim3A_2 : i32 to vector<16xi32>
    %broadcast_in_dim3A_4 = arith.constant 1 : i32
    %broadcast_in_dim3A_5 = vector.broadcast %broadcast_in_dim3A_4 : i32 to vector<16xi32>
    %scan3A = arith.constant 0 : i32
    %scan3A_6 = arith.constant 0 : i32
    %scan3A_7 = arith.constant 324 : i32
    %scan3A_8 = arith.addi %scan3A_6, %scan3A_7 : i32
    %scan3A_9 = arith.constant 1 : i32
    scf.for %scan3A_1999 = %scan3A_6 to %scan3A_8 step %scan3A_9  : i32 {
      %mul3A_2000 = arith.constant 256 : i32
      %mul3A_2001 = arith.muli %scan3A_1999, %mul3A_2000 : i32
      %add3A_2002 = arith.constant 0 : i32
      %add3A_2003 = arith.addi %mul3A_2001, %add3A_2002 : i32
      %swap3A_2004 = arith.index_cast %add3A_2003 : i32 to index
      %swap3A_2005 = tpu.vector_load %arg8[%swap3A_2004] {strides = array<i32>} : memref<82944xf32, #tpu.memory_space<vmem>>, vector<16xf32>,
      tpu.vector_store %arg8[%swap3A_2004], %broadcast_in_dim3A_1 {strides = array<i32>} : memref<82944xf32, #tpu.memory_space<vmem>>, vector<16xf32>,
      %add3A_2006 = arith.constant 16 : i32
      %add3A_2007 = arith.addi %mul3A_2001, %add3A_2006 : i32
      %swap3A_2008 = arith.index_cast %add3A_2007 : i32 to index
      %swap3A_2009 = tpu.vector_load %arg8[%swap3A_2008] {strides = array<i32>} : memref<82944xf32, #tpu.memory_space<vmem>>, vector<16xf32>,
      tpu.vector_store %arg8[%swap3A_2008], %broadcast_in_dim3A_1 {strides = array<i32>} : memref<82944xf32, #tpu.memory_space<vmem>>, vector<16xf32>,
      %add3A_2010 = arith.constant 32 : i32
      %add3A_2011 = arith.addi %mul3A_2001, %add3A_2010 : i32
      %swap3A_2012 = arith.index_cast %add3A_2011 : i32 to index
      %swap3A_2013 = tpu.vector_load %arg8[%swap3A_2012] {strides = array<i32>} : memref<82944xf32, #tpu.memory_space<vmem>>, vector<16xf32>,
      tpu.vector_store %arg8[%swap3A_2012], %broadcast_in_dim3A_1 {strides = array<i32>} : memref<82944xf32, #tpu.memory_space<vmem>>, vector<16xf32>,
      %add3A_2014 = arith.constant 48 : i32
      %add3A_2015 = arith.addi %mul3A_2001, %add3A_2014 : i32
      %swap3A_2016 = arith.index_cast %add3A_2015 : i32 to index
      %swap3A_2017 = tpu.vector_load %arg8[%swap3A_2016] {strides = array<i32>} : memref<82944xf32, #tpu.memory_space<vmem>>, vector<16xf32>,
      tpu.vector_store %arg8[%swap3A_2016], %broadcast_in_dim3A_1 {strides = array<i32>} : memref<82944xf32, #tpu.memory_space<vmem>>, vector<16xf32>,
      %add3A_2018 = arith.constant 64 : i32
      %add3A_2019 = arith.addi %mul3A_2001, %add3A_2018 : i32
      %swap3A_2020 = arith.index_cast %add3A_2019 : i32 to index
      %swap3A_2021 = tpu.vector_load %arg8[%swap3A_2020] {strides = array<i32>} : memref<82944xf32, #tpu.memory_space<vmem>>, vector<16xf32>,
      tpu.vector_store %arg8[%swap3A_2020], %broadcast_in_dim3A_1 {strides = array<i32>} : memref<82944xf32, #tpu.memory_space<vmem>>, vector<16xf32>,
      %add3A_2022 = arith.constant 80 : i32
      %add3A_2023 = arith.addi %mul3A_2001, %add3A_2022 : i32
      %swap3A_2024 = arith.index_cast %add3A_2023 : i32 to index
      %swap3A_2025 = tpu.vector_load %arg8[%swap3A_2024] {strides = array<i32>} : memref<82944xf32, #tpu.memory_space<vmem>>, vector<16xf32>,
      tpu.vector_store %arg8[%swap3A_2024], %broadcast_in_dim3A_1 {strides = array<i32>} : memref<82944xf32, #tpu.memory_space<vmem>>, vector<16xf32>,
      %add3A_2026 = arith.constant 96 : i32
      %add3A_2027 = arith.addi %mul3A_2001, %add3A_2026 : i32
      %swap3A_2028 = arith.index_cast %add3A_2027 : i32 to index
      %swap3A_2029 = tpu.vector_load %arg8[%swap3A_2028] {strides = array<i32>} : memref<82944xf32, #tpu.memory_space<vmem>>, vector<16xf32>,
      tpu.vector_store %arg8[%swap3A_2028], %broadcast_in_dim3A_1 {strides = array<i32>} : memref<82944xf32, #tpu.memory_space<vmem>>, vector<16xf32>,
      %add3A_2030 = arith.constant 112 : i32
      %add3A_2031 = arith.addi %mul3A_2001, %add3A_2030 : i32
      %swap3A_2032 = arith.index_cast %add3A_2031 : i32 to index
      %swap3A_2033 = tpu.vector_load %arg8[%swap3A_2032] {strides = array<i32>} : memref<82944xf32, #tpu.memory_space<vmem>>, vector<16xf32>,
      tpu.vector_store %arg8[%swap3A_2032], %broadcast_in_dim3A_1 {strides = array<i32>} : memref<82944xf32, #tpu.memory_space<vmem>>, vector<16xf32>,
      %add3A_2034 = arith.constant 128 : i32
      %add3A_2035 = arith.addi %mul3A_2001, %add3A_2034 : i32
      %swap3A_2036 = arith.index_cast %add3A_2035 : i32 to index
      %swap3A_2037 = tpu.vector_load %arg8[%swap3A_2036] {strides = array<i32>} : memref<82944xf32, #tpu.memory_space<vmem>>, vector<16xf32>,
      tpu.vector_store %arg8[%swap3A_2036], %broadcast_in_dim3A_1 {strides = array<i32>} : memref<82944xf32, #tpu.memory_space<vmem>>, vector<16xf32>,
      %add3A_2038 = arith.constant 144 : i32
      %add3A_2039 = arith.addi %mul3A_2001, %add3A_2038 : i32
      %swap3A_2040 = arith.index_cast %add3A_2039 : i32 to index
      %swap3A_2041 = tpu.vector_load %arg8[%swap3A_2040] {strides = array<i32>} : memref<82944xf32, #tpu.memory_space<vmem>>, vector<16xf32>,
      tpu.vector_store %arg8[%swap3A_2040], %broadcast_in_dim3A_1 {strides = array<i32>} : memref<82944xf32, #tpu.memory_space<vmem>>, vector<16xf32>,
      %add3A_2042 = arith.constant 160 : i32
      %add3A_2043 = arith.addi %mul3A_2001, %add3A_2042 : i32
      %swap3A_2044 = arith.index_cast %add3A_2043 : i32 to index
      %swap3A_2045 = tpu.vector_load %arg8[%swap3A_2044] {strides = array<i32>} : memref<82944xf32, #tpu.memory_space<vmem>>, vector<16xf32>,
      tpu.vector_store %arg8[%swap3A_2044], %broadcast_in_dim3A_1 {strides = array<i32>} : memref<82944xf32, #tpu.memory_space<vmem>>, vector<16xf32>,
      %add3A_2046 = arith.constant 176 : i32
      %add3A_2047 = arith.addi %mul3A_2001, %add3A_2046 : i32
      %swap3A_2048 = arith.index_cast %add3A_2047 : i32 to index
      %swap3A_2049 = tpu.vector_load %arg8[%swap3A_2048] {strides = array<i32>} : memref<82944xf32, #tpu.memory_space<vmem>>, vector<16xf32>,
      tpu.vector_store %arg8[%swap3A_2048], %broadcast_in_dim3A_1 {strides = array<i32>} : memref<82944xf32, #tpu.memory_space<vmem>>, vector<16xf32>,
      %add3A_2050 = arith.constant 192 : i32
      %add3A_2051 = arith.addi %mul3A_2001, %add3A_2050 : i32
      %swap3A_2052 = arith.index_cast %add3A_2051 : i32 to index
      %swap3A_2053 = tpu.vector_load %arg8[%swap3A_2052] {strides = array<i32>} : memref<82944xf32, #tpu.memory_space<vmem>>, vector<16xf32>,
      tpu.vector_store %arg8[%swap3A_2052], %broadcast_in_dim3A_1 {strides = array<i32>} : memref<82944xf32, #tpu.memory_space<vmem>>, vector<16xf32>,
      %add3A_2054 = arith.constant 208 : i32
      %add3A_2055 = arith.addi %mul3A_2001, %add3A_2054 : i32
      %swap3A_2056 = arith.index_cast %add3A_2055 : i32 to index
      %swap3A_2057 = tpu.vector_load %arg8[%swap3A_2056] {strides = array<i32>} : memref<82944xf32, #tpu.memory_space<vmem>>, vector<16xf32>,
      tpu.vector_store %arg8[%swap3A_2056], %broadcast_in_dim3A_1 {strides = array<i32>} : memref<82944xf32, #tpu.memory_space<vmem>>, vector<16xf32>,
      %add3A_2058 = arith.constant 224 : i32
      %add3A_2059 = arith.addi %mul3A_2001, %add3A_2058 : i32
      %swap3A_2060 = arith.index_cast %add3A_2059 : i32 to index
      %swap3A_2061 = tpu.vector_load %arg8[%swap3A_2060] {strides = array<i32>} : memref<82944xf32, #tpu.memory_space<vmem>>, vector<16xf32>,
      tpu.vector_store %arg8[%swap3A_2060], %broadcast_in_dim3A_1 {strides = array<i32>} : memref<82944xf32, #tpu.memory_space<vmem>>, vector<16xf32>,
      %add3A_2062 = arith.constant 240 : i32
      %add3A_2063 = arith.addi %mul3A_2001, %add3A_2062 : i32
      %swap3A_2064 = arith.index_cast %add3A_2063 : i32 to index
      %swap3A_2065 = tpu.vector_load %arg8[%swap3A_2064] {strides = array<i32>} : memref<82944xf32, #tpu.memory_space<vmem>>, vector<16xf32>,
      tpu.vector_store %arg8[%swap3A_2064], %broadcast_in_dim3A_1 {strides = array<i32>} : memref<82944xf32, #tpu.memory_space<vmem>>, vector<16xf32>,
    }
    %scan3A_10 = arith.constant 324 : i32
    %scan3A_11 = arith.constant 0 : i32
    %scan3A_12 = arith.constant 0 : i32
    %scan3A_13 = arith.constant 81 : i32
    %scan3A_14 = arith.addi %scan3A_12, %scan3A_13 : i32
    %scan3A_15 = arith.constant 1 : i32
    scf.for %scan3A_1999 = %scan3A_12 to %scan3A_14 step %scan3A_15  : i32 {
      %mul3A_2000 = arith.constant 256 : i32
      %mul3A_2001 = arith.muli %scan3A_1999, %mul3A_2000 : i32
      %add3A_2002 = arith.constant 0 : i32
      %add3A_2003 = arith.addi %mul3A_2001, %add3A_2002 : i32
      %swap3A_2004 = arith.index_cast %add3A_2003 : i32 to index
      %swap3A_2005 = tpu.vector_load %arg9[%swap3A_2004] {strides = array<i32>} : memref<20736xi32, #tpu.memory_space<vmem>>, vector<16xi32>,
      tpu.vector_store %arg9[%swap3A_2004], %broadcast_in_dim3A_3 {strides = array<i32>} : memref<20736xi32, #tpu.memory_space<vmem>>, vector<16xi32>,
      %add3A_2006 = arith.constant 16 : i32
      %add3A_2007 = arith.addi %mul3A_2001, %add3A_2006 : i32
      %swap3A_2008 = arith.index_cast %add3A_2007 : i32 to index
      %swap3A_2009 = tpu.vector_load %arg9[%swap3A_2008] {strides = array<i32>} : memref<20736xi32, #tpu.memory_space<vmem>>, vector<16xi32>,
      tpu.vector_store %arg9[%swap3A_2008], %broadcast_in_dim3A_3 {strides = array<i32>} : memref<20736xi32, #tpu.memory_space<vmem>>, vector<16xi32>,
      %add3A_2010 = arith.constant 32 : i32
      %add3A_2011 = arith.addi %mul3A_2001, %add3A_2010 : i32
      %swap3A_2012 = arith.index_cast %add3A_2011 : i32 to index
      %swap3A_2013 = tpu.vector_load %arg9[%swap3A_2012] {strides = array<i32>} : memref<20736xi32, #tpu.memory_space<vmem>>, vector<16xi32>,
      tpu.vector_store %arg9[%swap3A_2012], %broadcast_in_dim3A_3 {strides = array<i32>} : memref<20736xi32, #tpu.memory_space<vmem>>, vector<16xi32>,
      %add3A_2014 = arith.constant 48 : i32
      %add3A_2015 = arith.addi %mul3A_2001, %add3A_2014 : i32
      %swap3A_2016 = arith.index_cast %add3A_2015 : i32 to index
      %swap3A_2017 = tpu.vector_load %arg9[%swap3A_2016] {strides = array<i32>} : memref<20736xi32, #tpu.memory_space<vmem>>, vector<16xi32>,
      tpu.vector_store %arg9[%swap3A_2016], %broadcast_in_dim3A_3 {strides = array<i32>} : memref<20736xi32, #tpu.memory_space<vmem>>, vector<16xi32>,
      %add3A_2018 = arith.constant 64 : i32
      %add3A_2019 = arith.addi %mul3A_2001, %add3A_2018 : i32
      %swap3A_2020 = arith.index_cast %add3A_2019 : i32 to index
      %swap3A_2021 = tpu.vector_load %arg9[%swap3A_2020] {strides = array<i32>} : memref<20736xi32, #tpu.memory_space<vmem>>, vector<16xi32>,
      tpu.vector_store %arg9[%swap3A_2020], %broadcast_in_dim3A_3 {strides = array<i32>} : memref<20736xi32, #tpu.memory_space<vmem>>, vector<16xi32>,
      %add3A_2022 = arith.constant 80 : i32
      %add3A_2023 = arith.addi %mul3A_2001, %add3A_2022 : i32
      %swap3A_2024 = arith.index_cast %add3A_2023 : i32 to index
      %swap3A_2025 = tpu.vector_load %arg9[%swap3A_2024] {strides = array<i32>} : memref<20736xi32, #tpu.memory_space<vmem>>, vector<16xi32>,
      tpu.vector_store %arg9[%swap3A_2024], %broadcast_in_dim3A_3 {strides = array<i32>} : memref<20736xi32, #tpu.memory_space<vmem>>, vector<16xi32>,
      %add3A_2026 = arith.constant 96 : i32
      %add3A_2027 = arith.addi %mul3A_2001, %add3A_2026 : i32
      %swap3A_2028 = arith.index_cast %add3A_2027 : i32 to index
      %swap3A_2029 = tpu.vector_load %arg9[%swap3A_2028] {strides = array<i32>} : memref<20736xi32, #tpu.memory_space<vmem>>, vector<16xi32>,
      tpu.vector_store %arg9[%swap3A_2028], %broadcast_in_dim3A_3 {strides = array<i32>} : memref<20736xi32, #tpu.memory_space<vmem>>, vector<16xi32>,
      %add3A_2030 = arith.constant 112 : i32
      %add3A_2031 = arith.addi %mul3A_2001, %add3A_2030 : i32
      %swap3A_2032 = arith.index_cast %add3A_2031 : i32 to index
      %swap3A_2033 = tpu.vector_load %arg9[%swap3A_2032] {strides = array<i32>} : memref<20736xi32, #tpu.memory_space<vmem>>, vector<16xi32>,
      tpu.vector_store %arg9[%swap3A_2032], %broadcast_in_dim3A_3 {strides = array<i32>} : memref<20736xi32, #tpu.memory_space<vmem>>, vector<16xi32>,
      %add3A_2034 = arith.constant 128 : i32
      %add3A_2035 = arith.addi %mul3A_2001, %add3A_2034 : i32
      %swap3A_2036 = arith.index_cast %add3A_2035 : i32 to index
      %swap3A_2037 = tpu.vector_load %arg9[%swap3A_2036] {strides = array<i32>} : memref<20736xi32, #tpu.memory_space<vmem>>, vector<16xi32>,
      tpu.vector_store %arg9[%swap3A_2036], %broadcast_in_dim3A_3 {strides = array<i32>} : memref<20736xi32, #tpu.memory_space<vmem>>, vector<16xi32>,
      %add3A_2038 = arith.constant 144 : i32
      %add3A_2039 = arith.addi %mul3A_2001, %add3A_2038 : i32
      %swap3A_2040 = arith.index_cast %add3A_2039 : i32 to index
      %swap3A_2041 = tpu.vector_load %arg9[%swap3A_2040] {strides = array<i32>} : memref<20736xi32, #tpu.memory_space<vmem>>, vector<16xi32>,
      tpu.vector_store %arg9[%swap3A_2040], %broadcast_in_dim3A_3 {strides = array<i32>} : memref<20736xi32, #tpu.memory_space<vmem>>, vector<16xi32>,
      %add3A_2042 = arith.constant 160 : i32
      %add3A_2043 = arith.addi %mul3A_2001, %add3A_2042 : i32
      %swap3A_2044 = arith.index_cast %add3A_2043 : i32 to index
      %swap3A_2045 = tpu.vector_load %arg9[%swap3A_2044] {strides = array<i32>} : memref<20736xi32, #tpu.memory_space<vmem>>, vector<16xi32>,
      tpu.vector_store %arg9[%swap3A_2044], %broadcast_in_dim3A_3 {strides = array<i32>} : memref<20736xi32, #tpu.memory_space<vmem>>, vector<16xi32>,
      %add3A_2046 = arith.constant 176 : i32
      %add3A_2047 = arith.addi %mul3A_2001, %add3A_2046 : i32
      %swap3A_2048 = arith.index_cast %add3A_2047 : i32 to index
      %swap3A_2049 = tpu.vector_load %arg9[%swap3A_2048] {strides = array<i32>} : memref<20736xi32, #tpu.memory_space<vmem>>, vector<16xi32>,
      tpu.vector_store %arg9[%swap3A_2048], %broadcast_in_dim3A_3 {strides = array<i32>} : memref<20736xi32, #tpu.memory_space<vmem>>, vector<16xi32>,
      %add3A_2050 = arith.constant 192 : i32
      %add3A_2051 = arith.addi %mul3A_2001, %add3A_2050 : i32
      %swap3A_2052 = arith.index_cast %add3A_2051 : i32 to index
      %swap3A_2053 = tpu.vector_load %arg9[%swap3A_2052] {strides = array<i32>} : memref<20736xi32, #tpu.memory_space<vmem>>, vector<16xi32>,
      tpu.vector_store %arg9[%swap3A_2052], %broadcast_in_dim3A_3 {strides = array<i32>} : memref<20736xi32, #tpu.memory_space<vmem>>, vector<16xi32>,
      %add3A_2054 = arith.constant 208 : i32
      %add3A_2055 = arith.addi %mul3A_2001, %add3A_2054 : i32
      %swap3A_2056 = arith.index_cast %add3A_2055 : i32 to index
      %swap3A_2057 = tpu.vector_load %arg9[%swap3A_2056] {strides = array<i32>} : memref<20736xi32, #tpu.memory_space<vmem>>, vector<16xi32>,
      tpu.vector_store %arg9[%swap3A_2056], %broadcast_in_dim3A_3 {strides = array<i32>} : memref<20736xi32, #tpu.memory_space<vmem>>, vector<16xi32>,
      %add3A_2058 = arith.constant 224 : i32
      %add3A_2059 = arith.addi %mul3A_2001, %add3A_2058 : i32
      %swap3A_2060 = arith.index_cast %add3A_2059 : i32 to index
      %swap3A_2061 = tpu.vector_load %arg9[%swap3A_2060] {strides = array<i32>} : memref<20736xi32, #tpu.memory_space<vmem>>, vector<16xi32>,
      tpu.vector_store %arg9[%swap3A_2060], %broadcast_in_dim3A_3 {strides = array<i32>} : memref<20736xi32, #tpu.memory_space<vmem>>, vector<16xi32>,
      %add3A_2062 = arith.constant 240 : i32
      %add3A_2063 = arith.addi %mul3A_2001, %add3A_2062 : i32
      %swap3A_2064 = arith.index_cast %add3A_2063 : i32 to index
      %swap3A_2065 = tpu.vector_load %arg9[%swap3A_2064] {strides = array<i32>} : memref<20736xi32, #tpu.memory_space<vmem>>, vector<16xi32>,
      tpu.vector_store %arg9[%swap3A_2064], %broadcast_in_dim3A_3 {strides = array<i32>} : memref<20736xi32, #tpu.memory_space<vmem>>, vector<16xi32>,
    }
    %scan3A_16 = arith.constant 81 : i32
    %add3A_17 = arith.constant 64 : i32
    %add3A_18 = vector.broadcast %add3A_17 : i32 to vector<16xi32>
    %add3A_19 = arith.addi %add3A_18, %iota3A : vector<16xi32>
    %mul3A_20 = arith.constant 81 : i32
    %mul3A_21 = vector.broadcast %mul3A_20 : i32 to vector<16xi32>
    %mul3A_22 = arith.muli %add3A_19, %mul3A_21 : vector<16xi32>
    %add3A_23 = arith.constant 80 : i32
    %add3A_24 = vector.broadcast %add3A_23 : i32 to vector<16xi32>
    %add3A_25 = arith.addi %mul3A_22, %add3A_24 : vector<16xi32>
    tpu.vector_store_idx %arg9[%add3A_25], %broadcast_in_dim3A_5 : memref<20736xi32, #tpu.memory_space<vmem>>[vector<16xi32>], vector<16xi32>,
    %add3A_26 = arith.constant 80 : i32
    %add3A_27 = vector.broadcast %add3A_26 : i32 to vector<16xi32>
    %add3A_28 = arith.addi %add3A_27, %iota3A : vector<16xi32>
    %mul3A_29 = arith.constant 81 : i32
    %mul3A_30 = vector.broadcast %mul3A_29 : i32 to vector<16xi32>
    %mul3A_31 = arith.muli %add3A_28, %mul3A_30 : vector<16xi32>
    %add3A_32 = arith.constant 80 : i32
    %add3A_33 = vector.broadcast %add3A_32 : i32 to vector<16xi32>
    %add3A_34 = arith.addi %mul3A_31, %add3A_33 : vector<16xi32>
    tpu.vector_store_idx %arg9[%add3A_34], %broadcast_in_dim3A_5 : memref<20736xi32, #tpu.memory_space<vmem>>[vector<16xi32>], vector<16xi32>,
    %add3A_35 = arith.constant 96 : i32
    %add3A_36 = vector.broadcast %add3A_35 : i32 to vector<16xi32>
    %add3A_37 = arith.addi %add3A_36, %iota3A : vector<16xi32>
    %mul3A_38 = arith.constant 81 : i32
    %mul3A_39 = vector.broadcast %mul3A_38 : i32 to vector<16xi32>
    %mul3A_40 = arith.muli %add3A_37, %mul3A_39 : vector<16xi32>
    %add3A_41 = arith.constant 80 : i32
    %add3A_42 = vector.broadcast %add3A_41 : i32 to vector<16xi32>
    %add3A_43 = arith.addi %mul3A_40, %add3A_42 : vector<16xi32>
    tpu.vector_store_idx %arg9[%add3A_43], %broadcast_in_dim3A_5 : memref<20736xi32, #tpu.memory_space<vmem>>[vector<16xi32>], vector<16xi32>,
    %add3A_44 = arith.constant 112 : i32
    %add3A_45 = vector.broadcast %add3A_44 : i32 to vector<16xi32>
    %add3A_46 = arith.addi %add3A_45, %iota3A : vector<16xi32>
    %mul3A_47 = arith.constant 81 : i32
    %mul3A_48 = vector.broadcast %mul3A_47 : i32 to vector<16xi32>
    %mul3A_49 = arith.muli %add3A_46, %mul3A_48 : vector<16xi32>
    %add3A_50 = arith.constant 80 : i32
    %add3A_51 = vector.broadcast %add3A_50 : i32 to vector<16xi32>
    %add3A_52 = arith.addi %mul3A_49, %add3A_51 : vector<16xi32>
    tpu.vector_store_idx %arg9[%add3A_52], %broadcast_in_dim3A_5 : memref<20736xi32, #tpu.memory_space<vmem>>[vector<16xi32>], vector<16xi32>,
    %add3A_53 = arith.constant 128 : i32
    %add3A_54 = vector.broadcast %add3A_53 : i32 to vector<16xi32>
    %add3A_55 = arith.addi %add3A_54, %iota3A : vector<16xi32>
    %mul3A_56 = arith.constant 81 : i32
    %mul3A_57 = vector.broadcast %mul3A_56 : i32 to vector<16xi32>
    %mul3A_58 = arith.muli %add3A_55, %mul3A_57 : vector<16xi32>
    %add3A_59 = arith.constant 80 : i32
    %add3A_60 = vector.broadcast %add3A_59 : i32 to vector<16xi32>
    %add3A_61 = arith.addi %mul3A_58, %add3A_60 : vector<16xi32>
    tpu.vector_store_idx %arg9[%add3A_61], %broadcast_in_dim3A_5 : memref<20736xi32, #tpu.memory_space<vmem>>[vector<16xi32>], vector<16xi32>,
    %add3A_62 = arith.constant 144 : i32
    %add3A_63 = vector.broadcast %add3A_62 : i32 to vector<16xi32>
    %add3A_64 = arith.addi %add3A_63, %iota3A : vector<16xi32>
    %mul3A_65 = arith.constant 81 : i32
    %mul3A_66 = vector.broadcast %mul3A_65 : i32 to vector<16xi32>
    %mul3A_67 = arith.muli %add3A_64, %mul3A_66 : vector<16xi32>
    %add3A_68 = arith.constant 80 : i32
    %add3A_69 = vector.broadcast %add3A_68 : i32 to vector<16xi32>
    %add3A_70 = arith.addi %mul3A_67, %add3A_69 : vector<16xi32>
    tpu.vector_store_idx %arg9[%add3A_70], %broadcast_in_dim3A_5 : memref<20736xi32, #tpu.memory_space<vmem>>[vector<16xi32>], vector<16xi32>,
    %add3A_71 = arith.constant 160 : i32
    %add3A_72 = vector.broadcast %add3A_71 : i32 to vector<16xi32>
    %add3A_73 = arith.addi %add3A_72, %iota3A : vector<16xi32>
    %mul3A_74 = arith.constant 81 : i32
    %mul3A_75 = vector.broadcast %mul3A_74 : i32 to vector<16xi32>
    %mul3A_76 = arith.muli %add3A_73, %mul3A_75 : vector<16xi32>
    %add3A_77 = arith.constant 80 : i32
    %add3A_78 = vector.broadcast %add3A_77 : i32 to vector<16xi32>
    %add3A_79 = arith.addi %mul3A_76, %add3A_78 : vector<16xi32>
    tpu.vector_store_idx %arg9[%add3A_79], %broadcast_in_dim3A_5 : memref<20736xi32, #tpu.memory_space<vmem>>[vector<16xi32>], vector<16xi32>,
    %add3A_80 = arith.constant 176 : i32
    %add3A_81 = vector.broadcast %add3A_80 : i32 to vector<16xi32>
    %add3A_82 = arith.addi %add3A_81, %iota3A : vector<16xi32>
    %mul3A_83 = arith.constant 81 : i32
    %mul3A_84 = vector.broadcast %mul3A_83 : i32 to vector<16xi32>
    %mul3A_85 = arith.muli %add3A_82, %mul3A_84 : vector<16xi32>
    %add3A_86 = arith.constant 80 : i32
    %add3A_87 = vector.broadcast %add3A_86 : i32 to vector<16xi32>
    %add3A_88 = arith.addi %mul3A_85, %add3A_87 : vector<16xi32>
    tpu.vector_store_idx %arg9[%add3A_88], %broadcast_in_dim3A_5 : memref<20736xi32, #tpu.memory_space<vmem>>[vector<16xi32>], vector<16xi32>,
    %add3A_89 = arith.constant 192 : i32
    %add3A_90 = vector.broadcast %add3A_89 : i32 to vector<16xi32>
    %add3A_91 = arith.addi %add3A_90, %iota3A : vector<16xi32>
    %mul3A_92 = arith.constant 81 : i32
    %mul3A_93 = vector.broadcast %mul3A_92 : i32 to vector<16xi32>
    %mul3A_94 = arith.muli %add3A_91, %mul3A_93 : vector<16xi32>
    %add3A_95 = arith.constant 80 : i32
    %add3A_96 = vector.broadcast %add3A_95 : i32 to vector<16xi32>
    %add3A_97 = arith.addi %mul3A_94, %add3A_96 : vector<16xi32>
    tpu.vector_store_idx %arg9[%add3A_97], %broadcast_in_dim3A_5 : memref<20736xi32, #tpu.memory_space<vmem>>[vector<16xi32>], vector<16xi32>,
    %add3A_98 = arith.constant 208 : i32
    %add3A_99 = vector.broadcast %add3A_98 : i32 to vector<16xi32>
    %add3A_100 = arith.addi %add3A_99, %iota3A : vector<16xi32>
    %mul3A_101 = arith.constant 81 : i32
    %mul3A_102 = vector.broadcast %mul3A_101 : i32 to vector<16xi32>
    %mul3A_103 = arith.muli %add3A_100, %mul3A_102 : vector<16xi32>
    %add3A_104 = arith.constant 80 : i32
    %add3A_105 = vector.broadcast %add3A_104 : i32 to vector<16xi32>
    %add3A_106 = arith.addi %mul3A_103, %add3A_105 : vector<16xi32>
    tpu.vector_store_idx %arg9[%add3A_106], %broadcast_in_dim3A_5 : memref<20736xi32, #tpu.memory_space<vmem>>[vector<16xi32>], vector<16xi32>,
    %add3A_107 = arith.constant 224 : i32
    %add3A_108 = vector.broadcast %add3A_107 : i32 to vector<16xi32>
    %add3A_109 = arith.addi %add3A_108, %iota3A : vector<16xi32>
    %mul3A_110 = arith.constant 81 : i32
    %mul3A_111 = vector.broadcast %mul3A_110 : i32 to vector<16xi32>
    %mul3A_112 = arith.muli %add3A_109, %mul3A_111 : vector<16xi32>
    %add3A_113 = arith.constant 80 : i32
    %add3A_114 = vector.broadcast %add3A_113 : i32 to vector<16xi32>
    %add3A_115 = arith.addi %mul3A_112, %add3A_114 : vector<16xi32>
    tpu.vector_store_idx %arg9[%add3A_115], %broadcast_in_dim3A_5 : memref<20736xi32, #tpu.memory_space<vmem>>[vector<16xi32>], vector<16xi32>,
    %add3A_116 = arith.constant 240 : i32
    %add3A_117 = vector.broadcast %add3A_116 : i32 to vector<16xi32>
    %add3A_118 = arith.addi %add3A_117, %iota3A : vector<16xi32>
    %mul3A_119 = arith.constant 81 : i32
    %mul3A_120 = vector.broadcast %mul3A_119 : i32 to vector<16xi32>
    %mul3A_121 = arith.muli %add3A_118, %mul3A_120 : vector<16xi32>
    %add3A_122 = arith.constant 80 : i32
    %add3A_123 = vector.broadcast %add3A_122 : i32 to vector<16xi32>
    %add3A_124 = arith.addi %mul3A_121, %add3A_123 : vector<16xi32>
    tpu.vector_store_idx %arg9[%add3A_124], %broadcast_in_dim3A_5 : memref<20736xi32, #tpu.memory_space<vmem>>[vector<16xi32>], vector<16xi32>,
    %mul3A_125 = arith.constant 2 : i32
    %mul3A_126 = arith.muli %add3A, %mul3A_125 : i32
    %add3A_127 = arith.constant 0 : i32
    %add3A_128 = arith.addi %mul3A_126, %add3A_127 : i32
    "tpu.region"() ({
      %run_scoped3A = tpu.sem_alloc : memref<!tpu.dma_semaphore, #tpu.memory_space<semaphore_mem>>
      %dma_start3A = arith.constant 0 : i32
      %dma_start3A_1999 = tpu.memref_slice %arg2[%add3A_128, %dma_start3A] : memref<64x1024xf32, #tpu.memory_space<hbm>> -> memref<1x1024xf32, #tpu.memory_space<hbm>>
      %dma_start3A_2000 = tpu.memref_squeeze %dma_start3A_1999 : memref<1x1024xf32, #tpu.memory_space<hbm>> -> memref<1024xf32, #tpu.memory_space<hbm>>
      %dma_start3A_2001 = arith.constant 0 : i32
      %dma_start3A_2002 = tpu.memref_slice %arg2[%add3A_128, %dma_start3A_2001] : memref<64x1024xf32, #tpu.memory_space<hbm>> -> memref<1x1024xf32, #tpu.memory_space<hbm>>
      %dma_start3A_2003 = tpu.memref_squeeze %dma_start3A_2002 : memref<1x1024xf32, #tpu.memory_space<hbm>> -> memref<1024xf32, #tpu.memory_space<hbm>>
      tpu.enqueue_dma source(%dma_start3A_2003 : memref<1024xf32, #tpu.memory_space<hbm>>) target(%arg10 : memref<1024xf32, #tpu.memory_space<vmem>>) target_semaphore(%run_scoped3A : memref<!tpu.dma_semaphore, #tpu.memory_space<semaphore_mem>>)
      %dma_wait3A = arith.constant 0 : i32
      %dma_wait3A_2004 = tpu.memref_slice %arg2[%add3A_128, %dma_wait3A] : memref<64x1024xf32, #tpu.memory_space<hbm>> -> memref<1x1024xf32, #tpu.memory_space<hbm>>
      %dma_wait3A_2005 = tpu.memref_squeeze %dma_wait3A_2004 : memref<1x1024xf32, #tpu.memory_space<hbm>> -> memref<1024xf32, #tpu.memory_space<hbm>>
      %dma_wait3A_2006 = arith.constant 0 : i32
      %dma_wait3A_2007 = tpu.memref_slice %arg2[%add3A_128, %dma_wait3A_2006] : memref<64x1024xf32, #tpu.memory_space<hbm>> -> memref<1x1024xf32, #tpu.memory_space<hbm>>
      %dma_wait3A_2008 = tpu.memref_squeeze %dma_wait3A_2007 : memref<1x1024xf32, #tpu.memory_space<hbm>> -> memref<1024xf32, #tpu.memory_space<hbm>>
      tpu.wait_dma2 semaphore(%run_scoped3A : memref<!tpu.dma_semaphore, #tpu.memory_space<semaphore_mem>>) src(%dma_wait3A_2008 : memref<1024xf32, #tpu.memory_space<hbm>>) dst(%arg10 : memref<1024xf32, #tpu.memory_space<vmem>>)
      tpu.yield
    }) : () -> ()
    "tpu.region"() ({
      %run_scoped3A = tpu.sem_alloc : memref<!tpu.dma_semaphore, #tpu.memory_space<semaphore_mem>>
      %dma_start3A = arith.constant 0 : i32
      %dma_start3A_1999 = tpu.memref_slice %arg3[%add3A_128, %dma_start3A] : memref<64x400xf32, #tpu.memory_space<hbm>> -> memref<1x400xf32, #tpu.memory_space<hbm>>
      %dma_start3A_2000 = tpu.memref_squeeze %dma_start3A_1999 : memref<1x400xf32, #tpu.memory_space<hbm>> -> memref<400xf32, #tpu.memory_space<hbm>>
      %dma_start3A_2001 = arith.constant 0 : i32
      %dma_start3A_2002 = tpu.memref_slice %arg3[%add3A_128, %dma_start3A_2001] : memref<64x400xf32, #tpu.memory_space<hbm>> -> memref<1x400xf32, #tpu.memory_space<hbm>>
      %dma_start3A_2003 = tpu.memref_squeeze %dma_start3A_2002 : memref<1x400xf32, #tpu.memory_space<hbm>> -> memref<400xf32, #tpu.memory_space<hbm>>
      tpu.enqueue_dma source(%dma_start3A_2003 : memref<400xf32, #tpu.memory_space<hbm>>) target(%arg11 : memref<400xf32, #tpu.memory_space<vmem>>) target_semaphore(%run_scoped3A : memref<!tpu.dma_semaphore, #tpu.memory_space<semaphore_mem>>)
      %dma_wait3A = arith.constant 0 : i32
      %dma_wait3A_2004 = tpu.memref_slice %arg3[%add3A_128, %dma_wait3A] : memref<64x400xf32, #tpu.memory_space<hbm>> -> memref<1x400xf32, #tpu.memory_space<hbm>>
      %dma_wait3A_2005 = tpu.memref_squeeze %dma_wait3A_2004 : memref<1x400xf32, #tpu.memory_space<hbm>> -> memref<400xf32, #tpu.memory_space<hbm>>
      %dma_wait3A_2006 = arith.constant 0 : i32
      %dma_wait3A_2007 = tpu.memref_slice %arg3[%add3A_128, %dma_wait3A_2006] : memref<64x400xf32, #tpu.memory_space<hbm>> -> memref<1x400xf32, #tpu.memory_space<hbm>>
      %dma_wait3A_2008 = tpu.memref_squeeze %dma_wait3A_2007 : memref<1x400xf32, #tpu.memory_space<hbm>> -> memref<400xf32, #tpu.memory_space<hbm>>
      tpu.wait_dma2 semaphore(%run_scoped3A : memref<!tpu.dma_semaphore, #tpu.memory_space<semaphore_mem>>) src(%dma_wait3A_2008 : memref<400xf32, #tpu.memory_space<hbm>>) dst(%arg11 : memref<400xf32, #tpu.memory_space<vmem>>)
      tpu.yield
    }) : () -> ()
    "tpu.region"() ({
      %run_scoped3A = tpu.sem_alloc : memref<!tpu.dma_semaphore, #tpu.memory_space<semaphore_mem>>
      %dma_start3A = arith.constant 0 : i32
      %dma_start3A_1999 = tpu.memref_slice %arg4[%add3A_128, %dma_start3A] : memref<64x104xi32, #tpu.memory_space<hbm>> -> memref<1x104xi32, #tpu.memory_space<hbm>>
      %dma_start3A_2000 = tpu.memref_squeeze %dma_start3A_1999 : memref<1x104xi32, #tpu.memory_space<hbm>> -> memref<104xi32, #tpu.memory_space<hbm>>
      %dma_start3A_2001 = arith.constant 0 : i32
      %dma_start3A_2002 = tpu.memref_slice %arg4[%add3A_128, %dma_start3A_2001] : memref<64x104xi32, #tpu.memory_space<hbm>> -> memref<1x104xi32, #tpu.memory_space<hbm>>
      %dma_start3A_2003 = tpu.memref_squeeze %dma_start3A_2002 : memref<1x104xi32, #tpu.memory_space<hbm>> -> memref<104xi32, #tpu.memory_space<hbm>>
      tpu.enqueue_dma source(%dma_start3A_2003 : memref<104xi32, #tpu.memory_space<hbm>>) target(%arg12 : memref<104xi32, #tpu.memory_space<vmem>>) target_semaphore(%run_scoped3A : memref<!tpu.dma_semaphore, #tpu.memory_space<semaphore_mem>>)
      %dma_wait3A = arith.constant 0 : i32
      %dma_wait3A_2004 = tpu.memref_slice %arg4[%add3A_128, %dma_wait3A] : memref<64x104xi32, #tpu.memory_space<hbm>> -> memref<1x104xi32, #tpu.memory_space<hbm>>
      %dma_wait3A_2005 = tpu.memref_squeeze %dma_wait3A_2004 : memref<1x104xi32, #tpu.memory_space<hbm>> -> memref<104xi32, #tpu.memory_space<hbm>>
      %dma_wait3A_2006 = arith.constant 0 : i32
      %dma_wait3A_2007 = tpu.memref_slice %arg4[%add3A_128, %dma_wait3A_2006] : memref<64x104xi32, #tpu.memory_space<hbm>> -> memref<1x104xi32, #tpu.memory_space<hbm>>
      %dma_wait3A_2008 = tpu.memref_squeeze %dma_wait3A_2007 : memref<1x104xi32, #tpu.memory_space<hbm>> -> memref<104xi32, #tpu.memory_space<hbm>>
      tpu.wait_dma2 semaphore(%run_scoped3A : memref<!tpu.dma_semaphore, #tpu.memory_space<semaphore_mem>>) src(%dma_wait3A_2008 : memref<104xi32, #tpu.memory_space<hbm>>) dst(%arg12 : memref<104xi32, #tpu.memory_space<vmem>>)
      tpu.yield
    }) : () -> ()
    "tpu.region"() ({
      %run_scoped3A = tpu.sem_alloc : memref<!tpu.dma_semaphore, #tpu.memory_space<semaphore_mem>>
      %dma_start3A = arith.constant 0 : i32
      %dma_start3A_1999 = tpu.memref_slice %arg5[%add3A_128, %dma_start3A] : memref<64x64xi32, #tpu.memory_space<hbm>> -> memref<1x64xi32, #tpu.memory_space<hbm>>
      %dma_start3A_2000 = tpu.memref_squeeze %dma_start3A_1999 : memref<1x64xi32, #tpu.memory_space<hbm>> -> memref<64xi32, #tpu.memory_space<hbm>>
      %dma_start3A_2001 = arith.constant 0 : i32
      %dma_start3A_2002 = tpu.memref_slice %arg5[%add3A_128, %dma_start3A_2001] : memref<64x64xi32, #tpu.memory_space<hbm>> -> memref<1x64xi32, #tpu.memory_space<hbm>>
      %dma_start3A_2003 = tpu.memref_squeeze %dma_start3A_2002 : memref<1x64xi32, #tpu.memory_space<hbm>> -> memref<64xi32, #tpu.memory_space<hbm>>
      tpu.enqueue_dma source(%dma_start3A_2003 : memref<64xi32, #tpu.memory_space<hbm>>) target(%arg13 : memref<64xi32, #tpu.memory_space<vmem>>) target_semaphore(%run_scoped3A : memref<!tpu.dma_semaphore, #tpu.memory_space<semaphore_mem>>)
      %dma_wait3A = arith.constant 0 : i32
      %dma_wait3A_2004 = tpu.memref_slice %arg5[%add3A_128, %dma_wait3A] : memref<64x64xi32, #tpu.memory_space<hbm>> -> memref<1x64xi32, #tpu.memory_space<hbm>>
      %dma_wait3A_2005 = tpu.memref_squeeze %dma_wait3A_2004 : memref<1x64xi32, #tpu.memory_space<hbm>> -> memref<64xi32, #tpu.memory_space<hbm>>
      %dma_wait3A_2006 = arith.constant 0 : i32
      %dma_wait3A_2007 = tpu.memref_slice %arg5[%add3A_128, %dma_wait3A_2006] : memref<64x64xi32, #tpu.memory_space<hbm>> -> memref<1x64xi32, #tpu.memory_space<hbm>>
      %dma_wait3A_2008 = tpu.memref_squeeze %dma_wait3A_2007 : memref<1x64xi32, #tpu.memory_space<hbm>> -> memref<64xi32, #tpu.memory_space<hbm>>
      tpu.wait_dma2 semaphore(%run_scoped3A : memref<!tpu.dma_semaphore, #tpu.memory_space<semaphore_mem>>) src(%dma_wait3A_2008 : memref<64xi32, #tpu.memory_space<hbm>>) dst(%arg13 : memref<64xi32, #tpu.memory_space<vmem>>)
      tpu.yield
    }) : () -> ()
    %get3A = arith.constant 0 : index
    %get3A_129 = tpu.vector_load %arg13[%get3A] {strides = array<i32>} : memref<64xi32, #tpu.memory_space<vmem>>, vector<16xi32>,
    %mul3A_130 = arith.constant 4 : i32
    %mul3A_131 = vector.broadcast %mul3A_130 : i32 to vector<16xi32>
    %mul3A_132 = arith.muli %get3A_129, %mul3A_131 : vector<16xi32>
    %gather3A = tpu.vector_load_idx %arg11[%mul3A_132] : memref<400xf32, #tpu.memory_space<vmem>>[vector<16xi32>], vector<16xf32>,
    %add3A_133 = arith.constant 1 : i32
    %add3A_134 = vector.broadcast %add3A_133 : i32 to vector<16xi32>
    %add3A_135 = arith.addi %mul3A_132, %add3A_134 : vector<16xi32>
    %gather3A_136 = tpu.vector_load_idx %arg11[%add3A_135] : memref<400xf32, #tpu.memory_space<vmem>>[vector<16xi32>], vector<16xf32>,
    %add3A_137 = arith.constant 2 : i32
    %add3A_138 = vector.broadcast %add3A_137 : i32 to vector<16xi32>
    %add3A_139 = arith.addi %mul3A_132, %add3A_138 : vector<16xi32>
    %gather3A_140 = tpu.vector_load_idx %arg11[%add3A_139] : memref<400xf32, #tpu.memory_space<vmem>>[vector<16xi32>], vector<16xf32>,
    %add3A_141 = arith.constant 3 : i32
    %add3A_142 = vector.broadcast %add3A_141 : i32 to vector<16xi32>
    %add3A_143 = arith.addi %mul3A_132, %add3A_142 : vector<16xi32>
    %gather3A_144 = tpu.vector_load_idx %arg11[%add3A_143] : memref<400xf32, #tpu.memory_space<vmem>>[vector<16xi32>], vector<16xf32>,
    %gather3A_145 = tpu.vector_load_idx %arg12[%get3A_129] : memref<104xi32, #tpu.memory_space<vmem>>[vector<16xi32>], vector<16xi32>,
    %mul3A_146 = arith.constant 4 : i32
    %mul3A_147 = vector.broadcast %mul3A_146 : i32 to vector<16xi32>
    %mul3A_148 = arith.muli %iota3A, %mul3A_147 : vector<16xi32>
    %add3A_149 = arith.constant 0 : i32
    %add3A_150 = vector.broadcast %add3A_149 : i32 to vector<16xi32>
    %add3A_151 = arith.addi %mul3A_148, %add3A_150 : vector<16xi32>
    %gather3A_152 = tpu.vector_load_idx %arg10[%add3A_151] : memref<1024xf32, #tpu.memory_space<vmem>>[vector<16xi32>], vector<16xf32>,
    %add3A_153 = arith.constant 1 : i32
    %add3A_154 = vector.broadcast %add3A_153 : i32 to vector<16xi32>
    %add3A_155 = arith.addi %add3A_151, %add3A_154 : vector<16xi32>
    %gather3A_156 = tpu.vector_load_idx %arg10[%add3A_155] : memref<1024xf32, #tpu.memory_space<vmem>>[vector<16xi32>], vector<16xf32>,
    %add3A_157 = arith.constant 2 : i32
    %add3A_158 = vector.broadcast %add3A_157 : i32 to vector<16xi32>
    %add3A_159 = arith.addi %add3A_151, %add3A_158 : vector<16xi32>
    %gather3A_160 = tpu.vector_load_idx %arg10[%add3A_159] : memref<1024xf32, #tpu.memory_space<vmem>>[vector<16xi32>], vector<16xf32>,
    %add3A_161 = arith.constant 3 : i32
    %add3A_162 = vector.broadcast %add3A_161 : i32 to vector<16xi32>
    %add3A_163 = arith.addi %add3A_151, %add3A_162 : vector<16xi32>
    %gather3A_164 = tpu.vector_load_idx %arg10[%add3A_163] : memref<1024xf32, #tpu.memory_space<vmem>>[vector<16xi32>], vector<16xf32>,
    %sub3A = arith.subf %gather3A_164, %gather3A_156 : vector<16xf32>
    %sub3A_165 = arith.subf %gather3A_160, %gather3A_152 : vector<16xf32>
    %mul3A_166 = arith.constant 5.000000e-01 : f32
    %mul3A_167 = vector.broadcast %mul3A_166 : f32 to vector<16xf32>
    %mul3A_168 = arith.mulf %mul3A_167, %sub3A : vector<16xf32>
    %add3A_169 = arith.addf %gather3A_156, %mul3A_168 : vector<16xf32>
    %mul3A_170 = arith.constant 5.000000e-01 : f32
    %mul3A_171 = vector.broadcast %mul3A_170 : f32 to vector<16xf32>
    %mul3A_172 = arith.mulf %mul3A_171, %sub3A_165 : vector<16xf32>
    %add3A_173 = arith.addf %gather3A_152, %mul3A_172 : vector<16xf32>
    %sub3A_174 = arith.subf %gather3A_144, %gather3A_136 : vector<16xf32>
    %sub3A_175 = arith.subf %gather3A_140, %gather3A : vector<16xf32>
    %mul3A_176 = arith.constant 5.000000e-01 : f32
    %mul3A_177 = vector.broadcast %mul3A_176 : f32 to vector<16xf32>
    %mul3A_178 = arith.mulf %mul3A_177, %sub3A_174 : vector<16xf32>
    %add3A_179 = arith.addf %gather3A_136, %mul3A_178 : vector<16xf32>
    %mul3A_180 = arith.constant 5.000000e-01 : f32
    %mul3A_181 = vector.broadcast %mul3A_180 : f32 to vector<16xf32>
    %mul3A_182 = arith.mulf %mul3A_181, %sub3A_175 : vector<16xf32>
    %add3A_183 = arith.addf %gather3A, %mul3A_182 : vector<16xf32>
    %eq3A = arith.constant 0.000000e+00 : f32
    %eq3A_184 = vector.broadcast %eq3A : f32 to vector<16xf32>
    %eq3A_185 = arith.cmpf oeq, %sub3A, %eq3A_184 : vector<16xf32>
    %jit3A = arith.constant 1.000000e-03 : f32
    %broadcast_in_dim3A_186 = vector.broadcast %jit3A : f32 to vector<16xf32>
    %select_n3A = arith.select %eq3A_185, %broadcast_in_dim3A_186, %sub3A : vector<16xi1>, vector<16xf32>
    %eq3A_187 = arith.constant 0.000000e+00 : f32
    %eq3A_188 = vector.broadcast %eq3A_187 : f32 to vector<16xf32>
    %eq3A_189 = arith.cmpf oeq, %sub3A_165, %eq3A_188 : vector<16xf32>
    %jit3A_190 = arith.constant 1.000000e-03 : f32
    %broadcast_in_dim3A_191 = vector.broadcast %jit3A_190 : f32 to vector<16xf32>
    %select_n3A_192 = arith.select %eq3A_189, %broadcast_in_dim3A_191, %sub3A_165 : vector<16xi1>, vector<16xf32>
    %eq3A_193 = arith.constant 0.000000e+00 : f32
    %eq3A_194 = vector.broadcast %eq3A_193 : f32 to vector<16xf32>
    %eq3A_195 = arith.cmpf oeq, %sub3A_174, %eq3A_194 : vector<16xf32>
    %eq3A_196 = arith.constant 0.000000e+00 : f32
    %eq3A_197 = vector.broadcast %eq3A_196 : f32 to vector<16xf32>
    %eq3A_198 = arith.cmpf oeq, %sub3A_175, %eq3A_197 : vector<16xf32>
    %sub3A_199 = arith.subf %add3A_179, %add3A_169 : vector<16xf32>
    %div3A = arith.divf %sub3A_199, %select_n3A : vector<16xf32>
    %jit3A_200 = arith.constant 0.000000e+00 : f32
    %broadcast_in_dim3A_201 = vector.broadcast %jit3A_200 : f32 to vector<16xf32>
    %select_n3A_202 = arith.select %eq3A_195, %broadcast_in_dim3A_201, %div3A : vector<16xi1>, vector<16xf32>
    %sub3A_203 = arith.subf %add3A_183, %add3A_173 : vector<16xf32>
    %div3A_204 = arith.divf %sub3A_203, %select_n3A_192 : vector<16xf32>
    %jit3A_205 = arith.constant 0.000000e+00 : f32
    %broadcast_in_dim3A_206 = vector.broadcast %jit3A_205 : f32 to vector<16xf32>
    %select_n3A_207 = arith.select %eq3A_198, %broadcast_in_dim3A_206, %div3A_204 : vector<16xi1>, vector<16xf32>
    %div3A_208 = arith.divf %sub3A_174, %select_n3A : vector<16xf32>
    %bitcast_convert_type3A = tpu.bitcast %div3A_208 : vector<16xf32> -> vector<16xi32>
    %shift_right_arithmetic3A = arith.constant 23 : i32
    %shift_right_arithmetic3A_209 = vector.broadcast %shift_right_arithmetic3A : i32 to vector<16xi32>
    %shift_right_arithmetic3A_210 = arith.shrsi %bitcast_convert_type3A, %shift_right_arithmetic3A_209 : vector<16xi32>
    %sub3A_211 = arith.constant 127 : i32
    %sub3A_212 = vector.broadcast %sub3A_211 : i32 to vector<16xi32>
    %sub3A_213 = arith.subi %shift_right_arithmetic3A_210, %sub3A_212 : vector<16xi32>
    %and3A = arith.constant 8388607 : i32
    %and3A_214 = vector.broadcast %and3A : i32 to vector<16xi32>
    %and3A_215 = arith.andi %bitcast_convert_type3A, %and3A_214 : vector<16xi32>
    %or3A = arith.constant 1065353216 : i32
    %or3A_216 = vector.broadcast %or3A : i32 to vector<16xi32>
    %or3A_217 = arith.ori %and3A_215, %or3A_216 : vector<16xi32>
    %bitcast_convert_type3A_218 = tpu.bitcast %or3A_217 : vector<16xi32> -> vector<16xf32>
    %gt3A = arith.constant 1.41421354 : f32
    %gt3A_219 = vector.broadcast %gt3A : f32 to vector<16xf32>
    %gt3A_220 = arith.cmpf ogt, %bitcast_convert_type3A_218, %gt3A_219 : vector<16xf32>
    %mul3A_221 = arith.constant 5.000000e-01 : f32
    %mul3A_222 = vector.broadcast %mul3A_221 : f32 to vector<16xf32>
    %mul3A_223 = arith.mulf %bitcast_convert_type3A_218, %mul3A_222 : vector<16xf32>
    %select_n3A_224 = arith.select %gt3A_220, %mul3A_223, %bitcast_convert_type3A_218 : vector<16xi1>, vector<16xf32>
    %convert_element_type3A = arith.extui %gt3A_220 : vector<16xi1> to vector<16xi32>
    %add3A_225 = arith.addi %sub3A_213, %convert_element_type3A : vector<16xi32>
    %sub3A_226 = arith.constant 1.000000e+00 : f32
    %sub3A_227 = vector.broadcast %sub3A_226 : f32 to vector<16xf32>
    %sub3A_228 = arith.subf %select_n3A_224, %sub3A_227 : vector<16xf32>
    %add3A_229 = arith.constant 1.000000e+00 : f32
    %add3A_230 = vector.broadcast %add3A_229 : f32 to vector<16xf32>
    %add3A_231 = arith.addf %select_n3A_224, %add3A_230 : vector<16xf32>
    %div3A_232 = arith.divf %sub3A_228, %add3A_231 : vector<16xf32>
    %mul3A_233 = arith.mulf %div3A_232, %div3A_232 : vector<16xf32>
    %mul3A_234 = arith.constant 2.000000e+00 : f32
    %mul3A_235 = vector.broadcast %mul3A_234 : f32 to vector<16xf32>
    %mul3A_236 = arith.mulf %mul3A_235, %div3A_232 : vector<16xf32>
    %mul3A_237 = arith.constant 0.142857149 : f32
    %mul3A_238 = vector.broadcast %mul3A_237 : f32 to vector<16xf32>
    %mul3A_239 = arith.mulf %mul3A_233, %mul3A_238 : vector<16xf32>
    %add3A_240 = arith.constant 2.000000e-01 : f32
    %add3A_241 = vector.broadcast %add3A_240 : f32 to vector<16xf32>
    %add3A_242 = arith.addf %add3A_241, %mul3A_239 : vector<16xf32>
    %mul3A_243 = arith.mulf %mul3A_233, %add3A_242 : vector<16xf32>
    %add3A_244 = arith.constant 0.333333343 : f32
    %add3A_245 = vector.broadcast %add3A_244 : f32 to vector<16xf32>
    %add3A_246 = arith.addf %add3A_245, %mul3A_243 : vector<16xf32>
    %mul3A_247 = arith.mulf %mul3A_233, %add3A_246 : vector<16xf32>
    %add3A_248 = arith.constant 1.000000e+00 : f32
    %add3A_249 = vector.broadcast %add3A_248 : f32 to vector<16xf32>
    %add3A_250 = arith.addf %add3A_249, %mul3A_247 : vector<16xf32>
    %mul3A_251 = arith.mulf %mul3A_236, %add3A_250 : vector<16xf32>
    %convert_element_type3A_252 = arith.sitofp %add3A_225 : vector<16xi32> to vector<16xf32>
    %mul3A_253 = arith.constant 0.693147182 : f32
    %mul3A_254 = vector.broadcast %mul3A_253 : f32 to vector<16xf32>
    %mul3A_255 = arith.mulf %convert_element_type3A_252, %mul3A_254 : vector<16xf32>
    %add3A_256 = arith.addf %mul3A_255, %mul3A_251 : vector<16xf32>
    %jit3A_257 = arith.constant 0.000000e+00 : f32
    %broadcast_in_dim3A_258 = vector.broadcast %jit3A_257 : f32 to vector<16xf32>
    %select_n3A_259 = arith.select %eq3A_195, %broadcast_in_dim3A_258, %add3A_256 : vector<16xi1>, vector<16xf32>
    %div3A_260 = arith.divf %sub3A_175, %select_n3A_192 : vector<16xf32>
    %bitcast_convert_type3A_261 = tpu.bitcast %div3A_260 : vector<16xf32> -> vector<16xi32>
    %shift_right_arithmetic3A_262 = arith.constant 23 : i32
    %shift_right_arithmetic3A_263 = vector.broadcast %shift_right_arithmetic3A_262 : i32 to vector<16xi32>
    %shift_right_arithmetic3A_264 = arith.shrsi %bitcast_convert_type3A_261, %shift_right_arithmetic3A_263 : vector<16xi32>
    %sub3A_265 = arith.constant 127 : i32
    %sub3A_266 = vector.broadcast %sub3A_265 : i32 to vector<16xi32>
    %sub3A_267 = arith.subi %shift_right_arithmetic3A_264, %sub3A_266 : vector<16xi32>
    %and3A_268 = arith.constant 8388607 : i32
    %and3A_269 = vector.broadcast %and3A_268 : i32 to vector<16xi32>
    %and3A_270 = arith.andi %bitcast_convert_type3A_261, %and3A_269 : vector<16xi32>
    %or3A_271 = arith.constant 1065353216 : i32
    %or3A_272 = vector.broadcast %or3A_271 : i32 to vector<16xi32>
    %or3A_273 = arith.ori %and3A_270, %or3A_272 : vector<16xi32>
    %bitcast_convert_type3A_274 = tpu.bitcast %or3A_273 : vector<16xi32> -> vector<16xf32>
    %gt3A_275 = arith.constant 1.41421354 : f32
    %gt3A_276 = vector.broadcast %gt3A_275 : f32 to vector<16xf32>
    %gt3A_277 = arith.cmpf ogt, %bitcast_convert_type3A_274, %gt3A_276 : vector<16xf32>
    %mul3A_278 = arith.constant 5.000000e-01 : f32
    %mul3A_279 = vector.broadcast %mul3A_278 : f32 to vector<16xf32>
    %mul3A_280 = arith.mulf %bitcast_convert_type3A_274, %mul3A_279 : vector<16xf32>
    %select_n3A_281 = arith.select %gt3A_277, %mul3A_280, %bitcast_convert_type3A_274 : vector<16xi1>, vector<16xf32>
    %convert_element_type3A_282 = arith.extui %gt3A_277 : vector<16xi1> to vector<16xi32>
    %add3A_283 = arith.addi %sub3A_267, %convert_element_type3A_282 : vector<16xi32>
    %sub3A_284 = arith.constant 1.000000e+00 : f32
    %sub3A_285 = vector.broadcast %sub3A_284 : f32 to vector<16xf32>
    %sub3A_286 = arith.subf %select_n3A_281, %sub3A_285 : vector<16xf32>
    %add3A_287 = arith.constant 1.000000e+00 : f32
    %add3A_288 = vector.broadcast %add3A_287 : f32 to vector<16xf32>
    %add3A_289 = arith.addf %select_n3A_281, %add3A_288 : vector<16xf32>
    %div3A_290 = arith.divf %sub3A_286, %add3A_289 : vector<16xf32>
    %mul3A_291 = arith.mulf %div3A_290, %div3A_290 : vector<16xf32>
    %mul3A_292 = arith.constant 2.000000e+00 : f32
    %mul3A_293 = vector.broadcast %mul3A_292 : f32 to vector<16xf32>
    %mul3A_294 = arith.mulf %mul3A_293, %div3A_290 : vector<16xf32>
    %mul3A_295 = arith.constant 0.142857149 : f32
    %mul3A_296 = vector.broadcast %mul3A_295 : f32 to vector<16xf32>
    %mul3A_297 = arith.mulf %mul3A_291, %mul3A_296 : vector<16xf32>
    %add3A_298 = arith.constant 2.000000e-01 : f32
    %add3A_299 = vector.broadcast %add3A_298 : f32 to vector<16xf32>
    %add3A_300 = arith.addf %add3A_299, %mul3A_297 : vector<16xf32>
    %mul3A_301 = arith.mulf %mul3A_291, %add3A_300 : vector<16xf32>
    %add3A_302 = arith.constant 0.333333343 : f32
    %add3A_303 = vector.broadcast %add3A_302 : f32 to vector<16xf32>
    %add3A_304 = arith.addf %add3A_303, %mul3A_301 : vector<16xf32>
    %mul3A_305 = arith.mulf %mul3A_291, %add3A_304 : vector<16xf32>
    %add3A_306 = arith.constant 1.000000e+00 : f32
    %add3A_307 = vector.broadcast %add3A_306 : f32 to vector<16xf32>
    %add3A_308 = arith.addf %add3A_307, %mul3A_305 : vector<16xf32>
    %mul3A_309 = arith.mulf %mul3A_294, %add3A_308 : vector<16xf32>
    %convert_element_type3A_310 = arith.sitofp %add3A_283 : vector<16xi32> to vector<16xf32>
    %mul3A_311 = arith.constant 0.693147182 : f32
    %mul3A_312 = vector.broadcast %mul3A_311 : f32 to vector<16xf32>
    %mul3A_313 = arith.mulf %convert_element_type3A_310, %mul3A_312 : vector<16xf32>
    %add3A_314 = arith.addf %mul3A_313, %mul3A_309 : vector<16xf32>
    %jit3A_315 = arith.constant 0.000000e+00 : f32
    %broadcast_in_dim3A_316 = vector.broadcast %jit3A_315 : f32 to vector<16xf32>
    %select_n3A_317 = arith.select %eq3A_198, %broadcast_in_dim3A_316, %add3A_314 : vector<16xi1>, vector<16xf32>
    %add3A_318 = arith.constant 0 : i32
    %add3A_319 = vector.broadcast %add3A_318 : i32 to vector<16xi32>
    %add3A_320 = arith.addi %add3A_319, %iota3A : vector<16xi32>
    %mul3A_321 = arith.constant 324 : i32
    %mul3A_322 = vector.broadcast %mul3A_321 : i32 to vector<16xi32>
    %mul3A_323 = arith.muli %add3A_320, %mul3A_322 : vector<16xi32>
    %mul3A_324 = arith.constant 4 : i32
    %mul3A_325 = vector.broadcast %mul3A_324 : i32 to vector<16xi32>
    %mul3A_326 = arith.muli %gather3A_145, %mul3A_325 : vector<16xi32>
    %add3A_327 = arith.addi %mul3A_323, %mul3A_326 : vector<16xi32>
    %mul3A_328 = arith.constant 81 : i32
    %mul3A_329 = vector.broadcast %mul3A_328 : i32 to vector<16xi32>
    %mul3A_330 = arith.muli %add3A_320, %mul3A_329 : vector<16xi32>
    %add3A_331 = arith.addi %mul3A_330, %gather3A_145 : vector<16xi32>
    tpu.vector_store_idx %arg8[%add3A_327], %select_n3A_207 : memref<82944xf32, #tpu.memory_space<vmem>>[vector<16xi32>], vector<16xf32>,
    %add3A_332 = arith.constant 1 : i32
    %add3A_333 = vector.broadcast %add3A_332 : i32 to vector<16xi32>
    %add3A_334 = arith.addi %add3A_327, %add3A_333 : vector<16xi32>
    tpu.vector_store_idx %arg8[%add3A_334], %select_n3A_202 : memref<82944xf32, #tpu.memory_space<vmem>>[vector<16xi32>], vector<16xf32>,
    %add3A_335 = arith.constant 2 : i32
    %add3A_336 = vector.broadcast %add3A_335 : i32 to vector<16xi32>
    %add3A_337 = arith.addi %add3A_327, %add3A_336 : vector<16xi32>
    tpu.vector_store_idx %arg8[%add3A_337], %select_n3A_317 : memref<82944xf32, #tpu.memory_space<vmem>>[vector<16xi32>], vector<16xf32>,
    %add3A_338 = arith.constant 3 : i32
    %add3A_339 = vector.broadcast %add3A_338 : i32 to vector<16xi32>
    %add3A_340 = arith.addi %add3A_327, %add3A_339 : vector<16xi32>
    tpu.vector_store_idx %arg8[%add3A_340], %select_n3A_259 : memref<82944xf32, #tpu.memory_space<vmem>>[vector<16xi32>], vector<16xf32>,
    tpu.vector_store_idx %arg9[%add3A_331], %broadcast_in_dim3A_5 : memref<20736xi32, #tpu.memory_space<vmem>>[vector<16xi32>], vector<16xi32>,
    %swap3A = arith.constant 0 : index
    %swap3A_341 = tpu.vector_load %arg14[%swap3A] {strides = array<i32>} : memref<128xi32, #tpu.memory_space<vmem>>, vector<16xi32>,
    tpu.vector_store %arg14[%swap3A], %add3A_327 {strides = array<i32>} : memref<128xi32, #tpu.memory_space<vmem>>, vector<16xi32>,
    %swap3A_342 = arith.constant 64 : index
    %swap3A_343 = tpu.vector_load %arg14[%swap3A_342] {strides = array<i32>} : memref<128xi32, #tpu.memory_space<vmem>>, vector<16xi32>,
    tpu.vector_store %arg14[%swap3A_342], %add3A_331 {strides = array<i32>} : memref<128xi32, #tpu.memory_space<vmem>>, vector<16xi32>,
    %get3A_344 = arith.constant 16 : index
    %get3A_345 = tpu.vector_load %arg13[%get3A_344] {strides = array<i32>} : memref<64xi32, #tpu.memory_space<vmem>>, vector<16xi32>,
    %mul3A_346 = arith.constant 4 : i32
    %mul3A_347 = vector.broadcast %mul3A_346 : i32 to vector<16xi32>
    %mul3A_348 = arith.muli %get3A_345, %mul3A_347 : vector<16xi32>
    %gather3A_349 = tpu.vector_load_idx %arg11[%mul3A_348] : memref<400xf32, #tpu.memory_space<vmem>>[vector<16xi32>], vector<16xf32>,
    %add3A_350 = arith.constant 1 : i32
    %add3A_351 = vector.broadcast %add3A_350 : i32 to vector<16xi32>
    %add3A_352 = arith.addi %mul3A_348, %add3A_351 : vector<16xi32>
    %gather3A_353 = tpu.vector_load_idx %arg11[%add3A_352] : memref<400xf32, #tpu.memory_space<vmem>>[vector<16xi32>], vector<16xf32>,
    %add3A_354 = arith.constant 2 : i32
    %add3A_355 = vector.broadcast %add3A_354 : i32 to vector<16xi32>
    %add3A_356 = arith.addi %mul3A_348, %add3A_355 : vector<16xi32>
    %gather3A_357 = tpu.vector_load_idx %arg11[%add3A_356] : memref<400xf32, #tpu.memory_space<vmem>>[vector<16xi32>], vector<16xf32>,
    %add3A_358 = arith.constant 3 : i32
    %add3A_359 = vector.broadcast %add3A_358 : i32 to vector<16xi32>
    %add3A_360 = arith.addi %mul3A_348, %add3A_359 : vector<16xi32>
    %gather3A_361 = tpu.vector_load_idx %arg11[%add3A_360] : memref<400xf32, #tpu.memory_space<vmem>>[vector<16xi32>], vector<16xf32>,
    %gather3A_362 = tpu.vector_load_idx %arg12[%get3A_345] : memref<104xi32, #tpu.memory_space<vmem>>[vector<16xi32>], vector<16xi32>,
    %mul3A_363 = arith.constant 4 : i32
    %mul3A_364 = vector.broadcast %mul3A_363 : i32 to vector<16xi32>
    %mul3A_365 = arith.muli %iota3A, %mul3A_364 : vector<16xi32>
    %add3A_366 = arith.constant 64 : i32
    %add3A_367 = vector.broadcast %add3A_366 : i32 to vector<16xi32>
    %add3A_368 = arith.addi %mul3A_365, %add3A_367 : vector<16xi32>
    %gather3A_369 = tpu.vector_load_idx %arg10[%add3A_368] : memref<1024xf32, #tpu.memory_space<vmem>>[vector<16xi32>], vector<16xf32>,
    %add3A_370 = arith.constant 1 : i32
    %add3A_371 = vector.broadcast %add3A_370 : i32 to vector<16xi32>
    %add3A_372 = arith.addi %add3A_368, %add3A_371 : vector<16xi32>
    %gather3A_373 = tpu.vector_load_idx %arg10[%add3A_372] : memref<1024xf32, #tpu.memory_space<vmem>>[vector<16xi32>], vector<16xf32>,
    %add3A_374 = arith.constant 2 : i32
    %add3A_375 = vector.broadcast %add3A_374 : i32 to vector<16xi32>
    %add3A_376 = arith.addi %add3A_368, %add3A_375 : vector<16xi32>
    %gather3A_377 = tpu.vector_load_idx %arg10[%add3A_376] : memref<1024xf32, #tpu.memory_space<vmem>>[vector<16xi32>], vector<16xf32>,
    %add3A_378 = arith.constant 3 : i32
    %add3A_379 = vector.broadcast %add3A_378 : i32 to vector<16xi32>
    %add3A_380 = arith.addi %add3A_368, %add3A_379 : vector<16xi32>
    %gather3A_381 = tpu.vector_load_idx %arg10[%add3A_380] : memref<1024xf32, #tpu.memory_space<vmem>>[vector<16xi32>], vector<16xf32>,
    %sub3A_382 = arith.subf %gather3A_381, %gather3A_373 : vector<16xf32>
    %sub3A_383 = arith.subf %gather3A_377, %gather3A_369 : vector<16xf32>
    %mul3A_384 = arith.constant 5.000000e-01 : f32
    %mul3A_385 = vector.broadcast %mul3A_384 : f32 to vector<16xf32>
    %mul3A_386 = arith.mulf %mul3A_385, %sub3A_382 : vector<16xf32>
    %add3A_387 = arith.addf %gather3A_373, %mul3A_386 : vector<16xf32>
    %mul3A_388 = arith.constant 5.000000e-01 : f32
    %mul3A_389 = vector.broadcast %mul3A_388 : f32 to vector<16xf32>
    %mul3A_390 = arith.mulf %mul3A_389, %sub3A_383 : vector<16xf32>
    %add3A_391 = arith.addf %gather3A_369, %mul3A_390 : vector<16xf32>
    %sub3A_392 = arith.subf %gather3A_361, %gather3A_353 : vector<16xf32>
    %sub3A_393 = arith.subf %gather3A_357, %gather3A_349 : vector<16xf32>
    %mul3A_394 = arith.constant 5.000000e-01 : f32
    %mul3A_395 = vector.broadcast %mul3A_394 : f32 to vector<16xf32>
    %mul3A_396 = arith.mulf %mul3A_395, %sub3A_392 : vector<16xf32>
    %add3A_397 = arith.addf %gather3A_353, %mul3A_396 : vector<16xf32>
    %mul3A_398 = arith.constant 5.000000e-01 : f32
    %mul3A_399 = vector.broadcast %mul3A_398 : f32 to vector<16xf32>
    %mul3A_400 = arith.mulf %mul3A_399, %sub3A_393 : vector<16xf32>
    %add3A_401 = arith.addf %gather3A_349, %mul3A_400 : vector<16xf32>
    %eq3A_402 = arith.constant 0.000000e+00 : f32
    %eq3A_403 = vector.broadcast %eq3A_402 : f32 to vector<16xf32>
    %eq3A_404 = arith.cmpf oeq, %sub3A_382, %eq3A_403 : vector<16xf32>
    %jit3A_405 = arith.constant 1.000000e-03 : f32
    %broadcast_in_dim3A_406 = vector.broadcast %jit3A_405 : f32 to vector<16xf32>
    %select_n3A_407 = arith.select %eq3A_404, %broadcast_in_dim3A_406, %sub3A_382 : vector<16xi1>, vector<16xf32>
    %eq3A_408 = arith.constant 0.000000e+00 : f32
    %eq3A_409 = vector.broadcast %eq3A_408 : f32 to vector<16xf32>
    %eq3A_410 = arith.cmpf oeq, %sub3A_383, %eq3A_409 : vector<16xf32>
    %jit3A_411 = arith.constant 1.000000e-03 : f32
    %broadcast_in_dim3A_412 = vector.broadcast %jit3A_411 : f32 to vector<16xf32>
    %select_n3A_413 = arith.select %eq3A_410, %broadcast_in_dim3A_412, %sub3A_383 : vector<16xi1>, vector<16xf32>
    %eq3A_414 = arith.constant 0.000000e+00 : f32
    %eq3A_415 = vector.broadcast %eq3A_414 : f32 to vector<16xf32>
    %eq3A_416 = arith.cmpf oeq, %sub3A_392, %eq3A_415 : vector<16xf32>
    %eq3A_417 = arith.constant 0.000000e+00 : f32
    %eq3A_418 = vector.broadcast %eq3A_417 : f32 to vector<16xf32>
    %eq3A_419 = arith.cmpf oeq, %sub3A_393, %eq3A_418 : vector<16xf32>
    %sub3A_420 = arith.subf %add3A_397, %add3A_387 : vector<16xf32>
    %div3A_421 = arith.divf %sub3A_420, %select_n3A_407 : vector<16xf32>
    %jit3A_422 = arith.constant 0.000000e+00 : f32
    %broadcast_in_dim3A_423 = vector.broadcast %jit3A_422 : f32 to vector<16xf32>
    %select_n3A_424 = arith.select %eq3A_416, %broadcast_in_dim3A_423, %div3A_421 : vector<16xi1>, vector<16xf32>
    %sub3A_425 = arith.subf %add3A_401, %add3A_391 : vector<16xf32>
    %div3A_426 = arith.divf %sub3A_425, %select_n3A_413 : vector<16xf32>
    %jit3A_427 = arith.constant 0.000000e+00 : f32
    %broadcast_in_dim3A_428 = vector.broadcast %jit3A_427 : f32 to vector<16xf32>
    %select_n3A_429 = arith.select %eq3A_419, %broadcast_in_dim3A_428, %div3A_426 : vector<16xi1>, vector<16xf32>
    %div3A_430 = arith.divf %sub3A_392, %select_n3A_407 : vector<16xf32>
    %bitcast_convert_type3A_431 = tpu.bitcast %div3A_430 : vector<16xf32> -> vector<16xi32>
    %shift_right_arithmetic3A_432 = arith.constant 23 : i32
    %shift_right_arithmetic3A_433 = vector.broadcast %shift_right_arithmetic3A_432 : i32 to vector<16xi32>
    %shift_right_arithmetic3A_434 = arith.shrsi %bitcast_convert_type3A_431, %shift_right_arithmetic3A_433 : vector<16xi32>
    %sub3A_435 = arith.constant 127 : i32
    %sub3A_436 = vector.broadcast %sub3A_435 : i32 to vector<16xi32>
    %sub3A_437 = arith.subi %shift_right_arithmetic3A_434, %sub3A_436 : vector<16xi32>
    %and3A_438 = arith.constant 8388607 : i32
    %and3A_439 = vector.broadcast %and3A_438 : i32 to vector<16xi32>
    %and3A_440 = arith.andi %bitcast_convert_type3A_431, %and3A_439 : vector<16xi32>
    %or3A_441 = arith.constant 1065353216 : i32
    %or3A_442 = vector.broadcast %or3A_441 : i32 to vector<16xi32>
    %or3A_443 = arith.ori %and3A_440, %or3A_442 : vector<16xi32>
    %bitcast_convert_type3A_444 = tpu.bitcast %or3A_443 : vector<16xi32> -> vector<16xf32>
    %gt3A_445 = arith.constant 1.41421354 : f32
    %gt3A_446 = vector.broadcast %gt3A_445 : f32 to vector<16xf32>
    %gt3A_447 = arith.cmpf ogt, %bitcast_convert_type3A_444, %gt3A_446 : vector<16xf32>
    %mul3A_448 = arith.constant 5.000000e-01 : f32
    %mul3A_449 = vector.broadcast %mul3A_448 : f32 to vector<16xf32>
    %mul3A_450 = arith.mulf %bitcast_convert_type3A_444, %mul3A_449 : vector<16xf32>
    %select_n3A_451 = arith.select %gt3A_447, %mul3A_450, %bitcast_convert_type3A_444 : vector<16xi1>, vector<16xf32>
    %convert_element_type3A_452 = arith.extui %gt3A_447 : vector<16xi1> to vector<16xi32>
    %add3A_453 = arith.addi %sub3A_437, %convert_element_type3A_452 : vector<16xi32>
    %sub3A_454 = arith.constant 1.000000e+00 : f32
    %sub3A_455 = vector.broadcast %sub3A_454 : f32 to vector<16xf32>
    %sub3A_456 = arith.subf %select_n3A_451, %sub3A_455 : vector<16xf32>
    %add3A_457 = arith.constant 1.000000e+00 : f32
    %add3A_458 = vector.broadcast %add3A_457 : f32 to vector<16xf32>
    %add3A_459 = arith.addf %select_n3A_451, %add3A_458 : vector<16xf32>
    %div3A_460 = arith.divf %sub3A_456, %add3A_459 : vector<16xf32>
    %mul3A_461 = arith.mulf %div3A_460, %div3A_460 : vector<16xf32>
    %mul3A_462 = arith.constant 2.000000e+00 : f32
    %mul3A_463 = vector.broadcast %mul3A_462 : f32 to vector<16xf32>
    %mul3A_464 = arith.mulf %mul3A_463, %div3A_460 : vector<16xf32>
    %mul3A_465 = arith.constant 0.142857149 : f32
    %mul3A_466 = vector.broadcast %mul3A_465 : f32 to vector<16xf32>
    %mul3A_467 = arith.mulf %mul3A_461, %mul3A_466 : vector<16xf32>
    %add3A_468 = arith.constant 2.000000e-01 : f32
    %add3A_469 = vector.broadcast %add3A_468 : f32 to vector<16xf32>
    %add3A_470 = arith.addf %add3A_469, %mul3A_467 : vector<16xf32>
    %mul3A_471 = arith.mulf %mul3A_461, %add3A_470 : vector<16xf32>
    %add3A_472 = arith.constant 0.333333343 : f32
    %add3A_473 = vector.broadcast %add3A_472 : f32 to vector<16xf32>
    %add3A_474 = arith.addf %add3A_473, %mul3A_471 : vector<16xf32>
    %mul3A_475 = arith.mulf %mul3A_461, %add3A_474 : vector<16xf32>
    %add3A_476 = arith.constant 1.000000e+00 : f32
    %add3A_477 = vector.broadcast %add3A_476 : f32 to vector<16xf32>
    %add3A_478 = arith.addf %add3A_477, %mul3A_475 : vector<16xf32>
    %mul3A_479 = arith.mulf %mul3A_464, %add3A_478 : vector<16xf32>
    %convert_element_type3A_480 = arith.sitofp %add3A_453 : vector<16xi32> to vector<16xf32>
    %mul3A_481 = arith.constant 0.693147182 : f32
    %mul3A_482 = vector.broadcast %mul3A_481 : f32 to vector<16xf32>
    %mul3A_483 = arith.mulf %convert_element_type3A_480, %mul3A_482 : vector<16xf32>
    %add3A_484 = arith.addf %mul3A_483, %mul3A_479 : vector<16xf32>
    %jit3A_485 = arith.constant 0.000000e+00 : f32
    %broadcast_in_dim3A_486 = vector.broadcast %jit3A_485 : f32 to vector<16xf32>
    %select_n3A_487 = arith.select %eq3A_416, %broadcast_in_dim3A_486, %add3A_484 : vector<16xi1>, vector<16xf32>
    %div3A_488 = arith.divf %sub3A_393, %select_n3A_413 : vector<16xf32>
    %bitcast_convert_type3A_489 = tpu.bitcast %div3A_488 : vector<16xf32> -> vector<16xi32>
    %shift_right_arithmetic3A_490 = arith.constant 23 : i32
    %shift_right_arithmetic3A_491 = vector.broadcast %shift_right_arithmetic3A_490 : i32 to vector<16xi32>
    %shift_right_arithmetic3A_492 = arith.shrsi %bitcast_convert_type3A_489, %shift_right_arithmetic3A_491 : vector<16xi32>
    %sub3A_493 = arith.constant 127 : i32
    %sub3A_494 = vector.broadcast %sub3A_493 : i32 to vector<16xi32>
    %sub3A_495 = arith.subi %shift_right_arithmetic3A_492, %sub3A_494 : vector<16xi32>
    %and3A_496 = arith.constant 8388607 : i32
    %and3A_497 = vector.broadcast %and3A_496 : i32 to vector<16xi32>
    %and3A_498 = arith.andi %bitcast_convert_type3A_489, %and3A_497 : vector<16xi32>
    %or3A_499 = arith.constant 1065353216 : i32
    %or3A_500 = vector.broadcast %or3A_499 : i32 to vector<16xi32>
    %or3A_501 = arith.ori %and3A_498, %or3A_500 : vector<16xi32>
    %bitcast_convert_type3A_502 = tpu.bitcast %or3A_501 : vector<16xi32> -> vector<16xf32>
    %gt3A_503 = arith.constant 1.41421354 : f32
    %gt3A_504 = vector.broadcast %gt3A_503 : f32 to vector<16xf32>
    %gt3A_505 = arith.cmpf ogt, %bitcast_convert_type3A_502, %gt3A_504 : vector<16xf32>
    %mul3A_506 = arith.constant 5.000000e-01 : f32
    %mul3A_507 = vector.broadcast %mul3A_506 : f32 to vector<16xf32>
    %mul3A_508 = arith.mulf %bitcast_convert_type3A_502, %mul3A_507 : vector<16xf32>
    %select_n3A_509 = arith.select %gt3A_505, %mul3A_508, %bitcast_convert_type3A_502 : vector<16xi1>, vector<16xf32>
    %convert_element_type3A_510 = arith.extui %gt3A_505 : vector<16xi1> to vector<16xi32>
    %add3A_511 = arith.addi %sub3A_495, %convert_element_type3A_510 : vector<16xi32>
    %sub3A_512 = arith.constant 1.000000e+00 : f32
    %sub3A_513 = vector.broadcast %sub3A_512 : f32 to vector<16xf32>
    %sub3A_514 = arith.subf %select_n3A_509, %sub3A_513 : vector<16xf32>
    %add3A_515 = arith.constant 1.000000e+00 : f32
    %add3A_516 = vector.broadcast %add3A_515 : f32 to vector<16xf32>
    %add3A_517 = arith.addf %select_n3A_509, %add3A_516 : vector<16xf32>
    %div3A_518 = arith.divf %sub3A_514, %add3A_517 : vector<16xf32>
    %mul3A_519 = arith.mulf %div3A_518, %div3A_518 : vector<16xf32>
    %mul3A_520 = arith.constant 2.000000e+00 : f32
    %mul3A_521 = vector.broadcast %mul3A_520 : f32 to vector<16xf32>
    %mul3A_522 = arith.mulf %mul3A_521, %div3A_518 : vector<16xf32>
    %mul3A_523 = arith.constant 0.142857149 : f32
    %mul3A_524 = vector.broadcast %mul3A_523 : f32 to vector<16xf32>
    %mul3A_525 = arith.mulf %mul3A_519, %mul3A_524 : vector<16xf32>
    %add3A_526 = arith.constant 2.000000e-01 : f32
    %add3A_527 = vector.broadcast %add3A_526 : f32 to vector<16xf32>
    %add3A_528 = arith.addf %add3A_527, %mul3A_525 : vector<16xf32>
    %mul3A_529 = arith.mulf %mul3A_519, %add3A_528 : vector<16xf32>
    %add3A_530 = arith.constant 0.333333343 : f32
    %add3A_531 = vector.broadcast %add3A_530 : f32 to vector<16xf32>
    %add3A_532 = arith.addf %add3A_531, %mul3A_529 : vector<16xf32>
    %mul3A_533 = arith.mulf %mul3A_519, %add3A_532 : vector<16xf32>
    %add3A_534 = arith.constant 1.000000e+00 : f32
    %add3A_535 = vector.broadcast %add3A_534 : f32 to vector<16xf32>
    %add3A_536 = arith.addf %add3A_535, %mul3A_533 : vector<16xf32>
    %mul3A_537 = arith.mulf %mul3A_522, %add3A_536 : vector<16xf32>
    %convert_element_type3A_538 = arith.sitofp %add3A_511 : vector<16xi32> to vector<16xf32>
    %mul3A_539 = arith.constant 0.693147182 : f32
    %mul3A_540 = vector.broadcast %mul3A_539 : f32 to vector<16xf32>
    %mul3A_541 = arith.mulf %convert_element_type3A_538, %mul3A_540 : vector<16xf32>
    %add3A_542 = arith.addf %mul3A_541, %mul3A_537 : vector<16xf32>
    %jit3A_543 = arith.constant 0.000000e+00 : f32
    %broadcast_in_dim3A_544 = vector.broadcast %jit3A_543 : f32 to vector<16xf32>
    %select_n3A_545 = arith.select %eq3A_419, %broadcast_in_dim3A_544, %add3A_542 : vector<16xi1>, vector<16xf32>
    %add3A_546 = arith.constant 16 : i32
    %add3A_547 = vector.broadcast %add3A_546 : i32 to vector<16xi32>
    %add3A_548 = arith.addi %add3A_547, %iota3A : vector<16xi32>
    %mul3A_549 = arith.constant 324 : i32
    %mul3A_550 = vector.broadcast %mul3A_549 : i32 to vector<16xi32>
    %mul3A_551 = arith.muli %add3A_548, %mul3A_550 : vector<16xi32>
    %mul3A_552 = arith.constant 4 : i32
    %mul3A_553 = vector.broadcast %mul3A_552 : i32 to vector<16xi32>
    %mul3A_554 = arith.muli %gather3A_362, %mul3A_553 : vector<16xi32>
    %add3A_555 = arith.addi %mul3A_551, %mul3A_554 : vector<16xi32>
    %mul3A_556 = arith.constant 81 : i32
    %mul3A_557 = vector.broadcast %mul3A_556 : i32 to vector<16xi32>
    %mul3A_558 = arith.muli %add3A_548, %mul3A_557 : vector<16xi32>
    %add3A_559 = arith.addi %mul3A_558, %gather3A_362 : vector<16xi32>
    tpu.vector_store_idx %arg8[%add3A_555], %select_n3A_429 : memref<82944xf32, #tpu.memory_space<vmem>>[vector<16xi32>], vector<16xf32>,
    %add3A_560 = arith.constant 1 : i32
    %add3A_561 = vector.broadcast %add3A_560 : i32 to vector<16xi32>
    %add3A_562 = arith.addi %add3A_555, %add3A_561 : vector<16xi32>
    tpu.vector_store_idx %arg8[%add3A_562], %select_n3A_424 : memref<82944xf32, #tpu.memory_space<vmem>>[vector<16xi32>], vector<16xf32>,
    %add3A_563 = arith.constant 2 : i32
    %add3A_564 = vector.broadcast %add3A_563 : i32 to vector<16xi32>
    %add3A_565 = arith.addi %add3A_555, %add3A_564 : vector<16xi32>
    tpu.vector_store_idx %arg8[%add3A_565], %select_n3A_545 : memref<82944xf32, #tpu.memory_space<vmem>>[vector<16xi32>], vector<16xf32>,
    %add3A_566 = arith.constant 3 : i32
    %add3A_567 = vector.broadcast %add3A_566 : i32 to vector<16xi32>
    %add3A_568 = arith.addi %add3A_555, %add3A_567 : vector<16xi32>
    tpu.vector_store_idx %arg8[%add3A_568], %select_n3A_487 : memref<82944xf32, #tpu.memory_space<vmem>>[vector<16xi32>], vector<16xf32>,
    tpu.vector_store_idx %arg9[%add3A_559], %broadcast_in_dim3A_5 : memref<20736xi32, #tpu.memory_space<vmem>>[vector<16xi32>], vector<16xi32>,
    %swap3A_569 = arith.constant 16 : index
    %swap3A_570 = tpu.vector_load %arg14[%swap3A_569] {strides = array<i32>} : memref<128xi32, #tpu.memory_space<vmem>>, vector<16xi32>,
    tpu.vector_store %arg14[%swap3A_569], %add3A_555 {strides = array<i32>} : memref<128xi32, #tpu.memory_space<vmem>>, vector<16xi32>,
    %swap3A_571 = arith.constant 80 : index
    %swap3A_572 = tpu.vector_load %arg14[%swap3A_571] {strides = array<i32>} : memref<128xi32, #tpu.memory_space<vmem>>, vector<16xi32>,
    tpu.vector_store %arg14[%swap3A_571], %add3A_559 {strides = array<i32>} : memref<128xi32, #tpu.memory_space<vmem>>, vector<16xi32>,
    %get3A_573 = arith.constant 32 : index
    %get3A_574 = tpu.vector_load %arg13[%get3A_573] {strides = array<i32>} : memref<64xi32, #tpu.memory_space<vmem>>, vector<16xi32>,
    %mul3A_575 = arith.constant 4 : i32
    %mul3A_576 = vector.broadcast %mul3A_575 : i32 to vector<16xi32>
    %mul3A_577 = arith.muli %get3A_574, %mul3A_576 : vector<16xi32>
    %gather3A_578 = tpu.vector_load_idx %arg11[%mul3A_577] : memref<400xf32, #tpu.memory_space<vmem>>[vector<16xi32>], vector<16xf32>,
    %add3A_579 = arith.constant 1 : i32
    %add3A_580 = vector.broadcast %add3A_579 : i32 to vector<16xi32>
    %add3A_581 = arith.addi %mul3A_577, %add3A_580 : vector<16xi32>
    %gather3A_582 = tpu.vector_load_idx %arg11[%add3A_581] : memref<400xf32, #tpu.memory_space<vmem>>[vector<16xi32>], vector<16xf32>,
    %add3A_583 = arith.constant 2 : i32
    %add3A_584 = vector.broadcast %add3A_583 : i32 to vector<16xi32>
    %add3A_585 = arith.addi %mul3A_577, %add3A_584 : vector<16xi32>
    %gather3A_586 = tpu.vector_load_idx %arg11[%add3A_585] : memref<400xf32, #tpu.memory_space<vmem>>[vector<16xi32>], vector<16xf32>,
    %add3A_587 = arith.constant 3 : i32
    %add3A_588 = vector.broadcast %add3A_587 : i32 to vector<16xi32>
    %add3A_589 = arith.addi %mul3A_577, %add3A_588 : vector<16xi32>
    %gather3A_590 = tpu.vector_load_idx %arg11[%add3A_589] : memref<400xf32, #tpu.memory_space<vmem>>[vector<16xi32>], vector<16xf32>,
    %gather3A_591 = tpu.vector_load_idx %arg12[%get3A_574] : memref<104xi32, #tpu.memory_space<vmem>>[vector<16xi32>], vector<16xi32>,
    %mul3A_592 = arith.constant 4 : i32
    %mul3A_593 = vector.broadcast %mul3A_592 : i32 to vector<16xi32>
    %mul3A_594 = arith.muli %iota3A, %mul3A_593 : vector<16xi32>
    %add3A_595 = arith.constant 128 : i32
    %add3A_596 = vector.broadcast %add3A_595 : i32 to vector<16xi32>
    %add3A_597 = arith.addi %mul3A_594, %add3A_596 : vector<16xi32>
    %gather3A_598 = tpu.vector_load_idx %arg10[%add3A_597] : memref<1024xf32, #tpu.memory_space<vmem>>[vector<16xi32>], vector<16xf32>,
    %add3A_599 = arith.constant 1 : i32
    %add3A_600 = vector.broadcast %add3A_599 : i32 to vector<16xi32>
    %add3A_601 = arith.addi %add3A_597, %add3A_600 : vector<16xi32>
    %gather3A_602 = tpu.vector_load_idx %arg10[%add3A_601] : memref<1024xf32, #tpu.memory_space<vmem>>[vector<16xi32>], vector<16xf32>,
    %add3A_603 = arith.constant 2 : i32
    %add3A_604 = vector.broadcast %add3A_603 : i32 to vector<16xi32>
    %add3A_605 = arith.addi %add3A_597, %add3A_604 : vector<16xi32>
    %gather3A_606 = tpu.vector_load_idx %arg10[%add3A_605] : memref<1024xf32, #tpu.memory_space<vmem>>[vector<16xi32>], vector<16xf32>,
    %add3A_607 = arith.constant 3 : i32
    %add3A_608 = vector.broadcast %add3A_607 : i32 to vector<16xi32>
    %add3A_609 = arith.addi %add3A_597, %add3A_608 : vector<16xi32>
    %gather3A_610 = tpu.vector_load_idx %arg10[%add3A_609] : memref<1024xf32, #tpu.memory_space<vmem>>[vector<16xi32>], vector<16xf32>,
    %sub3A_611 = arith.subf %gather3A_610, %gather3A_602 : vector<16xf32>
    %sub3A_612 = arith.subf %gather3A_606, %gather3A_598 : vector<16xf32>
    %mul3A_613 = arith.constant 5.000000e-01 : f32
    %mul3A_614 = vector.broadcast %mul3A_613 : f32 to vector<16xf32>
    %mul3A_615 = arith.mulf %mul3A_614, %sub3A_611 : vector<16xf32>
    %add3A_616 = arith.addf %gather3A_602, %mul3A_615 : vector<16xf32>
    %mul3A_617 = arith.constant 5.000000e-01 : f32
    %mul3A_618 = vector.broadcast %mul3A_617 : f32 to vector<16xf32>
    %mul3A_619 = arith.mulf %mul3A_618, %sub3A_612 : vector<16xf32>
    %add3A_620 = arith.addf %gather3A_598, %mul3A_619 : vector<16xf32>
    %sub3A_621 = arith.subf %gather3A_590, %gather3A_582 : vector<16xf32>
    %sub3A_622 = arith.subf %gather3A_586, %gather3A_578 : vector<16xf32>
    %mul3A_623 = arith.constant 5.000000e-01 : f32
    %mul3A_624 = vector.broadcast %mul3A_623 : f32 to vector<16xf32>
    %mul3A_625 = arith.mulf %mul3A_624, %sub3A_621 : vector<16xf32>
    %add3A_626 = arith.addf %gather3A_582, %mul3A_625 : vector<16xf32>
    %mul3A_627 = arith.constant 5.000000e-01 : f32
    %mul3A_628 = vector.broadcast %mul3A_627 : f32 to vector<16xf32>
    %mul3A_629 = arith.mulf %mul3A_628, %sub3A_622 : vector<16xf32>
    %add3A_630 = arith.addf %gather3A_578, %mul3A_629 : vector<16xf32>
    %eq3A_631 = arith.constant 0.000000e+00 : f32
    %eq3A_632 = vector.broadcast %eq3A_631 : f32 to vector<16xf32>
    %eq3A_633 = arith.cmpf oeq, %sub3A_611, %eq3A_632 : vector<16xf32>
    %jit3A_634 = arith.constant 1.000000e-03 : f32
    %broadcast_in_dim3A_635 = vector.broadcast %jit3A_634 : f32 to vector<16xf32>
    %select_n3A_636 = arith.select %eq3A_633, %broadcast_in_dim3A_635, %sub3A_611 : vector<16xi1>, vector<16xf32>
    %eq3A_637 = arith.constant 0.000000e+00 : f32
    %eq3A_638 = vector.broadcast %eq3A_637 : f32 to vector<16xf32>
    %eq3A_639 = arith.cmpf oeq, %sub3A_612, %eq3A_638 : vector<16xf32>
    %jit3A_640 = arith.constant 1.000000e-03 : f32
    %broadcast_in_dim3A_641 = vector.broadcast %jit3A_640 : f32 to vector<16xf32>
    %select_n3A_642 = arith.select %eq3A_639, %broadcast_in_dim3A_641, %sub3A_612 : vector<16xi1>, vector<16xf32>
    %eq3A_643 = arith.constant 0.000000e+00 : f32
    %eq3A_644 = vector.broadcast %eq3A_643 : f32 to vector<16xf32>
    %eq3A_645 = arith.cmpf oeq, %sub3A_621, %eq3A_644 : vector<16xf32>
    %eq3A_646 = arith.constant 0.000000e+00 : f32
    %eq3A_647 = vector.broadcast %eq3A_646 : f32 to vector<16xf32>
    %eq3A_648 = arith.cmpf oeq, %sub3A_622, %eq3A_647 : vector<16xf32>
    %sub3A_649 = arith.subf %add3A_626, %add3A_616 : vector<16xf32>
    %div3A_650 = arith.divf %sub3A_649, %select_n3A_636 : vector<16xf32>
    %jit3A_651 = arith.constant 0.000000e+00 : f32
    %broadcast_in_dim3A_652 = vector.broadcast %jit3A_651 : f32 to vector<16xf32>
    %select_n3A_653 = arith.select %eq3A_645, %broadcast_in_dim3A_652, %div3A_650 : vector<16xi1>, vector<16xf32>
    %sub3A_654 = arith.subf %add3A_630, %add3A_620 : vector<16xf32>
    %div3A_655 = arith.divf %sub3A_654, %select_n3A_642 : vector<16xf32>
    %jit3A_656 = arith.constant 0.000000e+00 : f32
    %broadcast_in_dim3A_657 = vector.broadcast %jit3A_656 : f32 to vector<16xf32>
    %select_n3A_658 = arith.select %eq3A_648, %broadcast_in_dim3A_657, %div3A_655 : vector<16xi1>, vector<16xf32>
    %div3A_659 = arith.divf %sub3A_621, %select_n3A_636 : vector<16xf32>
    %bitcast_convert_type3A_660 = tpu.bitcast %div3A_659 : vector<16xf32> -> vector<16xi32>
    %shift_right_arithmetic3A_661 = arith.constant 23 : i32
    %shift_right_arithmetic3A_662 = vector.broadcast %shift_right_arithmetic3A_661 : i32 to vector<16xi32>
    %shift_right_arithmetic3A_663 = arith.shrsi %bitcast_convert_type3A_660, %shift_right_arithmetic3A_662 : vector<16xi32>
    %sub3A_664 = arith.constant 127 : i32
    %sub3A_665 = vector.broadcast %sub3A_664 : i32 to vector<16xi32>
    %sub3A_666 = arith.subi %shift_right_arithmetic3A_663, %sub3A_665 : vector<16xi32>
    %and3A_667 = arith.constant 8388607 : i32
    %and3A_668 = vector.broadcast %and3A_667 : i32 to vector<16xi32>
    %and3A_669 = arith.andi %bitcast_convert_type3A_660, %and3A_668 : vector<16xi32>
    %or3A_670 = arith.constant 1065353216 : i32
    %or3A_671 = vector.broadcast %or3A_670 : i32 to vector<16xi32>
    %or3A_672 = arith.ori %and3A_669, %or3A_671 : vector<16xi32>
    %bitcast_convert_type3A_673 = tpu.bitcast %or3A_672 : vector<16xi32> -> vector<16xf32>
    %gt3A_674 = arith.constant 1.41421354 : f32
    %gt3A_675 = vector.broadcast %gt3A_674 : f32 to vector<16xf32>
    %gt3A_676 = arith.cmpf ogt, %bitcast_convert_type3A_673, %gt3A_675 : vector<16xf32>
    %mul3A_677 = arith.constant 5.000000e-01 : f32
    %mul3A_678 = vector.broadcast %mul3A_677 : f32 to vector<16xf32>
    %mul3A_679 = arith.mulf %bitcast_convert_type3A_673, %mul3A_678 : vector<16xf32>
    %select_n3A_680 = arith.select %gt3A_676, %mul3A_679, %bitcast_convert_type3A_673 : vector<16xi1>, vector<16xf32>
    %convert_element_type3A_681 = arith.extui %gt3A_676 : vector<16xi1> to vector<16xi32>
    %add3A_682 = arith.addi %sub3A_666, %convert_element_type3A_681 : vector<16xi32>
    %sub3A_683 = arith.constant 1.000000e+00 : f32
    %sub3A_684 = vector.broadcast %sub3A_683 : f32 to vector<16xf32>
    %sub3A_685 = arith.subf %select_n3A_680, %sub3A_684 : vector<16xf32>
    %add3A_686 = arith.constant 1.000000e+00 : f32
    %add3A_687 = vector.broadcast %add3A_686 : f32 to vector<16xf32>
    %add3A_688 = arith.addf %select_n3A_680, %add3A_687 : vector<16xf32>
    %div3A_689 = arith.divf %sub3A_685, %add3A_688 : vector<16xf32>
    %mul3A_690 = arith.mulf %div3A_689, %div3A_689 : vector<16xf32>
    %mul3A_691 = arith.constant 2.000000e+00 : f32
    %mul3A_692 = vector.broadcast %mul3A_691 : f32 to vector<16xf32>
    %mul3A_693 = arith.mulf %mul3A_692, %div3A_689 : vector<16xf32>
    %mul3A_694 = arith.constant 0.142857149 : f32
    %mul3A_695 = vector.broadcast %mul3A_694 : f32 to vector<16xf32>
    %mul3A_696 = arith.mulf %mul3A_690, %mul3A_695 : vector<16xf32>
    %add3A_697 = arith.constant 2.000000e-01 : f32
    %add3A_698 = vector.broadcast %add3A_697 : f32 to vector<16xf32>
    %add3A_699 = arith.addf %add3A_698, %mul3A_696 : vector<16xf32>
    %mul3A_700 = arith.mulf %mul3A_690, %add3A_699 : vector<16xf32>
    %add3A_701 = arith.constant 0.333333343 : f32
    %add3A_702 = vector.broadcast %add3A_701 : f32 to vector<16xf32>
    %add3A_703 = arith.addf %add3A_702, %mul3A_700 : vector<16xf32>
    %mul3A_704 = arith.mulf %mul3A_690, %add3A_703 : vector<16xf32>
    %add3A_705 = arith.constant 1.000000e+00 : f32
    %add3A_706 = vector.broadcast %add3A_705 : f32 to vector<16xf32>
    %add3A_707 = arith.addf %add3A_706, %mul3A_704 : vector<16xf32>
    %mul3A_708 = arith.mulf %mul3A_693, %add3A_707 : vector<16xf32>
    %convert_element_type3A_709 = arith.sitofp %add3A_682 : vector<16xi32> to vector<16xf32>
    %mul3A_710 = arith.constant 0.693147182 : f32
    %mul3A_711 = vector.broadcast %mul3A_710 : f32 to vector<16xf32>
    %mul3A_712 = arith.mulf %convert_element_type3A_709, %mul3A_711 : vector<16xf32>
    %add3A_713 = arith.addf %mul3A_712, %mul3A_708 : vector<16xf32>
    %jit3A_714 = arith.constant 0.000000e+00 : f32
    %broadcast_in_dim3A_715 = vector.broadcast %jit3A_714 : f32 to vector<16xf32>
    %select_n3A_716 = arith.select %eq3A_645, %broadcast_in_dim3A_715, %add3A_713 : vector<16xi1>, vector<16xf32>
    %div3A_717 = arith.divf %sub3A_622, %select_n3A_642 : vector<16xf32>
    %bitcast_convert_type3A_718 = tpu.bitcast %div3A_717 : vector<16xf32> -> vector<16xi32>
    %shift_right_arithmetic3A_719 = arith.constant 23 : i32
    %shift_right_arithmetic3A_720 = vector.broadcast %shift_right_arithmetic3A_719 : i32 to vector<16xi32>
    %shift_right_arithmetic3A_721 = arith.shrsi %bitcast_convert_type3A_718, %shift_right_arithmetic3A_720 : vector<16xi32>
    %sub3A_722 = arith.constant 127 : i32
    %sub3A_723 = vector.broadcast %sub3A_722 : i32 to vector<16xi32>
    %sub3A_724 = arith.subi %shift_right_arithmetic3A_721, %sub3A_723 : vector<16xi32>
    %and3A_725 = arith.constant 8388607 : i32
    %and3A_726 = vector.broadcast %and3A_725 : i32 to vector<16xi32>
    %and3A_727 = arith.andi %bitcast_convert_type3A_718, %and3A_726 : vector<16xi32>
    %or3A_728 = arith.constant 1065353216 : i32
    %or3A_729 = vector.broadcast %or3A_728 : i32 to vector<16xi32>
    %or3A_730 = arith.ori %and3A_727, %or3A_729 : vector<16xi32>
    %bitcast_convert_type3A_731 = tpu.bitcast %or3A_730 : vector<16xi32> -> vector<16xf32>
    %gt3A_732 = arith.constant 1.41421354 : f32
    %gt3A_733 = vector.broadcast %gt3A_732 : f32 to vector<16xf32>
    %gt3A_734 = arith.cmpf ogt, %bitcast_convert_type3A_731, %gt3A_733 : vector<16xf32>
    %mul3A_735 = arith.constant 5.000000e-01 : f32
    %mul3A_736 = vector.broadcast %mul3A_735 : f32 to vector<16xf32>
    %mul3A_737 = arith.mulf %bitcast_convert_type3A_731, %mul3A_736 : vector<16xf32>
    %select_n3A_738 = arith.select %gt3A_734, %mul3A_737, %bitcast_convert_type3A_731 : vector<16xi1>, vector<16xf32>
    %convert_element_type3A_739 = arith.extui %gt3A_734 : vector<16xi1> to vector<16xi32>
    %add3A_740 = arith.addi %sub3A_724, %convert_element_type3A_739 : vector<16xi32>
    %sub3A_741 = arith.constant 1.000000e+00 : f32
    %sub3A_742 = vector.broadcast %sub3A_741 : f32 to vector<16xf32>
    %sub3A_743 = arith.subf %select_n3A_738, %sub3A_742 : vector<16xf32>
    %add3A_744 = arith.constant 1.000000e+00 : f32
    %add3A_745 = vector.broadcast %add3A_744 : f32 to vector<16xf32>
    %add3A_746 = arith.addf %select_n3A_738, %add3A_745 : vector<16xf32>
    %div3A_747 = arith.divf %sub3A_743, %add3A_746 : vector<16xf32>
    %mul3A_748 = arith.mulf %div3A_747, %div3A_747 : vector<16xf32>
    %mul3A_749 = arith.constant 2.000000e+00 : f32
    %mul3A_750 = vector.broadcast %mul3A_749 : f32 to vector<16xf32>
    %mul3A_751 = arith.mulf %mul3A_750, %div3A_747 : vector<16xf32>
    %mul3A_752 = arith.constant 0.142857149 : f32
    %mul3A_753 = vector.broadcast %mul3A_752 : f32 to vector<16xf32>
    %mul3A_754 = arith.mulf %mul3A_748, %mul3A_753 : vector<16xf32>
    %add3A_755 = arith.constant 2.000000e-01 : f32
    %add3A_756 = vector.broadcast %add3A_755 : f32 to vector<16xf32>
    %add3A_757 = arith.addf %add3A_756, %mul3A_754 : vector<16xf32>
    %mul3A_758 = arith.mulf %mul3A_748, %add3A_757 : vector<16xf32>
    %add3A_759 = arith.constant 0.333333343 : f32
    %add3A_760 = vector.broadcast %add3A_759 : f32 to vector<16xf32>
    %add3A_761 = arith.addf %add3A_760, %mul3A_758 : vector<16xf32>
    %mul3A_762 = arith.mulf %mul3A_748, %add3A_761 : vector<16xf32>
    %add3A_763 = arith.constant 1.000000e+00 : f32
    %add3A_764 = vector.broadcast %add3A_763 : f32 to vector<16xf32>
    %add3A_765 = arith.addf %add3A_764, %mul3A_762 : vector<16xf32>
    %mul3A_766 = arith.mulf %mul3A_751, %add3A_765 : vector<16xf32>
    %convert_element_type3A_767 = arith.sitofp %add3A_740 : vector<16xi32> to vector<16xf32>
    %mul3A_768 = arith.constant 0.693147182 : f32
    %mul3A_769 = vector.broadcast %mul3A_768 : f32 to vector<16xf32>
    %mul3A_770 = arith.mulf %convert_element_type3A_767, %mul3A_769 : vector<16xf32>
    %add3A_771 = arith.addf %mul3A_770, %mul3A_766 : vector<16xf32>
    %jit3A_772 = arith.constant 0.000000e+00 : f32
    %broadcast_in_dim3A_773 = vector.broadcast %jit3A_772 : f32 to vector<16xf32>
    %select_n3A_774 = arith.select %eq3A_648, %broadcast_in_dim3A_773, %add3A_771 : vector<16xi1>, vector<16xf32>
    %add3A_775 = arith.constant 32 : i32
    %add3A_776 = vector.broadcast %add3A_775 : i32 to vector<16xi32>
    %add3A_777 = arith.addi %add3A_776, %iota3A : vector<16xi32>
    %mul3A_778 = arith.constant 324 : i32
    %mul3A_779 = vector.broadcast %mul3A_778 : i32 to vector<16xi32>
    %mul3A_780 = arith.muli %add3A_777, %mul3A_779 : vector<16xi32>
    %mul3A_781 = arith.constant 4 : i32
    %mul3A_782 = vector.broadcast %mul3A_781 : i32 to vector<16xi32>
    %mul3A_783 = arith.muli %gather3A_591, %mul3A_782 : vector<16xi32>
    %add3A_784 = arith.addi %mul3A_780, %mul3A_783 : vector<16xi32>
    %mul3A_785 = arith.constant 81 : i32
    %mul3A_786 = vector.broadcast %mul3A_785 : i32 to vector<16xi32>
    %mul3A_787 = arith.muli %add3A_777, %mul3A_786 : vector<16xi32>
    %add3A_788 = arith.addi %mul3A_787, %gather3A_591 : vector<16xi32>
    tpu.vector_store_idx %arg8[%add3A_784], %select_n3A_658 : memref<82944xf32, #tpu.memory_space<vmem>>[vector<16xi32>], vector<16xf32>,
    %add3A_789 = arith.constant 1 : i32
    %add3A_790 = vector.broadcast %add3A_789 : i32 to vector<16xi32>
    %add3A_791 = arith.addi %add3A_784, %add3A_790 : vector<16xi32>
    tpu.vector_store_idx %arg8[%add3A_791], %select_n3A_653 : memref<82944xf32, #tpu.memory_space<vmem>>[vector<16xi32>], vector<16xf32>,
    %add3A_792 = arith.constant 2 : i32
    %add3A_793 = vector.broadcast %add3A_792 : i32 to vector<16xi32>
    %add3A_794 = arith.addi %add3A_784, %add3A_793 : vector<16xi32>
    tpu.vector_store_idx %arg8[%add3A_794], %select_n3A_774 : memref<82944xf32, #tpu.memory_space<vmem>>[vector<16xi32>], vector<16xf32>,
    %add3A_795 = arith.constant 3 : i32
    %add3A_796 = vector.broadcast %add3A_795 : i32 to vector<16xi32>
    %add3A_797 = arith.addi %add3A_784, %add3A_796 : vector<16xi32>
    tpu.vector_store_idx %arg8[%add3A_797], %select_n3A_716 : memref<82944xf32, #tpu.memory_space<vmem>>[vector<16xi32>], vector<16xf32>,
    tpu.vector_store_idx %arg9[%add3A_788], %broadcast_in_dim3A_5 : memref<20736xi32, #tpu.memory_space<vmem>>[vector<16xi32>], vector<16xi32>,
    %swap3A_798 = arith.constant 32 : index
    %swap3A_799 = tpu.vector_load %arg14[%swap3A_798] {strides = array<i32>} : memref<128xi32, #tpu.memory_space<vmem>>, vector<16xi32>,
    tpu.vector_store %arg14[%swap3A_798], %add3A_784 {strides = array<i32>} : memref<128xi32, #tpu.memory_space<vmem>>, vector<16xi32>,
    %swap3A_800 = arith.constant 96 : index
    %swap3A_801 = tpu.vector_load %arg14[%swap3A_800] {strides = array<i32>} : memref<128xi32, #tpu.memory_space<vmem>>, vector<16xi32>,
    tpu.vector_store %arg14[%swap3A_800], %add3A_788 {strides = array<i32>} : memref<128xi32, #tpu.memory_space<vmem>>, vector<16xi32>,
    %get3A_802 = arith.constant 48 : index
    %get3A_803 = tpu.vector_load %arg13[%get3A_802] {strides = array<i32>} : memref<64xi32, #tpu.memory_space<vmem>>, vector<16xi32>,
    %mul3A_804 = arith.constant 4 : i32
    %mul3A_805 = vector.broadcast %mul3A_804 : i32 to vector<16xi32>
    %mul3A_806 = arith.muli %get3A_803, %mul3A_805 : vector<16xi32>
    %gather3A_807 = tpu.vector_load_idx %arg11[%mul3A_806] : memref<400xf32, #tpu.memory_space<vmem>>[vector<16xi32>], vector<16xf32>,
    %add3A_808 = arith.constant 1 : i32
    %add3A_809 = vector.broadcast %add3A_808 : i32 to vector<16xi32>
    %add3A_810 = arith.addi %mul3A_806, %add3A_809 : vector<16xi32>
    %gather3A_811 = tpu.vector_load_idx %arg11[%add3A_810] : memref<400xf32, #tpu.memory_space<vmem>>[vector<16xi32>], vector<16xf32>,
    %add3A_812 = arith.constant 2 : i32
    %add3A_813 = vector.broadcast %add3A_812 : i32 to vector<16xi32>
    %add3A_814 = arith.addi %mul3A_806, %add3A_813 : vector<16xi32>
    %gather3A_815 = tpu.vector_load_idx %arg11[%add3A_814] : memref<400xf32, #tpu.memory_space<vmem>>[vector<16xi32>], vector<16xf32>,
    %add3A_816 = arith.constant 3 : i32
    %add3A_817 = vector.broadcast %add3A_816 : i32 to vector<16xi32>
    %add3A_818 = arith.addi %mul3A_806, %add3A_817 : vector<16xi32>
    %gather3A_819 = tpu.vector_load_idx %arg11[%add3A_818] : memref<400xf32, #tpu.memory_space<vmem>>[vector<16xi32>], vector<16xf32>,
    %gather3A_820 = tpu.vector_load_idx %arg12[%get3A_803] : memref<104xi32, #tpu.memory_space<vmem>>[vector<16xi32>], vector<16xi32>,
    %mul3A_821 = arith.constant 4 : i32
    %mul3A_822 = vector.broadcast %mul3A_821 : i32 to vector<16xi32>
    %mul3A_823 = arith.muli %iota3A, %mul3A_822 : vector<16xi32>
    %add3A_824 = arith.constant 192 : i32
    %add3A_825 = vector.broadcast %add3A_824 : i32 to vector<16xi32>
    %add3A_826 = arith.addi %mul3A_823, %add3A_825 : vector<16xi32>
    %gather3A_827 = tpu.vector_load_idx %arg10[%add3A_826] : memref<1024xf32, #tpu.memory_space<vmem>>[vector<16xi32>], vector<16xf32>,
    %add3A_828 = arith.constant 1 : i32
    %add3A_829 = vector.broadcast %add3A_828 : i32 to vector<16xi32>
    %add3A_830 = arith.addi %add3A_826, %add3A_829 : vector<16xi32>
    %gather3A_831 = tpu.vector_load_idx %arg10[%add3A_830] : memref<1024xf32, #tpu.memory_space<vmem>>[vector<16xi32>], vector<16xf32>,
    %add3A_832 = arith.constant 2 : i32
    %add3A_833 = vector.broadcast %add3A_832 : i32 to vector<16xi32>
    %add3A_834 = arith.addi %add3A_826, %add3A_833 : vector<16xi32>
    %gather3A_835 = tpu.vector_load_idx %arg10[%add3A_834] : memref<1024xf32, #tpu.memory_space<vmem>>[vector<16xi32>], vector<16xf32>,
    %add3A_836 = arith.constant 3 : i32
    %add3A_837 = vector.broadcast %add3A_836 : i32 to vector<16xi32>
    %add3A_838 = arith.addi %add3A_826, %add3A_837 : vector<16xi32>
    %gather3A_839 = tpu.vector_load_idx %arg10[%add3A_838] : memref<1024xf32, #tpu.memory_space<vmem>>[vector<16xi32>], vector<16xf32>,
    %sub3A_840 = arith.subf %gather3A_839, %gather3A_831 : vector<16xf32>
    %sub3A_841 = arith.subf %gather3A_835, %gather3A_827 : vector<16xf32>
    %mul3A_842 = arith.constant 5.000000e-01 : f32
    %mul3A_843 = vector.broadcast %mul3A_842 : f32 to vector<16xf32>
    %mul3A_844 = arith.mulf %mul3A_843, %sub3A_840 : vector<16xf32>
    %add3A_845 = arith.addf %gather3A_831, %mul3A_844 : vector<16xf32>
    %mul3A_846 = arith.constant 5.000000e-01 : f32
    %mul3A_847 = vector.broadcast %mul3A_846 : f32 to vector<16xf32>
    %mul3A_848 = arith.mulf %mul3A_847, %sub3A_841 : vector<16xf32>
    %add3A_849 = arith.addf %gather3A_827, %mul3A_848 : vector<16xf32>
    %sub3A_850 = arith.subf %gather3A_819, %gather3A_811 : vector<16xf32>
    %sub3A_851 = arith.subf %gather3A_815, %gather3A_807 : vector<16xf32>
    %mul3A_852 = arith.constant 5.000000e-01 : f32
    %mul3A_853 = vector.broadcast %mul3A_852 : f32 to vector<16xf32>
    %mul3A_854 = arith.mulf %mul3A_853, %sub3A_850 : vector<16xf32>
    %add3A_855 = arith.addf %gather3A_811, %mul3A_854 : vector<16xf32>
    %mul3A_856 = arith.constant 5.000000e-01 : f32
    %mul3A_857 = vector.broadcast %mul3A_856 : f32 to vector<16xf32>
    %mul3A_858 = arith.mulf %mul3A_857, %sub3A_851 : vector<16xf32>
    %add3A_859 = arith.addf %gather3A_807, %mul3A_858 : vector<16xf32>
    %eq3A_860 = arith.constant 0.000000e+00 : f32
    %eq3A_861 = vector.broadcast %eq3A_860 : f32 to vector<16xf32>
    %eq3A_862 = arith.cmpf oeq, %sub3A_840, %eq3A_861 : vector<16xf32>
    %jit3A_863 = arith.constant 1.000000e-03 : f32
    %broadcast_in_dim3A_864 = vector.broadcast %jit3A_863 : f32 to vector<16xf32>
    %select_n3A_865 = arith.select %eq3A_862, %broadcast_in_dim3A_864, %sub3A_840 : vector<16xi1>, vector<16xf32>
    %eq3A_866 = arith.constant 0.000000e+00 : f32
    %eq3A_867 = vector.broadcast %eq3A_866 : f32 to vector<16xf32>
    %eq3A_868 = arith.cmpf oeq, %sub3A_841, %eq3A_867 : vector<16xf32>
    %jit3A_869 = arith.constant 1.000000e-03 : f32
    %broadcast_in_dim3A_870 = vector.broadcast %jit3A_869 : f32 to vector<16xf32>
    %select_n3A_871 = arith.select %eq3A_868, %broadcast_in_dim3A_870, %sub3A_841 : vector<16xi1>, vector<16xf32>
    %eq3A_872 = arith.constant 0.000000e+00 : f32
    %eq3A_873 = vector.broadcast %eq3A_872 : f32 to vector<16xf32>
    %eq3A_874 = arith.cmpf oeq, %sub3A_850, %eq3A_873 : vector<16xf32>
    %eq3A_875 = arith.constant 0.000000e+00 : f32
    %eq3A_876 = vector.broadcast %eq3A_875 : f32 to vector<16xf32>
    %eq3A_877 = arith.cmpf oeq, %sub3A_851, %eq3A_876 : vector<16xf32>
    %sub3A_878 = arith.subf %add3A_855, %add3A_845 : vector<16xf32>
    %div3A_879 = arith.divf %sub3A_878, %select_n3A_865 : vector<16xf32>
    %jit3A_880 = arith.constant 0.000000e+00 : f32
    %broadcast_in_dim3A_881 = vector.broadcast %jit3A_880 : f32 to vector<16xf32>
    %select_n3A_882 = arith.select %eq3A_874, %broadcast_in_dim3A_881, %div3A_879 : vector<16xi1>, vector<16xf32>
    %sub3A_883 = arith.subf %add3A_859, %add3A_849 : vector<16xf32>
    %div3A_884 = arith.divf %sub3A_883, %select_n3A_871 : vector<16xf32>
    %jit3A_885 = arith.constant 0.000000e+00 : f32
    %broadcast_in_dim3A_886 = vector.broadcast %jit3A_885 : f32 to vector<16xf32>
    %select_n3A_887 = arith.select %eq3A_877, %broadcast_in_dim3A_886, %div3A_884 : vector<16xi1>, vector<16xf32>
    %div3A_888 = arith.divf %sub3A_850, %select_n3A_865 : vector<16xf32>
    %bitcast_convert_type3A_889 = tpu.bitcast %div3A_888 : vector<16xf32> -> vector<16xi32>
    %shift_right_arithmetic3A_890 = arith.constant 23 : i32
    %shift_right_arithmetic3A_891 = vector.broadcast %shift_right_arithmetic3A_890 : i32 to vector<16xi32>
    %shift_right_arithmetic3A_892 = arith.shrsi %bitcast_convert_type3A_889, %shift_right_arithmetic3A_891 : vector<16xi32>
    %sub3A_893 = arith.constant 127 : i32
    %sub3A_894 = vector.broadcast %sub3A_893 : i32 to vector<16xi32>
    %sub3A_895 = arith.subi %shift_right_arithmetic3A_892, %sub3A_894 : vector<16xi32>
    %and3A_896 = arith.constant 8388607 : i32
    %and3A_897 = vector.broadcast %and3A_896 : i32 to vector<16xi32>
    %and3A_898 = arith.andi %bitcast_convert_type3A_889, %and3A_897 : vector<16xi32>
    %or3A_899 = arith.constant 1065353216 : i32
    %or3A_900 = vector.broadcast %or3A_899 : i32 to vector<16xi32>
    %or3A_901 = arith.ori %and3A_898, %or3A_900 : vector<16xi32>
    %bitcast_convert_type3A_902 = tpu.bitcast %or3A_901 : vector<16xi32> -> vector<16xf32>
    %gt3A_903 = arith.constant 1.41421354 : f32
    %gt3A_904 = vector.broadcast %gt3A_903 : f32 to vector<16xf32>
    %gt3A_905 = arith.cmpf ogt, %bitcast_convert_type3A_902, %gt3A_904 : vector<16xf32>
    %mul3A_906 = arith.constant 5.000000e-01 : f32
    %mul3A_907 = vector.broadcast %mul3A_906 : f32 to vector<16xf32>
    %mul3A_908 = arith.mulf %bitcast_convert_type3A_902, %mul3A_907 : vector<16xf32>
    %select_n3A_909 = arith.select %gt3A_905, %mul3A_908, %bitcast_convert_type3A_902 : vector<16xi1>, vector<16xf32>
    %convert_element_type3A_910 = arith.extui %gt3A_905 : vector<16xi1> to vector<16xi32>
    %add3A_911 = arith.addi %sub3A_895, %convert_element_type3A_910 : vector<16xi32>
    %sub3A_912 = arith.constant 1.000000e+00 : f32
    %sub3A_913 = vector.broadcast %sub3A_912 : f32 to vector<16xf32>
    %sub3A_914 = arith.subf %select_n3A_909, %sub3A_913 : vector<16xf32>
    %add3A_915 = arith.constant 1.000000e+00 : f32
    %add3A_916 = vector.broadcast %add3A_915 : f32 to vector<16xf32>
    %add3A_917 = arith.addf %select_n3A_909, %add3A_916 : vector<16xf32>
    %div3A_918 = arith.divf %sub3A_914, %add3A_917 : vector<16xf32>
    %mul3A_919 = arith.mulf %div3A_918, %div3A_918 : vector<16xf32>
    %mul3A_920 = arith.constant 2.000000e+00 : f32
    %mul3A_921 = vector.broadcast %mul3A_920 : f32 to vector<16xf32>
    %mul3A_922 = arith.mulf %mul3A_921, %div3A_918 : vector<16xf32>
    %mul3A_923 = arith.constant 0.142857149 : f32
    %mul3A_924 = vector.broadcast %mul3A_923 : f32 to vector<16xf32>
    %mul3A_925 = arith.mulf %mul3A_919, %mul3A_924 : vector<16xf32>
    %add3A_926 = arith.constant 2.000000e-01 : f32
    %add3A_927 = vector.broadcast %add3A_926 : f32 to vector<16xf32>
    %add3A_928 = arith.addf %add3A_927, %mul3A_925 : vector<16xf32>
    %mul3A_929 = arith.mulf %mul3A_919, %add3A_928 : vector<16xf32>
    %add3A_930 = arith.constant 0.333333343 : f32
    %add3A_931 = vector.broadcast %add3A_930 : f32 to vector<16xf32>
    %add3A_932 = arith.addf %add3A_931, %mul3A_929 : vector<16xf32>
    %mul3A_933 = arith.mulf %mul3A_919, %add3A_932 : vector<16xf32>
    %add3A_934 = arith.constant 1.000000e+00 : f32
    %add3A_935 = vector.broadcast %add3A_934 : f32 to vector<16xf32>
    %add3A_936 = arith.addf %add3A_935, %mul3A_933 : vector<16xf32>
    %mul3A_937 = arith.mulf %mul3A_922, %add3A_936 : vector<16xf32>
    %convert_element_type3A_938 = arith.sitofp %add3A_911 : vector<16xi32> to vector<16xf32>
    %mul3A_939 = arith.constant 0.693147182 : f32
    %mul3A_940 = vector.broadcast %mul3A_939 : f32 to vector<16xf32>
    %mul3A_941 = arith.mulf %convert_element_type3A_938, %mul3A_940 : vector<16xf32>
    %add3A_942 = arith.addf %mul3A_941, %mul3A_937 : vector<16xf32>
    %jit3A_943 = arith.constant 0.000000e+00 : f32
    %broadcast_in_dim3A_944 = vector.broadcast %jit3A_943 : f32 to vector<16xf32>
    %select_n3A_945 = arith.select %eq3A_874, %broadcast_in_dim3A_944, %add3A_942 : vector<16xi1>, vector<16xf32>
    %div3A_946 = arith.divf %sub3A_851, %select_n3A_871 : vector<16xf32>
    %bitcast_convert_type3A_947 = tpu.bitcast %div3A_946 : vector<16xf32> -> vector<16xi32>
    %shift_right_arithmetic3A_948 = arith.constant 23 : i32
    %shift_right_arithmetic3A_949 = vector.broadcast %shift_right_arithmetic3A_948 : i32 to vector<16xi32>
    %shift_right_arithmetic3A_950 = arith.shrsi %bitcast_convert_type3A_947, %shift_right_arithmetic3A_949 : vector<16xi32>
    %sub3A_951 = arith.constant 127 : i32
    %sub3A_952 = vector.broadcast %sub3A_951 : i32 to vector<16xi32>
    %sub3A_953 = arith.subi %shift_right_arithmetic3A_950, %sub3A_952 : vector<16xi32>
    %and3A_954 = arith.constant 8388607 : i32
    %and3A_955 = vector.broadcast %and3A_954 : i32 to vector<16xi32>
    %and3A_956 = arith.andi %bitcast_convert_type3A_947, %and3A_955 : vector<16xi32>
    %or3A_957 = arith.constant 1065353216 : i32
    %or3A_958 = vector.broadcast %or3A_957 : i32 to vector<16xi32>
    %or3A_959 = arith.ori %and3A_956, %or3A_958 : vector<16xi32>
    %bitcast_convert_type3A_960 = tpu.bitcast %or3A_959 : vector<16xi32> -> vector<16xf32>
    %gt3A_961 = arith.constant 1.41421354 : f32
    %gt3A_962 = vector.broadcast %gt3A_961 : f32 to vector<16xf32>
    %gt3A_963 = arith.cmpf ogt, %bitcast_convert_type3A_960, %gt3A_962 : vector<16xf32>
    %mul3A_964 = arith.constant 5.000000e-01 : f32
    %mul3A_965 = vector.broadcast %mul3A_964 : f32 to vector<16xf32>
    %mul3A_966 = arith.mulf %bitcast_convert_type3A_960, %mul3A_965 : vector<16xf32>
    %select_n3A_967 = arith.select %gt3A_963, %mul3A_966, %bitcast_convert_type3A_960 : vector<16xi1>, vector<16xf32>
    %convert_element_type3A_968 = arith.extui %gt3A_963 : vector<16xi1> to vector<16xi32>
    %add3A_969 = arith.addi %sub3A_953, %convert_element_type3A_968 : vector<16xi32>
    %sub3A_970 = arith.constant 1.000000e+00 : f32
    %sub3A_971 = vector.broadcast %sub3A_970 : f32 to vector<16xf32>
    %sub3A_972 = arith.subf %select_n3A_967, %sub3A_971 : vector<16xf32>
    %add3A_973 = arith.constant 1.000000e+00 : f32
    %add3A_974 = vector.broadcast %add3A_973 : f32 to vector<16xf32>
    %add3A_975 = arith.addf %select_n3A_967, %add3A_974 : vector<16xf32>
    %div3A_976 = arith.divf %sub3A_972, %add3A_975 : vector<16xf32>
    %mul3A_977 = arith.mulf %div3A_976, %div3A_976 : vector<16xf32>
    %mul3A_978 = arith.constant 2.000000e+00 : f32
    %mul3A_979 = vector.broadcast %mul3A_978 : f32 to vector<16xf32>
    %mul3A_980 = arith.mulf %mul3A_979, %div3A_976 : vector<16xf32>
    %mul3A_981 = arith.constant 0.142857149 : f32
    %mul3A_982 = vector.broadcast %mul3A_981 : f32 to vector<16xf32>
    %mul3A_983 = arith.mulf %mul3A_977, %mul3A_982 : vector<16xf32>
    %add3A_984 = arith.constant 2.000000e-01 : f32
    %add3A_985 = vector.broadcast %add3A_984 : f32 to vector<16xf32>
    %add3A_986 = arith.addf %add3A_985, %mul3A_983 : vector<16xf32>
    %mul3A_987 = arith.mulf %mul3A_977, %add3A_986 : vector<16xf32>
    %add3A_988 = arith.constant 0.333333343 : f32
    %add3A_989 = vector.broadcast %add3A_988 : f32 to vector<16xf32>
    %add3A_990 = arith.addf %add3A_989, %mul3A_987 : vector<16xf32>
    %mul3A_991 = arith.mulf %mul3A_977, %add3A_990 : vector<16xf32>
    %add3A_992 = arith.constant 1.000000e+00 : f32
    %add3A_993 = vector.broadcast %add3A_992 : f32 to vector<16xf32>
    %add3A_994 = arith.addf %add3A_993, %mul3A_991 : vector<16xf32>
    %mul3A_995 = arith.mulf %mul3A_980, %add3A_994 : vector<16xf32>
    %convert_element_type3A_996 = arith.sitofp %add3A_969 : vector<16xi32> to vector<16xf32>
    %mul3A_997 = arith.constant 0.693147182 : f32
    %mul3A_998 = vector.broadcast %mul3A_997 : f32 to vector<16xf32>
    %mul3A_999 = arith.mulf %convert_element_type3A_996, %mul3A_998 : vector<16xf32>
    %add3A_1000 = arith.addf %mul3A_999, %mul3A_995 : vector<16xf32>
    %jit3A_1001 = arith.constant 0.000000e+00 : f32
    %broadcast_in_dim3A_1002 = vector.broadcast %jit3A_1001 : f32 to vector<16xf32>
    %select_n3A_1003 = arith.select %eq3A_877, %broadcast_in_dim3A_1002, %add3A_1000 : vector<16xi1>, vector<16xf32>
    %add3A_1004 = arith.constant 48 : i32
    %add3A_1005 = vector.broadcast %add3A_1004 : i32 to vector<16xi32>
    %add3A_1006 = arith.addi %add3A_1005, %iota3A : vector<16xi32>
    %mul3A_1007 = arith.constant 324 : i32
    %mul3A_1008 = vector.broadcast %mul3A_1007 : i32 to vector<16xi32>
    %mul3A_1009 = arith.muli %add3A_1006, %mul3A_1008 : vector<16xi32>
    %mul3A_1010 = arith.constant 4 : i32
    %mul3A_1011 = vector.broadcast %mul3A_1010 : i32 to vector<16xi32>
    %mul3A_1012 = arith.muli %gather3A_820, %mul3A_1011 : vector<16xi32>
    %add3A_1013 = arith.addi %mul3A_1009, %mul3A_1012 : vector<16xi32>
    %mul3A_1014 = arith.constant 81 : i32
    %mul3A_1015 = vector.broadcast %mul3A_1014 : i32 to vector<16xi32>
    %mul3A_1016 = arith.muli %add3A_1006, %mul3A_1015 : vector<16xi32>
    %add3A_1017 = arith.addi %mul3A_1016, %gather3A_820 : vector<16xi32>
    tpu.vector_store_idx %arg8[%add3A_1013], %select_n3A_887 : memref<82944xf32, #tpu.memory_space<vmem>>[vector<16xi32>], vector<16xf32>,
    %add3A_1018 = arith.constant 1 : i32
    %add3A_1019 = vector.broadcast %add3A_1018 : i32 to vector<16xi32>
    %add3A_1020 = arith.addi %add3A_1013, %add3A_1019 : vector<16xi32>
    tpu.vector_store_idx %arg8[%add3A_1020], %select_n3A_882 : memref<82944xf32, #tpu.memory_space<vmem>>[vector<16xi32>], vector<16xf32>,
    %add3A_1021 = arith.constant 2 : i32
    %add3A_1022 = vector.broadcast %add3A_1021 : i32 to vector<16xi32>
    %add3A_1023 = arith.addi %add3A_1013, %add3A_1022 : vector<16xi32>
    tpu.vector_store_idx %arg8[%add3A_1023], %select_n3A_1003 : memref<82944xf32, #tpu.memory_space<vmem>>[vector<16xi32>], vector<16xf32>,
    %add3A_1024 = arith.constant 3 : i32
    %add3A_1025 = vector.broadcast %add3A_1024 : i32 to vector<16xi32>
    %add3A_1026 = arith.addi %add3A_1013, %add3A_1025 : vector<16xi32>
    tpu.vector_store_idx %arg8[%add3A_1026], %select_n3A_945 : memref<82944xf32, #tpu.memory_space<vmem>>[vector<16xi32>], vector<16xf32>,
    tpu.vector_store_idx %arg9[%add3A_1017], %broadcast_in_dim3A_5 : memref<20736xi32, #tpu.memory_space<vmem>>[vector<16xi32>], vector<16xi32>,
    %swap3A_1027 = arith.constant 48 : index
    %swap3A_1028 = tpu.vector_load %arg14[%swap3A_1027] {strides = array<i32>} : memref<128xi32, #tpu.memory_space<vmem>>, vector<16xi32>,
    tpu.vector_store %arg14[%swap3A_1027], %add3A_1013 {strides = array<i32>} : memref<128xi32, #tpu.memory_space<vmem>>, vector<16xi32>,
    %swap3A_1029 = arith.constant 112 : index
    %swap3A_1030 = tpu.vector_load %arg14[%swap3A_1029] {strides = array<i32>} : memref<128xi32, #tpu.memory_space<vmem>>, vector<16xi32>,
    tpu.vector_store %arg14[%swap3A_1029], %add3A_1017 {strides = array<i32>} : memref<128xi32, #tpu.memory_space<vmem>>, vector<16xi32>,
    "tpu.region"() ({
      %run_scoped3A = tpu.sem_alloc : memref<!tpu.dma_semaphore, #tpu.memory_space<semaphore_mem>>
      %dma_start3A = arith.constant 0 : i32
      %dma_start3A_1999 = tpu.memref_slice %arg6[%add3A_128, %dma_start3A] : memref<64x82944xf32, #tpu.memory_space<hbm>> -> memref<1x82944xf32, #tpu.memory_space<hbm>>
      %dma_start3A_2000 = tpu.memref_squeeze %dma_start3A_1999 : memref<1x82944xf32, #tpu.memory_space<hbm>> -> memref<82944xf32, #tpu.memory_space<hbm>>
      %dma_start3A_2001 = arith.constant 0 : i32
      %dma_start3A_2002 = tpu.memref_slice %arg6[%add3A_128, %dma_start3A_2001] : memref<64x82944xf32, #tpu.memory_space<hbm>> -> memref<1x82944xf32, #tpu.memory_space<hbm>>
      %dma_start3A_2003 = tpu.memref_squeeze %dma_start3A_2002 : memref<1x82944xf32, #tpu.memory_space<hbm>> -> memref<82944xf32, #tpu.memory_space<hbm>>
      tpu.enqueue_dma source(%arg8 : memref<82944xf32, #tpu.memory_space<vmem>>) target(%dma_start3A_2003 : memref<82944xf32, #tpu.memory_space<hbm>>) target_semaphore(%run_scoped3A : memref<!tpu.dma_semaphore, #tpu.memory_space<semaphore_mem>>)
      %dma_wait3A = arith.constant 0 : i32
      %dma_wait3A_2004 = tpu.memref_slice %arg6[%add3A_128, %dma_wait3A] : memref<64x82944xf32, #tpu.memory_space<hbm>> -> memref<1x82944xf32, #tpu.memory_space<hbm>>
      %dma_wait3A_2005 = tpu.memref_squeeze %dma_wait3A_2004 : memref<1x82944xf32, #tpu.memory_space<hbm>> -> memref<82944xf32, #tpu.memory_space<hbm>>
      %dma_wait3A_2006 = arith.constant 0 : i32
      %dma_wait3A_2007 = tpu.memref_slice %arg6[%add3A_128, %dma_wait3A_2006] : memref<64x82944xf32, #tpu.memory_space<hbm>> -> memref<1x82944xf32, #tpu.memory_space<hbm>>
      %dma_wait3A_2008 = tpu.memref_squeeze %dma_wait3A_2007 : memref<1x82944xf32, #tpu.memory_space<hbm>> -> memref<82944xf32, #tpu.memory_space<hbm>>
      tpu.wait_dma2 semaphore(%run_scoped3A : memref<!tpu.dma_semaphore, #tpu.memory_space<semaphore_mem>>) src(%arg8 : memref<82944xf32, #tpu.memory_space<vmem>>) dst(%dma_wait3A_2008 : memref<82944xf32, #tpu.memory_space<hbm>>)
      tpu.yield
    }) : () -> ()
    "tpu.region"() ({
      %run_scoped3A = tpu.sem_alloc : memref<!tpu.dma_semaphore, #tpu.memory_space<semaphore_mem>>
      %dma_start3A = arith.constant 0 : i32
      %dma_start3A_1999 = tpu.memref_slice %arg7[%add3A_128, %dma_start3A] : memref<64x20736xi32, #tpu.memory_space<hbm>> -> memref<1x20736xi32, #tpu.memory_space<hbm>>
      %dma_start3A_2000 = tpu.memref_squeeze %dma_start3A_1999 : memref<1x20736xi32, #tpu.memory_space<hbm>> -> memref<20736xi32, #tpu.memory_space<hbm>>
      %dma_start3A_2001 = arith.constant 0 : i32
      %dma_start3A_2002 = tpu.memref_slice %arg7[%add3A_128, %dma_start3A_2001] : memref<64x20736xi32, #tpu.memory_space<hbm>> -> memref<1x20736xi32, #tpu.memory_space<hbm>>
      %dma_start3A_2003 = tpu.memref_squeeze %dma_start3A_2002 : memref<1x20736xi32, #tpu.memory_space<hbm>> -> memref<20736xi32, #tpu.memory_space<hbm>>
      tpu.enqueue_dma source(%arg9 : memref<20736xi32, #tpu.memory_space<vmem>>) target(%dma_start3A_2003 : memref<20736xi32, #tpu.memory_space<hbm>>) target_semaphore(%run_scoped3A : memref<!tpu.dma_semaphore, #tpu.memory_space<semaphore_mem>>)
      %dma_wait3A = arith.constant 0 : i32
      %dma_wait3A_2004 = tpu.memref_slice %arg7[%add3A_128, %dma_wait3A] : memref<64x20736xi32, #tpu.memory_space<hbm>> -> memref<1x20736xi32, #tpu.memory_space<hbm>>
      %dma_wait3A_2005 = tpu.memref_squeeze %dma_wait3A_2004 : memref<1x20736xi32, #tpu.memory_space<hbm>> -> memref<20736xi32, #tpu.memory_space<hbm>>
      %dma_wait3A_2006 = arith.constant 0 : i32
      %dma_wait3A_2007 = tpu.memref_slice %arg7[%add3A_128, %dma_wait3A_2006] : memref<64x20736xi32, #tpu.memory_space<hbm>> -> memref<1x20736xi32, #tpu.memory_space<hbm>>
      %dma_wait3A_2008 = tpu.memref_squeeze %dma_wait3A_2007 : memref<1x20736xi32, #tpu.memory_space<hbm>> -> memref<20736xi32, #tpu.memory_space<hbm>>
      tpu.wait_dma2 semaphore(%run_scoped3A : memref<!tpu.dma_semaphore, #tpu.memory_space<semaphore_mem>>) src(%arg9 : memref<20736xi32, #tpu.memory_space<vmem>>) dst(%dma_wait3A_2008 : memref<20736xi32, #tpu.memory_space<hbm>>)
      tpu.yield
    }) : () -> ()
    %mul3A_1031 = arith.constant 2 : i32
    %mul3A_1032 = arith.muli %add3A, %mul3A_1031 : i32
    %add3A_1033 = arith.constant 1 : i32
    %add3A_1034 = arith.addi %mul3A_1032, %add3A_1033 : i32
    "tpu.region"() ({
      %run_scoped3A = tpu.sem_alloc : memref<!tpu.dma_semaphore, #tpu.memory_space<semaphore_mem>>
      %dma_start3A = arith.constant 0 : i32
      %dma_start3A_1999 = tpu.memref_slice %arg2[%add3A_1034, %dma_start3A] : memref<64x1024xf32, #tpu.memory_space<hbm>> -> memref<1x1024xf32, #tpu.memory_space<hbm>>
      %dma_start3A_2000 = tpu.memref_squeeze %dma_start3A_1999 : memref<1x1024xf32, #tpu.memory_space<hbm>> -> memref<1024xf32, #tpu.memory_space<hbm>>
      %dma_start3A_2001 = arith.constant 0 : i32
      %dma_start3A_2002 = tpu.memref_slice %arg2[%add3A_1034, %dma_start3A_2001] : memref<64x1024xf32, #tpu.memory_space<hbm>> -> memref<1x1024xf32, #tpu.memory_space<hbm>>
      %dma_start3A_2003 = tpu.memref_squeeze %dma_start3A_2002 : memref<1x1024xf32, #tpu.memory_space<hbm>> -> memref<1024xf32, #tpu.memory_space<hbm>>
      tpu.enqueue_dma source(%dma_start3A_2003 : memref<1024xf32, #tpu.memory_space<hbm>>) target(%arg10 : memref<1024xf32, #tpu.memory_space<vmem>>) target_semaphore(%run_scoped3A : memref<!tpu.dma_semaphore, #tpu.memory_space<semaphore_mem>>)
      %dma_wait3A = arith.constant 0 : i32
      %dma_wait3A_2004 = tpu.memref_slice %arg2[%add3A_1034, %dma_wait3A] : memref<64x1024xf32, #tpu.memory_space<hbm>> -> memref<1x1024xf32, #tpu.memory_space<hbm>>
      %dma_wait3A_2005 = tpu.memref_squeeze %dma_wait3A_2004 : memref<1x1024xf32, #tpu.memory_space<hbm>> -> memref<1024xf32, #tpu.memory_space<hbm>>
      %dma_wait3A_2006 = arith.constant 0 : i32
      %dma_wait3A_2007 = tpu.memref_slice %arg2[%add3A_1034, %dma_wait3A_2006] : memref<64x1024xf32, #tpu.memory_space<hbm>> -> memref<1x1024xf32, #tpu.memory_space<hbm>>
      %dma_wait3A_2008 = tpu.memref_squeeze %dma_wait3A_2007 : memref<1x1024xf32, #tpu.memory_space<hbm>> -> memref<1024xf32, #tpu.memory_space<hbm>>
      tpu.wait_dma2 semaphore(%run_scoped3A : memref<!tpu.dma_semaphore, #tpu.memory_space<semaphore_mem>>) src(%dma_wait3A_2008 : memref<1024xf32, #tpu.memory_space<hbm>>) dst(%arg10 : memref<1024xf32, #tpu.memory_space<vmem>>)
      tpu.yield
    }) : () -> ()
    "tpu.region"() ({
      %run_scoped3A = tpu.sem_alloc : memref<!tpu.dma_semaphore, #tpu.memory_space<semaphore_mem>>
      %dma_start3A = arith.constant 0 : i32
      %dma_start3A_1999 = tpu.memref_slice %arg3[%add3A_1034, %dma_start3A] : memref<64x400xf32, #tpu.memory_space<hbm>> -> memref<1x400xf32, #tpu.memory_space<hbm>>
      %dma_start3A_2000 = tpu.memref_squeeze %dma_start3A_1999 : memref<1x400xf32, #tpu.memory_space<hbm>> -> memref<400xf32, #tpu.memory_space<hbm>>
      %dma_start3A_2001 = arith.constant 0 : i32
      %dma_start3A_2002 = tpu.memref_slice %arg3[%add3A_1034, %dma_start3A_2001] : memref<64x400xf32, #tpu.memory_space<hbm>> -> memref<1x400xf32, #tpu.memory_space<hbm>>
      %dma_start3A_2003 = tpu.memref_squeeze %dma_start3A_2002 : memref<1x400xf32, #tpu.memory_space<hbm>> -> memref<400xf32, #tpu.memory_space<hbm>>
      tpu.enqueue_dma source(%dma_start3A_2003 : memref<400xf32, #tpu.memory_space<hbm>>) target(%arg11 : memref<400xf32, #tpu.memory_space<vmem>>) target_semaphore(%run_scoped3A : memref<!tpu.dma_semaphore, #tpu.memory_space<semaphore_mem>>)
      %dma_wait3A = arith.constant 0 : i32
      %dma_wait3A_2004 = tpu.memref_slice %arg3[%add3A_1034, %dma_wait3A] : memref<64x400xf32, #tpu.memory_space<hbm>> -> memref<1x400xf32, #tpu.memory_space<hbm>>
      %dma_wait3A_2005 = tpu.memref_squeeze %dma_wait3A_2004 : memref<1x400xf32, #tpu.memory_space<hbm>> -> memref<400xf32, #tpu.memory_space<hbm>>
      %dma_wait3A_2006 = arith.constant 0 : i32
      %dma_wait3A_2007 = tpu.memref_slice %arg3[%add3A_1034, %dma_wait3A_2006] : memref<64x400xf32, #tpu.memory_space<hbm>> -> memref<1x400xf32, #tpu.memory_space<hbm>>
      %dma_wait3A_2008 = tpu.memref_squeeze %dma_wait3A_2007 : memref<1x400xf32, #tpu.memory_space<hbm>> -> memref<400xf32, #tpu.memory_space<hbm>>
      tpu.wait_dma2 semaphore(%run_scoped3A : memref<!tpu.dma_semaphore, #tpu.memory_space<semaphore_mem>>) src(%dma_wait3A_2008 : memref<400xf32, #tpu.memory_space<hbm>>) dst(%arg11 : memref<400xf32, #tpu.memory_space<vmem>>)
      tpu.yield
    }) : () -> ()
    "tpu.region"() ({
      %run_scoped3A = tpu.sem_alloc : memref<!tpu.dma_semaphore, #tpu.memory_space<semaphore_mem>>
      %dma_start3A = arith.constant 0 : i32
      %dma_start3A_1999 = tpu.memref_slice %arg4[%add3A_1034, %dma_start3A] : memref<64x104xi32, #tpu.memory_space<hbm>> -> memref<1x104xi32, #tpu.memory_space<hbm>>
      %dma_start3A_2000 = tpu.memref_squeeze %dma_start3A_1999 : memref<1x104xi32, #tpu.memory_space<hbm>> -> memref<104xi32, #tpu.memory_space<hbm>>
      %dma_start3A_2001 = arith.constant 0 : i32
      %dma_start3A_2002 = tpu.memref_slice %arg4[%add3A_1034, %dma_start3A_2001] : memref<64x104xi32, #tpu.memory_space<hbm>> -> memref<1x104xi32, #tpu.memory_space<hbm>>
      %dma_start3A_2003 = tpu.memref_squeeze %dma_start3A_2002 : memref<1x104xi32, #tpu.memory_space<hbm>> -> memref<104xi32, #tpu.memory_space<hbm>>
      tpu.enqueue_dma source(%dma_start3A_2003 : memref<104xi32, #tpu.memory_space<hbm>>) target(%arg12 : memref<104xi32, #tpu.memory_space<vmem>>) target_semaphore(%run_scoped3A : memref<!tpu.dma_semaphore, #tpu.memory_space<semaphore_mem>>)
      %dma_wait3A = arith.constant 0 : i32
      %dma_wait3A_2004 = tpu.memref_slice %arg4[%add3A_1034, %dma_wait3A] : memref<64x104xi32, #tpu.memory_space<hbm>> -> memref<1x104xi32, #tpu.memory_space<hbm>>
      %dma_wait3A_2005 = tpu.memref_squeeze %dma_wait3A_2004 : memref<1x104xi32, #tpu.memory_space<hbm>> -> memref<104xi32, #tpu.memory_space<hbm>>
      %dma_wait3A_2006 = arith.constant 0 : i32
      %dma_wait3A_2007 = tpu.memref_slice %arg4[%add3A_1034, %dma_wait3A_2006] : memref<64x104xi32, #tpu.memory_space<hbm>> -> memref<1x104xi32, #tpu.memory_space<hbm>>
      %dma_wait3A_2008 = tpu.memref_squeeze %dma_wait3A_2007 : memref<1x104xi32, #tpu.memory_space<hbm>> -> memref<104xi32, #tpu.memory_space<hbm>>
      tpu.wait_dma2 semaphore(%run_scoped3A : memref<!tpu.dma_semaphore, #tpu.memory_space<semaphore_mem>>) src(%dma_wait3A_2008 : memref<104xi32, #tpu.memory_space<hbm>>) dst(%arg12 : memref<104xi32, #tpu.memory_space<vmem>>)
      tpu.yield
    }) : () -> ()
    "tpu.region"() ({
      %run_scoped3A = tpu.sem_alloc : memref<!tpu.dma_semaphore, #tpu.memory_space<semaphore_mem>>
      %dma_start3A = arith.constant 0 : i32
      %dma_start3A_1999 = tpu.memref_slice %arg5[%add3A_1034, %dma_start3A] : memref<64x64xi32, #tpu.memory_space<hbm>> -> memref<1x64xi32, #tpu.memory_space<hbm>>
      %dma_start3A_2000 = tpu.memref_squeeze %dma_start3A_1999 : memref<1x64xi32, #tpu.memory_space<hbm>> -> memref<64xi32, #tpu.memory_space<hbm>>
      %dma_start3A_2001 = arith.constant 0 : i32
      %dma_start3A_2002 = tpu.memref_slice %arg5[%add3A_1034, %dma_start3A_2001] : memref<64x64xi32, #tpu.memory_space<hbm>> -> memref<1x64xi32, #tpu.memory_space<hbm>>
      %dma_start3A_2003 = tpu.memref_squeeze %dma_start3A_2002 : memref<1x64xi32, #tpu.memory_space<hbm>> -> memref<64xi32, #tpu.memory_space<hbm>>
      tpu.enqueue_dma source(%dma_start3A_2003 : memref<64xi32, #tpu.memory_space<hbm>>) target(%arg13 : memref<64xi32, #tpu.memory_space<vmem>>) target_semaphore(%run_scoped3A : memref<!tpu.dma_semaphore, #tpu.memory_space<semaphore_mem>>)
      %dma_wait3A = arith.constant 0 : i32
      %dma_wait3A_2004 = tpu.memref_slice %arg5[%add3A_1034, %dma_wait3A] : memref<64x64xi32, #tpu.memory_space<hbm>> -> memref<1x64xi32, #tpu.memory_space<hbm>>
      %dma_wait3A_2005 = tpu.memref_squeeze %dma_wait3A_2004 : memref<1x64xi32, #tpu.memory_space<hbm>> -> memref<64xi32, #tpu.memory_space<hbm>>
      %dma_wait3A_2006 = arith.constant 0 : i32
      %dma_wait3A_2007 = tpu.memref_slice %arg5[%add3A_1034, %dma_wait3A_2006] : memref<64x64xi32, #tpu.memory_space<hbm>> -> memref<1x64xi32, #tpu.memory_space<hbm>>
      %dma_wait3A_2008 = tpu.memref_squeeze %dma_wait3A_2007 : memref<1x64xi32, #tpu.memory_space<hbm>> -> memref<64xi32, #tpu.memory_space<hbm>>
      tpu.wait_dma2 semaphore(%run_scoped3A : memref<!tpu.dma_semaphore, #tpu.memory_space<semaphore_mem>>) src(%dma_wait3A_2008 : memref<64xi32, #tpu.memory_space<hbm>>) dst(%arg13 : memref<64xi32, #tpu.memory_space<vmem>>)
      tpu.yield
    }) : () -> ()
    %get3A_1035 = arith.constant 0 : index
    %get3A_1036 = tpu.vector_load %arg14[%get3A_1035] {strides = array<i32>} : memref<128xi32, #tpu.memory_space<vmem>>, vector<16xi32>,
    %add3A_1037 = arith.constant 0 : i32
    %add3A_1038 = vector.broadcast %add3A_1037 : i32 to vector<16xi32>
    %add3A_1039 = arith.addi %get3A_1036, %add3A_1038 : vector<16xi32>
    tpu.vector_store_idx %arg8[%add3A_1039], %broadcast_in_dim3A_1 : memref<82944xf32, #tpu.memory_space<vmem>>[vector<16xi32>], vector<16xf32>,
    %add3A_1040 = arith.constant 1 : i32
    %add3A_1041 = vector.broadcast %add3A_1040 : i32 to vector<16xi32>
    %add3A_1042 = arith.addi %get3A_1036, %add3A_1041 : vector<16xi32>
    tpu.vector_store_idx %arg8[%add3A_1042], %broadcast_in_dim3A_1 : memref<82944xf32, #tpu.memory_space<vmem>>[vector<16xi32>], vector<16xf32>,
    %add3A_1043 = arith.constant 2 : i32
    %add3A_1044 = vector.broadcast %add3A_1043 : i32 to vector<16xi32>
    %add3A_1045 = arith.addi %get3A_1036, %add3A_1044 : vector<16xi32>
    tpu.vector_store_idx %arg8[%add3A_1045], %broadcast_in_dim3A_1 : memref<82944xf32, #tpu.memory_space<vmem>>[vector<16xi32>], vector<16xf32>,
    %add3A_1046 = arith.constant 3 : i32
    %add3A_1047 = vector.broadcast %add3A_1046 : i32 to vector<16xi32>
    %add3A_1048 = arith.addi %get3A_1036, %add3A_1047 : vector<16xi32>
    tpu.vector_store_idx %arg8[%add3A_1048], %broadcast_in_dim3A_1 : memref<82944xf32, #tpu.memory_space<vmem>>[vector<16xi32>], vector<16xf32>,
    %get3A_1049 = arith.constant 64 : index
    %get3A_1050 = tpu.vector_load %arg14[%get3A_1049] {strides = array<i32>} : memref<128xi32, #tpu.memory_space<vmem>>, vector<16xi32>,
    tpu.vector_store_idx %arg9[%get3A_1050], %broadcast_in_dim3A_3 : memref<20736xi32, #tpu.memory_space<vmem>>[vector<16xi32>], vector<16xi32>,
    %get3A_1051 = arith.constant 16 : index
    %get3A_1052 = tpu.vector_load %arg14[%get3A_1051] {strides = array<i32>} : memref<128xi32, #tpu.memory_space<vmem>>, vector<16xi32>,
    %add3A_1053 = arith.constant 0 : i32
    %add3A_1054 = vector.broadcast %add3A_1053 : i32 to vector<16xi32>
    %add3A_1055 = arith.addi %get3A_1052, %add3A_1054 : vector<16xi32>
    tpu.vector_store_idx %arg8[%add3A_1055], %broadcast_in_dim3A_1 : memref<82944xf32, #tpu.memory_space<vmem>>[vector<16xi32>], vector<16xf32>,
    %add3A_1056 = arith.constant 1 : i32
    %add3A_1057 = vector.broadcast %add3A_1056 : i32 to vector<16xi32>
    %add3A_1058 = arith.addi %get3A_1052, %add3A_1057 : vector<16xi32>
    tpu.vector_store_idx %arg8[%add3A_1058], %broadcast_in_dim3A_1 : memref<82944xf32, #tpu.memory_space<vmem>>[vector<16xi32>], vector<16xf32>,
    %add3A_1059 = arith.constant 2 : i32
    %add3A_1060 = vector.broadcast %add3A_1059 : i32 to vector<16xi32>
    %add3A_1061 = arith.addi %get3A_1052, %add3A_1060 : vector<16xi32>
    tpu.vector_store_idx %arg8[%add3A_1061], %broadcast_in_dim3A_1 : memref<82944xf32, #tpu.memory_space<vmem>>[vector<16xi32>], vector<16xf32>,
    %add3A_1062 = arith.constant 3 : i32
    %add3A_1063 = vector.broadcast %add3A_1062 : i32 to vector<16xi32>
    %add3A_1064 = arith.addi %get3A_1052, %add3A_1063 : vector<16xi32>
    tpu.vector_store_idx %arg8[%add3A_1064], %broadcast_in_dim3A_1 : memref<82944xf32, #tpu.memory_space<vmem>>[vector<16xi32>], vector<16xf32>,
    %get3A_1065 = arith.constant 80 : index
    %get3A_1066 = tpu.vector_load %arg14[%get3A_1065] {strides = array<i32>} : memref<128xi32, #tpu.memory_space<vmem>>, vector<16xi32>,
    tpu.vector_store_idx %arg9[%get3A_1066], %broadcast_in_dim3A_3 : memref<20736xi32, #tpu.memory_space<vmem>>[vector<16xi32>], vector<16xi32>,
    %get3A_1067 = arith.constant 32 : index
    %get3A_1068 = tpu.vector_load %arg14[%get3A_1067] {strides = array<i32>} : memref<128xi32, #tpu.memory_space<vmem>>, vector<16xi32>,
    %add3A_1069 = arith.constant 0 : i32
    %add3A_1070 = vector.broadcast %add3A_1069 : i32 to vector<16xi32>
    %add3A_1071 = arith.addi %get3A_1068, %add3A_1070 : vector<16xi32>
    tpu.vector_store_idx %arg8[%add3A_1071], %broadcast_in_dim3A_1 : memref<82944xf32, #tpu.memory_space<vmem>>[vector<16xi32>], vector<16xf32>,
    %add3A_1072 = arith.constant 1 : i32
    %add3A_1073 = vector.broadcast %add3A_1072 : i32 to vector<16xi32>
    %add3A_1074 = arith.addi %get3A_1068, %add3A_1073 : vector<16xi32>
    tpu.vector_store_idx %arg8[%add3A_1074], %broadcast_in_dim3A_1 : memref<82944xf32, #tpu.memory_space<vmem>>[vector<16xi32>], vector<16xf32>,
    %add3A_1075 = arith.constant 2 : i32
    %add3A_1076 = vector.broadcast %add3A_1075 : i32 to vector<16xi32>
    %add3A_1077 = arith.addi %get3A_1068, %add3A_1076 : vector<16xi32>
    tpu.vector_store_idx %arg8[%add3A_1077], %broadcast_in_dim3A_1 : memref<82944xf32, #tpu.memory_space<vmem>>[vector<16xi32>], vector<16xf32>,
    %add3A_1078 = arith.constant 3 : i32
    %add3A_1079 = vector.broadcast %add3A_1078 : i32 to vector<16xi32>
    %add3A_1080 = arith.addi %get3A_1068, %add3A_1079 : vector<16xi32>
    tpu.vector_store_idx %arg8[%add3A_1080], %broadcast_in_dim3A_1 : memref<82944xf32, #tpu.memory_space<vmem>>[vector<16xi32>], vector<16xf32>,
    %get3A_1081 = arith.constant 96 : index
    %get3A_1082 = tpu.vector_load %arg14[%get3A_1081] {strides = array<i32>} : memref<128xi32, #tpu.memory_space<vmem>>, vector<16xi32>,
    tpu.vector_store_idx %arg9[%get3A_1082], %broadcast_in_dim3A_3 : memref<20736xi32, #tpu.memory_space<vmem>>[vector<16xi32>], vector<16xi32>,
    %get3A_1083 = arith.constant 48 : index
    %get3A_1084 = tpu.vector_load %arg14[%get3A_1083] {strides = array<i32>} : memref<128xi32, #tpu.memory_space<vmem>>, vector<16xi32>,
    %add3A_1085 = arith.constant 0 : i32
    %add3A_1086 = vector.broadcast %add3A_1085 : i32 to vector<16xi32>
    %add3A_1087 = arith.addi %get3A_1084, %add3A_1086 : vector<16xi32>
    tpu.vector_store_idx %arg8[%add3A_1087], %broadcast_in_dim3A_1 : memref<82944xf32, #tpu.memory_space<vmem>>[vector<16xi32>], vector<16xf32>,
    %add3A_1088 = arith.constant 1 : i32
    %add3A_1089 = vector.broadcast %add3A_1088 : i32 to vector<16xi32>
    %add3A_1090 = arith.addi %get3A_1084, %add3A_1089 : vector<16xi32>
    tpu.vector_store_idx %arg8[%add3A_1090], %broadcast_in_dim3A_1 : memref<82944xf32, #tpu.memory_space<vmem>>[vector<16xi32>], vector<16xf32>,
    %add3A_1091 = arith.constant 2 : i32
    %add3A_1092 = vector.broadcast %add3A_1091 : i32 to vector<16xi32>
    %add3A_1093 = arith.addi %get3A_1084, %add3A_1092 : vector<16xi32>
    tpu.vector_store_idx %arg8[%add3A_1093], %broadcast_in_dim3A_1 : memref<82944xf32, #tpu.memory_space<vmem>>[vector<16xi32>], vector<16xf32>,
    %add3A_1094 = arith.constant 3 : i32
    %add3A_1095 = vector.broadcast %add3A_1094 : i32 to vector<16xi32>
    %add3A_1096 = arith.addi %get3A_1084, %add3A_1095 : vector<16xi32>
    tpu.vector_store_idx %arg8[%add3A_1096], %broadcast_in_dim3A_1 : memref<82944xf32, #tpu.memory_space<vmem>>[vector<16xi32>], vector<16xf32>,
    %get3A_1097 = arith.constant 112 : index
    %get3A_1098 = tpu.vector_load %arg14[%get3A_1097] {strides = array<i32>} : memref<128xi32, #tpu.memory_space<vmem>>, vector<16xi32>,
    tpu.vector_store_idx %arg9[%get3A_1098], %broadcast_in_dim3A_3 : memref<20736xi32, #tpu.memory_space<vmem>>[vector<16xi32>], vector<16xi32>,
    %get3A_1099 = arith.constant 0 : index
    %get3A_1100 = tpu.vector_load %arg13[%get3A_1099] {strides = array<i32>} : memref<64xi32, #tpu.memory_space<vmem>>, vector<16xi32>,
    %mul3A_1101 = arith.constant 4 : i32
    %mul3A_1102 = vector.broadcast %mul3A_1101 : i32 to vector<16xi32>
    %mul3A_1103 = arith.muli %get3A_1100, %mul3A_1102 : vector<16xi32>
    %gather3A_1104 = tpu.vector_load_idx %arg11[%mul3A_1103] : memref<400xf32, #tpu.memory_space<vmem>>[vector<16xi32>], vector<16xf32>,
    %add3A_1105 = arith.constant 1 : i32
    %add3A_1106 = vector.broadcast %add3A_1105 : i32 to vector<16xi32>
    %add3A_1107 = arith.addi %mul3A_1103, %add3A_1106 : vector<16xi32>
    %gather3A_1108 = tpu.vector_load_idx %arg11[%add3A_1107] : memref<400xf32, #tpu.memory_space<vmem>>[vector<16xi32>], vector<16xf32>,
    %add3A_1109 = arith.constant 2 : i32
    %add3A_1110 = vector.broadcast %add3A_1109 : i32 to vector<16xi32>
    %add3A_1111 = arith.addi %mul3A_1103, %add3A_1110 : vector<16xi32>
    %gather3A_1112 = tpu.vector_load_idx %arg11[%add3A_1111] : memref<400xf32, #tpu.memory_space<vmem>>[vector<16xi32>], vector<16xf32>,
    %add3A_1113 = arith.constant 3 : i32
    %add3A_1114 = vector.broadcast %add3A_1113 : i32 to vector<16xi32>
    %add3A_1115 = arith.addi %mul3A_1103, %add3A_1114 : vector<16xi32>
    %gather3A_1116 = tpu.vector_load_idx %arg11[%add3A_1115] : memref<400xf32, #tpu.memory_space<vmem>>[vector<16xi32>], vector<16xf32>,
    %gather3A_1117 = tpu.vector_load_idx %arg12[%get3A_1100] : memref<104xi32, #tpu.memory_space<vmem>>[vector<16xi32>], vector<16xi32>,
    %mul3A_1118 = arith.constant 4 : i32
    %mul3A_1119 = vector.broadcast %mul3A_1118 : i32 to vector<16xi32>
    %mul3A_1120 = arith.muli %iota3A, %mul3A_1119 : vector<16xi32>
    %add3A_1121 = arith.constant 0 : i32
    %add3A_1122 = vector.broadcast %add3A_1121 : i32 to vector<16xi32>
    %add3A_1123 = arith.addi %mul3A_1120, %add3A_1122 : vector<16xi32>
    %gather3A_1124 = tpu.vector_load_idx %arg10[%add3A_1123] : memref<1024xf32, #tpu.memory_space<vmem>>[vector<16xi32>], vector<16xf32>,
    %add3A_1125 = arith.constant 1 : i32
    %add3A_1126 = vector.broadcast %add3A_1125 : i32 to vector<16xi32>
    %add3A_1127 = arith.addi %add3A_1123, %add3A_1126 : vector<16xi32>
    %gather3A_1128 = tpu.vector_load_idx %arg10[%add3A_1127] : memref<1024xf32, #tpu.memory_space<vmem>>[vector<16xi32>], vector<16xf32>,
    %add3A_1129 = arith.constant 2 : i32
    %add3A_1130 = vector.broadcast %add3A_1129 : i32 to vector<16xi32>
    %add3A_1131 = arith.addi %add3A_1123, %add3A_1130 : vector<16xi32>
    %gather3A_1132 = tpu.vector_load_idx %arg10[%add3A_1131] : memref<1024xf32, #tpu.memory_space<vmem>>[vector<16xi32>], vector<16xf32>,
    %add3A_1133 = arith.constant 3 : i32
    %add3A_1134 = vector.broadcast %add3A_1133 : i32 to vector<16xi32>
    %add3A_1135 = arith.addi %add3A_1123, %add3A_1134 : vector<16xi32>
    %gather3A_1136 = tpu.vector_load_idx %arg10[%add3A_1135] : memref<1024xf32, #tpu.memory_space<vmem>>[vector<16xi32>], vector<16xf32>,
    %sub3A_1137 = arith.subf %gather3A_1136, %gather3A_1128 : vector<16xf32>
    %sub3A_1138 = arith.subf %gather3A_1132, %gather3A_1124 : vector<16xf32>
    %mul3A_1139 = arith.constant 5.000000e-01 : f32
    %mul3A_1140 = vector.broadcast %mul3A_1139 : f32 to vector<16xf32>
    %mul3A_1141 = arith.mulf %mul3A_1140, %sub3A_1137 : vector<16xf32>
    %add3A_1142 = arith.addf %gather3A_1128, %mul3A_1141 : vector<16xf32>
    %mul3A_1143 = arith.constant 5.000000e-01 : f32
    %mul3A_1144 = vector.broadcast %mul3A_1143 : f32 to vector<16xf32>
    %mul3A_1145 = arith.mulf %mul3A_1144, %sub3A_1138 : vector<16xf32>
    %add3A_1146 = arith.addf %gather3A_1124, %mul3A_1145 : vector<16xf32>
    %sub3A_1147 = arith.subf %gather3A_1116, %gather3A_1108 : vector<16xf32>
    %sub3A_1148 = arith.subf %gather3A_1112, %gather3A_1104 : vector<16xf32>
    %mul3A_1149 = arith.constant 5.000000e-01 : f32
    %mul3A_1150 = vector.broadcast %mul3A_1149 : f32 to vector<16xf32>
    %mul3A_1151 = arith.mulf %mul3A_1150, %sub3A_1147 : vector<16xf32>
    %add3A_1152 = arith.addf %gather3A_1108, %mul3A_1151 : vector<16xf32>
    %mul3A_1153 = arith.constant 5.000000e-01 : f32
    %mul3A_1154 = vector.broadcast %mul3A_1153 : f32 to vector<16xf32>
    %mul3A_1155 = arith.mulf %mul3A_1154, %sub3A_1148 : vector<16xf32>
    %add3A_1156 = arith.addf %gather3A_1104, %mul3A_1155 : vector<16xf32>
    %eq3A_1157 = arith.constant 0.000000e+00 : f32
    %eq3A_1158 = vector.broadcast %eq3A_1157 : f32 to vector<16xf32>
    %eq3A_1159 = arith.cmpf oeq, %sub3A_1137, %eq3A_1158 : vector<16xf32>
    %jit3A_1160 = arith.constant 1.000000e-03 : f32
    %broadcast_in_dim3A_1161 = vector.broadcast %jit3A_1160 : f32 to vector<16xf32>
    %select_n3A_1162 = arith.select %eq3A_1159, %broadcast_in_dim3A_1161, %sub3A_1137 : vector<16xi1>, vector<16xf32>
    %eq3A_1163 = arith.constant 0.000000e+00 : f32
    %eq3A_1164 = vector.broadcast %eq3A_1163 : f32 to vector<16xf32>
    %eq3A_1165 = arith.cmpf oeq, %sub3A_1138, %eq3A_1164 : vector<16xf32>
    %jit3A_1166 = arith.constant 1.000000e-03 : f32
    %broadcast_in_dim3A_1167 = vector.broadcast %jit3A_1166 : f32 to vector<16xf32>
    %select_n3A_1168 = arith.select %eq3A_1165, %broadcast_in_dim3A_1167, %sub3A_1138 : vector<16xi1>, vector<16xf32>
    %eq3A_1169 = arith.constant 0.000000e+00 : f32
    %eq3A_1170 = vector.broadcast %eq3A_1169 : f32 to vector<16xf32>
    %eq3A_1171 = arith.cmpf oeq, %sub3A_1147, %eq3A_1170 : vector<16xf32>
    %eq3A_1172 = arith.constant 0.000000e+00 : f32
    %eq3A_1173 = vector.broadcast %eq3A_1172 : f32 to vector<16xf32>
    %eq3A_1174 = arith.cmpf oeq, %sub3A_1148, %eq3A_1173 : vector<16xf32>
    %sub3A_1175 = arith.subf %add3A_1152, %add3A_1142 : vector<16xf32>
    %div3A_1176 = arith.divf %sub3A_1175, %select_n3A_1162 : vector<16xf32>
    %jit3A_1177 = arith.constant 0.000000e+00 : f32
    %broadcast_in_dim3A_1178 = vector.broadcast %jit3A_1177 : f32 to vector<16xf32>
    %select_n3A_1179 = arith.select %eq3A_1171, %broadcast_in_dim3A_1178, %div3A_1176 : vector<16xi1>, vector<16xf32>
    %sub3A_1180 = arith.subf %add3A_1156, %add3A_1146 : vector<16xf32>
    %div3A_1181 = arith.divf %sub3A_1180, %select_n3A_1168 : vector<16xf32>
    %jit3A_1182 = arith.constant 0.000000e+00 : f32
    %broadcast_in_dim3A_1183 = vector.broadcast %jit3A_1182 : f32 to vector<16xf32>
    %select_n3A_1184 = arith.select %eq3A_1174, %broadcast_in_dim3A_1183, %div3A_1181 : vector<16xi1>, vector<16xf32>
    %div3A_1185 = arith.divf %sub3A_1147, %select_n3A_1162 : vector<16xf32>
    %bitcast_convert_type3A_1186 = tpu.bitcast %div3A_1185 : vector<16xf32> -> vector<16xi32>
    %shift_right_arithmetic3A_1187 = arith.constant 23 : i32
    %shift_right_arithmetic3A_1188 = vector.broadcast %shift_right_arithmetic3A_1187 : i32 to vector<16xi32>
    %shift_right_arithmetic3A_1189 = arith.shrsi %bitcast_convert_type3A_1186, %shift_right_arithmetic3A_1188 : vector<16xi32>
    %sub3A_1190 = arith.constant 127 : i32
    %sub3A_1191 = vector.broadcast %sub3A_1190 : i32 to vector<16xi32>
    %sub3A_1192 = arith.subi %shift_right_arithmetic3A_1189, %sub3A_1191 : vector<16xi32>
    %and3A_1193 = arith.constant 8388607 : i32
    %and3A_1194 = vector.broadcast %and3A_1193 : i32 to vector<16xi32>
    %and3A_1195 = arith.andi %bitcast_convert_type3A_1186, %and3A_1194 : vector<16xi32>
    %or3A_1196 = arith.constant 1065353216 : i32
    %or3A_1197 = vector.broadcast %or3A_1196 : i32 to vector<16xi32>
    %or3A_1198 = arith.ori %and3A_1195, %or3A_1197 : vector<16xi32>
    %bitcast_convert_type3A_1199 = tpu.bitcast %or3A_1198 : vector<16xi32> -> vector<16xf32>
    %gt3A_1200 = arith.constant 1.41421354 : f32
    %gt3A_1201 = vector.broadcast %gt3A_1200 : f32 to vector<16xf32>
    %gt3A_1202 = arith.cmpf ogt, %bitcast_convert_type3A_1199, %gt3A_1201 : vector<16xf32>
    %mul3A_1203 = arith.constant 5.000000e-01 : f32
    %mul3A_1204 = vector.broadcast %mul3A_1203 : f32 to vector<16xf32>
    %mul3A_1205 = arith.mulf %bitcast_convert_type3A_1199, %mul3A_1204 : vector<16xf32>
    %select_n3A_1206 = arith.select %gt3A_1202, %mul3A_1205, %bitcast_convert_type3A_1199 : vector<16xi1>, vector<16xf32>
    %convert_element_type3A_1207 = arith.extui %gt3A_1202 : vector<16xi1> to vector<16xi32>
    %add3A_1208 = arith.addi %sub3A_1192, %convert_element_type3A_1207 : vector<16xi32>
    %sub3A_1209 = arith.constant 1.000000e+00 : f32
    %sub3A_1210 = vector.broadcast %sub3A_1209 : f32 to vector<16xf32>
    %sub3A_1211 = arith.subf %select_n3A_1206, %sub3A_1210 : vector<16xf32>
    %add3A_1212 = arith.constant 1.000000e+00 : f32
    %add3A_1213 = vector.broadcast %add3A_1212 : f32 to vector<16xf32>
    %add3A_1214 = arith.addf %select_n3A_1206, %add3A_1213 : vector<16xf32>
    %div3A_1215 = arith.divf %sub3A_1211, %add3A_1214 : vector<16xf32>
    %mul3A_1216 = arith.mulf %div3A_1215, %div3A_1215 : vector<16xf32>
    %mul3A_1217 = arith.constant 2.000000e+00 : f32
    %mul3A_1218 = vector.broadcast %mul3A_1217 : f32 to vector<16xf32>
    %mul3A_1219 = arith.mulf %mul3A_1218, %div3A_1215 : vector<16xf32>
    %mul3A_1220 = arith.constant 0.142857149 : f32
    %mul3A_1221 = vector.broadcast %mul3A_1220 : f32 to vector<16xf32>
    %mul3A_1222 = arith.mulf %mul3A_1216, %mul3A_1221 : vector<16xf32>
    %add3A_1223 = arith.constant 2.000000e-01 : f32
    %add3A_1224 = vector.broadcast %add3A_1223 : f32 to vector<16xf32>
    %add3A_1225 = arith.addf %add3A_1224, %mul3A_1222 : vector<16xf32>
    %mul3A_1226 = arith.mulf %mul3A_1216, %add3A_1225 : vector<16xf32>
    %add3A_1227 = arith.constant 0.333333343 : f32
    %add3A_1228 = vector.broadcast %add3A_1227 : f32 to vector<16xf32>
    %add3A_1229 = arith.addf %add3A_1228, %mul3A_1226 : vector<16xf32>
    %mul3A_1230 = arith.mulf %mul3A_1216, %add3A_1229 : vector<16xf32>
    %add3A_1231 = arith.constant 1.000000e+00 : f32
    %add3A_1232 = vector.broadcast %add3A_1231 : f32 to vector<16xf32>
    %add3A_1233 = arith.addf %add3A_1232, %mul3A_1230 : vector<16xf32>
    %mul3A_1234 = arith.mulf %mul3A_1219, %add3A_1233 : vector<16xf32>
    %convert_element_type3A_1235 = arith.sitofp %add3A_1208 : vector<16xi32> to vector<16xf32>
    %mul3A_1236 = arith.constant 0.693147182 : f32
    %mul3A_1237 = vector.broadcast %mul3A_1236 : f32 to vector<16xf32>
    %mul3A_1238 = arith.mulf %convert_element_type3A_1235, %mul3A_1237 : vector<16xf32>
    %add3A_1239 = arith.addf %mul3A_1238, %mul3A_1234 : vector<16xf32>
    %jit3A_1240 = arith.constant 0.000000e+00 : f32
    %broadcast_in_dim3A_1241 = vector.broadcast %jit3A_1240 : f32 to vector<16xf32>
    %select_n3A_1242 = arith.select %eq3A_1171, %broadcast_in_dim3A_1241, %add3A_1239 : vector<16xi1>, vector<16xf32>
    %div3A_1243 = arith.divf %sub3A_1148, %select_n3A_1168 : vector<16xf32>
    %bitcast_convert_type3A_1244 = tpu.bitcast %div3A_1243 : vector<16xf32> -> vector<16xi32>
    %shift_right_arithmetic3A_1245 = arith.constant 23 : i32
    %shift_right_arithmetic3A_1246 = vector.broadcast %shift_right_arithmetic3A_1245 : i32 to vector<16xi32>
    %shift_right_arithmetic3A_1247 = arith.shrsi %bitcast_convert_type3A_1244, %shift_right_arithmetic3A_1246 : vector<16xi32>
    %sub3A_1248 = arith.constant 127 : i32
    %sub3A_1249 = vector.broadcast %sub3A_1248 : i32 to vector<16xi32>
    %sub3A_1250 = arith.subi %shift_right_arithmetic3A_1247, %sub3A_1249 : vector<16xi32>
    %and3A_1251 = arith.constant 8388607 : i32
    %and3A_1252 = vector.broadcast %and3A_1251 : i32 to vector<16xi32>
    %and3A_1253 = arith.andi %bitcast_convert_type3A_1244, %and3A_1252 : vector<16xi32>
    %or3A_1254 = arith.constant 1065353216 : i32
    %or3A_1255 = vector.broadcast %or3A_1254 : i32 to vector<16xi32>
    %or3A_1256 = arith.ori %and3A_1253, %or3A_1255 : vector<16xi32>
    %bitcast_convert_type3A_1257 = tpu.bitcast %or3A_1256 : vector<16xi32> -> vector<16xf32>
    %gt3A_1258 = arith.constant 1.41421354 : f32
    %gt3A_1259 = vector.broadcast %gt3A_1258 : f32 to vector<16xf32>
    %gt3A_1260 = arith.cmpf ogt, %bitcast_convert_type3A_1257, %gt3A_1259 : vector<16xf32>
    %mul3A_1261 = arith.constant 5.000000e-01 : f32
    %mul3A_1262 = vector.broadcast %mul3A_1261 : f32 to vector<16xf32>
    %mul3A_1263 = arith.mulf %bitcast_convert_type3A_1257, %mul3A_1262 : vector<16xf32>
    %select_n3A_1264 = arith.select %gt3A_1260, %mul3A_1263, %bitcast_convert_type3A_1257 : vector<16xi1>, vector<16xf32>
    %convert_element_type3A_1265 = arith.extui %gt3A_1260 : vector<16xi1> to vector<16xi32>
    %add3A_1266 = arith.addi %sub3A_1250, %convert_element_type3A_1265 : vector<16xi32>
    %sub3A_1267 = arith.constant 1.000000e+00 : f32
    %sub3A_1268 = vector.broadcast %sub3A_1267 : f32 to vector<16xf32>
    %sub3A_1269 = arith.subf %select_n3A_1264, %sub3A_1268 : vector<16xf32>
    %add3A_1270 = arith.constant 1.000000e+00 : f32
    %add3A_1271 = vector.broadcast %add3A_1270 : f32 to vector<16xf32>
    %add3A_1272 = arith.addf %select_n3A_1264, %add3A_1271 : vector<16xf32>
    %div3A_1273 = arith.divf %sub3A_1269, %add3A_1272 : vector<16xf32>
    %mul3A_1274 = arith.mulf %div3A_1273, %div3A_1273 : vector<16xf32>
    %mul3A_1275 = arith.constant 2.000000e+00 : f32
    %mul3A_1276 = vector.broadcast %mul3A_1275 : f32 to vector<16xf32>
    %mul3A_1277 = arith.mulf %mul3A_1276, %div3A_1273 : vector<16xf32>
    %mul3A_1278 = arith.constant 0.142857149 : f32
    %mul3A_1279 = vector.broadcast %mul3A_1278 : f32 to vector<16xf32>
    %mul3A_1280 = arith.mulf %mul3A_1274, %mul3A_1279 : vector<16xf32>
    %add3A_1281 = arith.constant 2.000000e-01 : f32
    %add3A_1282 = vector.broadcast %add3A_1281 : f32 to vector<16xf32>
    %add3A_1283 = arith.addf %add3A_1282, %mul3A_1280 : vector<16xf32>
    %mul3A_1284 = arith.mulf %mul3A_1274, %add3A_1283 : vector<16xf32>
    %add3A_1285 = arith.constant 0.333333343 : f32
    %add3A_1286 = vector.broadcast %add3A_1285 : f32 to vector<16xf32>
    %add3A_1287 = arith.addf %add3A_1286, %mul3A_1284 : vector<16xf32>
    %mul3A_1288 = arith.mulf %mul3A_1274, %add3A_1287 : vector<16xf32>
    %add3A_1289 = arith.constant 1.000000e+00 : f32
    %add3A_1290 = vector.broadcast %add3A_1289 : f32 to vector<16xf32>
    %add3A_1291 = arith.addf %add3A_1290, %mul3A_1288 : vector<16xf32>
    %mul3A_1292 = arith.mulf %mul3A_1277, %add3A_1291 : vector<16xf32>
    %convert_element_type3A_1293 = arith.sitofp %add3A_1266 : vector<16xi32> to vector<16xf32>
    %mul3A_1294 = arith.constant 0.693147182 : f32
    %mul3A_1295 = vector.broadcast %mul3A_1294 : f32 to vector<16xf32>
    %mul3A_1296 = arith.mulf %convert_element_type3A_1293, %mul3A_1295 : vector<16xf32>
    %add3A_1297 = arith.addf %mul3A_1296, %mul3A_1292 : vector<16xf32>
    %jit3A_1298 = arith.constant 0.000000e+00 : f32
    %broadcast_in_dim3A_1299 = vector.broadcast %jit3A_1298 : f32 to vector<16xf32>
    %select_n3A_1300 = arith.select %eq3A_1174, %broadcast_in_dim3A_1299, %add3A_1297 : vector<16xi1>, vector<16xf32>
    %add3A_1301 = arith.constant 0 : i32
    %add3A_1302 = vector.broadcast %add3A_1301 : i32 to vector<16xi32>
    %add3A_1303 = arith.addi %add3A_1302, %iota3A : vector<16xi32>
    %mul3A_1304 = arith.constant 324 : i32
    %mul3A_1305 = vector.broadcast %mul3A_1304 : i32 to vector<16xi32>
    %mul3A_1306 = arith.muli %add3A_1303, %mul3A_1305 : vector<16xi32>
    %mul3A_1307 = arith.constant 4 : i32
    %mul3A_1308 = vector.broadcast %mul3A_1307 : i32 to vector<16xi32>
    %mul3A_1309 = arith.muli %gather3A_1117, %mul3A_1308 : vector<16xi32>
    %add3A_1310 = arith.addi %mul3A_1306, %mul3A_1309 : vector<16xi32>
    %mul3A_1311 = arith.constant 81 : i32
    %mul3A_1312 = vector.broadcast %mul3A_1311 : i32 to vector<16xi32>
    %mul3A_1313 = arith.muli %add3A_1303, %mul3A_1312 : vector<16xi32>
    %add3A_1314 = arith.addi %mul3A_1313, %gather3A_1117 : vector<16xi32>
    tpu.vector_store_idx %arg8[%add3A_1310], %select_n3A_1184 : memref<82944xf32, #tpu.memory_space<vmem>>[vector<16xi32>], vector<16xf32>,
    %add3A_1315 = arith.constant 1 : i32
    %add3A_1316 = vector.broadcast %add3A_1315 : i32 to vector<16xi32>
    %add3A_1317 = arith.addi %add3A_1310, %add3A_1316 : vector<16xi32>
    tpu.vector_store_idx %arg8[%add3A_1317], %select_n3A_1179 : memref<82944xf32, #tpu.memory_space<vmem>>[vector<16xi32>], vector<16xf32>,
    %add3A_1318 = arith.constant 2 : i32
    %add3A_1319 = vector.broadcast %add3A_1318 : i32 to vector<16xi32>
    %add3A_1320 = arith.addi %add3A_1310, %add3A_1319 : vector<16xi32>
    tpu.vector_store_idx %arg8[%add3A_1320], %select_n3A_1300 : memref<82944xf32, #tpu.memory_space<vmem>>[vector<16xi32>], vector<16xf32>,
    %add3A_1321 = arith.constant 3 : i32
    %add3A_1322 = vector.broadcast %add3A_1321 : i32 to vector<16xi32>
    %add3A_1323 = arith.addi %add3A_1310, %add3A_1322 : vector<16xi32>
    tpu.vector_store_idx %arg8[%add3A_1323], %select_n3A_1242 : memref<82944xf32, #tpu.memory_space<vmem>>[vector<16xi32>], vector<16xf32>,
    tpu.vector_store_idx %arg9[%add3A_1314], %broadcast_in_dim3A_5 : memref<20736xi32, #tpu.memory_space<vmem>>[vector<16xi32>], vector<16xi32>,
    %get3A_1324 = arith.constant 16 : index
    %get3A_1325 = tpu.vector_load %arg13[%get3A_1324] {strides = array<i32>} : memref<64xi32, #tpu.memory_space<vmem>>, vector<16xi32>,
    %mul3A_1326 = arith.constant 4 : i32
    %mul3A_1327 = vector.broadcast %mul3A_1326 : i32 to vector<16xi32>
    %mul3A_1328 = arith.muli %get3A_1325, %mul3A_1327 : vector<16xi32>
    %gather3A_1329 = tpu.vector_load_idx %arg11[%mul3A_1328] : memref<400xf32, #tpu.memory_space<vmem>>[vector<16xi32>], vector<16xf32>,
    %add3A_1330 = arith.constant 1 : i32
    %add3A_1331 = vector.broadcast %add3A_1330 : i32 to vector<16xi32>
    %add3A_1332 = arith.addi %mul3A_1328, %add3A_1331 : vector<16xi32>
    %gather3A_1333 = tpu.vector_load_idx %arg11[%add3A_1332] : memref<400xf32, #tpu.memory_space<vmem>>[vector<16xi32>], vector<16xf32>,
    %add3A_1334 = arith.constant 2 : i32
    %add3A_1335 = vector.broadcast %add3A_1334 : i32 to vector<16xi32>
    %add3A_1336 = arith.addi %mul3A_1328, %add3A_1335 : vector<16xi32>
    %gather3A_1337 = tpu.vector_load_idx %arg11[%add3A_1336] : memref<400xf32, #tpu.memory_space<vmem>>[vector<16xi32>], vector<16xf32>,
    %add3A_1338 = arith.constant 3 : i32
    %add3A_1339 = vector.broadcast %add3A_1338 : i32 to vector<16xi32>
    %add3A_1340 = arith.addi %mul3A_1328, %add3A_1339 : vector<16xi32>
    %gather3A_1341 = tpu.vector_load_idx %arg11[%add3A_1340] : memref<400xf32, #tpu.memory_space<vmem>>[vector<16xi32>], vector<16xf32>,
    %gather3A_1342 = tpu.vector_load_idx %arg12[%get3A_1325] : memref<104xi32, #tpu.memory_space<vmem>>[vector<16xi32>], vector<16xi32>,
    %mul3A_1343 = arith.constant 4 : i32
    %mul3A_1344 = vector.broadcast %mul3A_1343 : i32 to vector<16xi32>
    %mul3A_1345 = arith.muli %iota3A, %mul3A_1344 : vector<16xi32>
    %add3A_1346 = arith.constant 64 : i32
    %add3A_1347 = vector.broadcast %add3A_1346 : i32 to vector<16xi32>
    %add3A_1348 = arith.addi %mul3A_1345, %add3A_1347 : vector<16xi32>
    %gather3A_1349 = tpu.vector_load_idx %arg10[%add3A_1348] : memref<1024xf32, #tpu.memory_space<vmem>>[vector<16xi32>], vector<16xf32>,
    %add3A_1350 = arith.constant 1 : i32
    %add3A_1351 = vector.broadcast %add3A_1350 : i32 to vector<16xi32>
    %add3A_1352 = arith.addi %add3A_1348, %add3A_1351 : vector<16xi32>
    %gather3A_1353 = tpu.vector_load_idx %arg10[%add3A_1352] : memref<1024xf32, #tpu.memory_space<vmem>>[vector<16xi32>], vector<16xf32>,
    %add3A_1354 = arith.constant 2 : i32
    %add3A_1355 = vector.broadcast %add3A_1354 : i32 to vector<16xi32>
    %add3A_1356 = arith.addi %add3A_1348, %add3A_1355 : vector<16xi32>
    %gather3A_1357 = tpu.vector_load_idx %arg10[%add3A_1356] : memref<1024xf32, #tpu.memory_space<vmem>>[vector<16xi32>], vector<16xf32>,
    %add3A_1358 = arith.constant 3 : i32
    %add3A_1359 = vector.broadcast %add3A_1358 : i32 to vector<16xi32>
    %add3A_1360 = arith.addi %add3A_1348, %add3A_1359 : vector<16xi32>
    %gather3A_1361 = tpu.vector_load_idx %arg10[%add3A_1360] : memref<1024xf32, #tpu.memory_space<vmem>>[vector<16xi32>], vector<16xf32>,
    %sub3A_1362 = arith.subf %gather3A_1361, %gather3A_1353 : vector<16xf32>
    %sub3A_1363 = arith.subf %gather3A_1357, %gather3A_1349 : vector<16xf32>
    %mul3A_1364 = arith.constant 5.000000e-01 : f32
    %mul3A_1365 = vector.broadcast %mul3A_1364 : f32 to vector<16xf32>
    %mul3A_1366 = arith.mulf %mul3A_1365, %sub3A_1362 : vector<16xf32>
    %add3A_1367 = arith.addf %gather3A_1353, %mul3A_1366 : vector<16xf32>
    %mul3A_1368 = arith.constant 5.000000e-01 : f32
    %mul3A_1369 = vector.broadcast %mul3A_1368 : f32 to vector<16xf32>
    %mul3A_1370 = arith.mulf %mul3A_1369, %sub3A_1363 : vector<16xf32>
    %add3A_1371 = arith.addf %gather3A_1349, %mul3A_1370 : vector<16xf32>
    %sub3A_1372 = arith.subf %gather3A_1341, %gather3A_1333 : vector<16xf32>
    %sub3A_1373 = arith.subf %gather3A_1337, %gather3A_1329 : vector<16xf32>
    %mul3A_1374 = arith.constant 5.000000e-01 : f32
    %mul3A_1375 = vector.broadcast %mul3A_1374 : f32 to vector<16xf32>
    %mul3A_1376 = arith.mulf %mul3A_1375, %sub3A_1372 : vector<16xf32>
    %add3A_1377 = arith.addf %gather3A_1333, %mul3A_1376 : vector<16xf32>
    %mul3A_1378 = arith.constant 5.000000e-01 : f32
    %mul3A_1379 = vector.broadcast %mul3A_1378 : f32 to vector<16xf32>
    %mul3A_1380 = arith.mulf %mul3A_1379, %sub3A_1373 : vector<16xf32>
    %add3A_1381 = arith.addf %gather3A_1329, %mul3A_1380 : vector<16xf32>
    %eq3A_1382 = arith.constant 0.000000e+00 : f32
    %eq3A_1383 = vector.broadcast %eq3A_1382 : f32 to vector<16xf32>
    %eq3A_1384 = arith.cmpf oeq, %sub3A_1362, %eq3A_1383 : vector<16xf32>
    %jit3A_1385 = arith.constant 1.000000e-03 : f32
    %broadcast_in_dim3A_1386 = vector.broadcast %jit3A_1385 : f32 to vector<16xf32>
    %select_n3A_1387 = arith.select %eq3A_1384, %broadcast_in_dim3A_1386, %sub3A_1362 : vector<16xi1>, vector<16xf32>
    %eq3A_1388 = arith.constant 0.000000e+00 : f32
    %eq3A_1389 = vector.broadcast %eq3A_1388 : f32 to vector<16xf32>
    %eq3A_1390 = arith.cmpf oeq, %sub3A_1363, %eq3A_1389 : vector<16xf32>
    %jit3A_1391 = arith.constant 1.000000e-03 : f32
    %broadcast_in_dim3A_1392 = vector.broadcast %jit3A_1391 : f32 to vector<16xf32>
    %select_n3A_1393 = arith.select %eq3A_1390, %broadcast_in_dim3A_1392, %sub3A_1363 : vector<16xi1>, vector<16xf32>
    %eq3A_1394 = arith.constant 0.000000e+00 : f32
    %eq3A_1395 = vector.broadcast %eq3A_1394 : f32 to vector<16xf32>
    %eq3A_1396 = arith.cmpf oeq, %sub3A_1372, %eq3A_1395 : vector<16xf32>
    %eq3A_1397 = arith.constant 0.000000e+00 : f32
    %eq3A_1398 = vector.broadcast %eq3A_1397 : f32 to vector<16xf32>
    %eq3A_1399 = arith.cmpf oeq, %sub3A_1373, %eq3A_1398 : vector<16xf32>
    %sub3A_1400 = arith.subf %add3A_1377, %add3A_1367 : vector<16xf32>
    %div3A_1401 = arith.divf %sub3A_1400, %select_n3A_1387 : vector<16xf32>
    %jit3A_1402 = arith.constant 0.000000e+00 : f32
    %broadcast_in_dim3A_1403 = vector.broadcast %jit3A_1402 : f32 to vector<16xf32>
    %select_n3A_1404 = arith.select %eq3A_1396, %broadcast_in_dim3A_1403, %div3A_1401 : vector<16xi1>, vector<16xf32>
    %sub3A_1405 = arith.subf %add3A_1381, %add3A_1371 : vector<16xf32>
    %div3A_1406 = arith.divf %sub3A_1405, %select_n3A_1393 : vector<16xf32>
    %jit3A_1407 = arith.constant 0.000000e+00 : f32
    %broadcast_in_dim3A_1408 = vector.broadcast %jit3A_1407 : f32 to vector<16xf32>
    %select_n3A_1409 = arith.select %eq3A_1399, %broadcast_in_dim3A_1408, %div3A_1406 : vector<16xi1>, vector<16xf32>
    %div3A_1410 = arith.divf %sub3A_1372, %select_n3A_1387 : vector<16xf32>
    %bitcast_convert_type3A_1411 = tpu.bitcast %div3A_1410 : vector<16xf32> -> vector<16xi32>
    %shift_right_arithmetic3A_1412 = arith.constant 23 : i32
    %shift_right_arithmetic3A_1413 = vector.broadcast %shift_right_arithmetic3A_1412 : i32 to vector<16xi32>
    %shift_right_arithmetic3A_1414 = arith.shrsi %bitcast_convert_type3A_1411, %shift_right_arithmetic3A_1413 : vector<16xi32>
    %sub3A_1415 = arith.constant 127 : i32
    %sub3A_1416 = vector.broadcast %sub3A_1415 : i32 to vector<16xi32>
    %sub3A_1417 = arith.subi %shift_right_arithmetic3A_1414, %sub3A_1416 : vector<16xi32>
    %and3A_1418 = arith.constant 8388607 : i32
    %and3A_1419 = vector.broadcast %and3A_1418 : i32 to vector<16xi32>
    %and3A_1420 = arith.andi %bitcast_convert_type3A_1411, %and3A_1419 : vector<16xi32>
    %or3A_1421 = arith.constant 1065353216 : i32
    %or3A_1422 = vector.broadcast %or3A_1421 : i32 to vector<16xi32>
    %or3A_1423 = arith.ori %and3A_1420, %or3A_1422 : vector<16xi32>
    %bitcast_convert_type3A_1424 = tpu.bitcast %or3A_1423 : vector<16xi32> -> vector<16xf32>
    %gt3A_1425 = arith.constant 1.41421354 : f32
    %gt3A_1426 = vector.broadcast %gt3A_1425 : f32 to vector<16xf32>
    %gt3A_1427 = arith.cmpf ogt, %bitcast_convert_type3A_1424, %gt3A_1426 : vector<16xf32>
    %mul3A_1428 = arith.constant 5.000000e-01 : f32
    %mul3A_1429 = vector.broadcast %mul3A_1428 : f32 to vector<16xf32>
    %mul3A_1430 = arith.mulf %bitcast_convert_type3A_1424, %mul3A_1429 : vector<16xf32>
    %select_n3A_1431 = arith.select %gt3A_1427, %mul3A_1430, %bitcast_convert_type3A_1424 : vector<16xi1>, vector<16xf32>
    %convert_element_type3A_1432 = arith.extui %gt3A_1427 : vector<16xi1> to vector<16xi32>
    %add3A_1433 = arith.addi %sub3A_1417, %convert_element_type3A_1432 : vector<16xi32>
    %sub3A_1434 = arith.constant 1.000000e+00 : f32
    %sub3A_1435 = vector.broadcast %sub3A_1434 : f32 to vector<16xf32>
    %sub3A_1436 = arith.subf %select_n3A_1431, %sub3A_1435 : vector<16xf32>
    %add3A_1437 = arith.constant 1.000000e+00 : f32
    %add3A_1438 = vector.broadcast %add3A_1437 : f32 to vector<16xf32>
    %add3A_1439 = arith.addf %select_n3A_1431, %add3A_1438 : vector<16xf32>
    %div3A_1440 = arith.divf %sub3A_1436, %add3A_1439 : vector<16xf32>
    %mul3A_1441 = arith.mulf %div3A_1440, %div3A_1440 : vector<16xf32>
    %mul3A_1442 = arith.constant 2.000000e+00 : f32
    %mul3A_1443 = vector.broadcast %mul3A_1442 : f32 to vector<16xf32>
    %mul3A_1444 = arith.mulf %mul3A_1443, %div3A_1440 : vector<16xf32>
    %mul3A_1445 = arith.constant 0.142857149 : f32
    %mul3A_1446 = vector.broadcast %mul3A_1445 : f32 to vector<16xf32>
    %mul3A_1447 = arith.mulf %mul3A_1441, %mul3A_1446 : vector<16xf32>
    %add3A_1448 = arith.constant 2.000000e-01 : f32
    %add3A_1449 = vector.broadcast %add3A_1448 : f32 to vector<16xf32>
    %add3A_1450 = arith.addf %add3A_1449, %mul3A_1447 : vector<16xf32>
    %mul3A_1451 = arith.mulf %mul3A_1441, %add3A_1450 : vector<16xf32>
    %add3A_1452 = arith.constant 0.333333343 : f32
    %add3A_1453 = vector.broadcast %add3A_1452 : f32 to vector<16xf32>
    %add3A_1454 = arith.addf %add3A_1453, %mul3A_1451 : vector<16xf32>
    %mul3A_1455 = arith.mulf %mul3A_1441, %add3A_1454 : vector<16xf32>
    %add3A_1456 = arith.constant 1.000000e+00 : f32
    %add3A_1457 = vector.broadcast %add3A_1456 : f32 to vector<16xf32>
    %add3A_1458 = arith.addf %add3A_1457, %mul3A_1455 : vector<16xf32>
    %mul3A_1459 = arith.mulf %mul3A_1444, %add3A_1458 : vector<16xf32>
    %convert_element_type3A_1460 = arith.sitofp %add3A_1433 : vector<16xi32> to vector<16xf32>
    %mul3A_1461 = arith.constant 0.693147182 : f32
    %mul3A_1462 = vector.broadcast %mul3A_1461 : f32 to vector<16xf32>
    %mul3A_1463 = arith.mulf %convert_element_type3A_1460, %mul3A_1462 : vector<16xf32>
    %add3A_1464 = arith.addf %mul3A_1463, %mul3A_1459 : vector<16xf32>
    %jit3A_1465 = arith.constant 0.000000e+00 : f32
    %broadcast_in_dim3A_1466 = vector.broadcast %jit3A_1465 : f32 to vector<16xf32>
    %select_n3A_1467 = arith.select %eq3A_1396, %broadcast_in_dim3A_1466, %add3A_1464 : vector<16xi1>, vector<16xf32>
    %div3A_1468 = arith.divf %sub3A_1373, %select_n3A_1393 : vector<16xf32>
    %bitcast_convert_type3A_1469 = tpu.bitcast %div3A_1468 : vector<16xf32> -> vector<16xi32>
    %shift_right_arithmetic3A_1470 = arith.constant 23 : i32
    %shift_right_arithmetic3A_1471 = vector.broadcast %shift_right_arithmetic3A_1470 : i32 to vector<16xi32>
    %shift_right_arithmetic3A_1472 = arith.shrsi %bitcast_convert_type3A_1469, %shift_right_arithmetic3A_1471 : vector<16xi32>
    %sub3A_1473 = arith.constant 127 : i32
    %sub3A_1474 = vector.broadcast %sub3A_1473 : i32 to vector<16xi32>
    %sub3A_1475 = arith.subi %shift_right_arithmetic3A_1472, %sub3A_1474 : vector<16xi32>
    %and3A_1476 = arith.constant 8388607 : i32
    %and3A_1477 = vector.broadcast %and3A_1476 : i32 to vector<16xi32>
    %and3A_1478 = arith.andi %bitcast_convert_type3A_1469, %and3A_1477 : vector<16xi32>
    %or3A_1479 = arith.constant 1065353216 : i32
    %or3A_1480 = vector.broadcast %or3A_1479 : i32 to vector<16xi32>
    %or3A_1481 = arith.ori %and3A_1478, %or3A_1480 : vector<16xi32>
    %bitcast_convert_type3A_1482 = tpu.bitcast %or3A_1481 : vector<16xi32> -> vector<16xf32>
    %gt3A_1483 = arith.constant 1.41421354 : f32
    %gt3A_1484 = vector.broadcast %gt3A_1483 : f32 to vector<16xf32>
    %gt3A_1485 = arith.cmpf ogt, %bitcast_convert_type3A_1482, %gt3A_1484 : vector<16xf32>
    %mul3A_1486 = arith.constant 5.000000e-01 : f32
    %mul3A_1487 = vector.broadcast %mul3A_1486 : f32 to vector<16xf32>
    %mul3A_1488 = arith.mulf %bitcast_convert_type3A_1482, %mul3A_1487 : vector<16xf32>
    %select_n3A_1489 = arith.select %gt3A_1485, %mul3A_1488, %bitcast_convert_type3A_1482 : vector<16xi1>, vector<16xf32>
    %convert_element_type3A_1490 = arith.extui %gt3A_1485 : vector<16xi1> to vector<16xi32>
    %add3A_1491 = arith.addi %sub3A_1475, %convert_element_type3A_1490 : vector<16xi32>
    %sub3A_1492 = arith.constant 1.000000e+00 : f32
    %sub3A_1493 = vector.broadcast %sub3A_1492 : f32 to vector<16xf32>
    %sub3A_1494 = arith.subf %select_n3A_1489, %sub3A_1493 : vector<16xf32>
    %add3A_1495 = arith.constant 1.000000e+00 : f32
    %add3A_1496 = vector.broadcast %add3A_1495 : f32 to vector<16xf32>
    %add3A_1497 = arith.addf %select_n3A_1489, %add3A_1496 : vector<16xf32>
    %div3A_1498 = arith.divf %sub3A_1494, %add3A_1497 : vector<16xf32>
    %mul3A_1499 = arith.mulf %div3A_1498, %div3A_1498 : vector<16xf32>
    %mul3A_1500 = arith.constant 2.000000e+00 : f32
    %mul3A_1501 = vector.broadcast %mul3A_1500 : f32 to vector<16xf32>
    %mul3A_1502 = arith.mulf %mul3A_1501, %div3A_1498 : vector<16xf32>
    %mul3A_1503 = arith.constant 0.142857149 : f32
    %mul3A_1504 = vector.broadcast %mul3A_1503 : f32 to vector<16xf32>
    %mul3A_1505 = arith.mulf %mul3A_1499, %mul3A_1504 : vector<16xf32>
    %add3A_1506 = arith.constant 2.000000e-01 : f32
    %add3A_1507 = vector.broadcast %add3A_1506 : f32 to vector<16xf32>
    %add3A_1508 = arith.addf %add3A_1507, %mul3A_1505 : vector<16xf32>
    %mul3A_1509 = arith.mulf %mul3A_1499, %add3A_1508 : vector<16xf32>
    %add3A_1510 = arith.constant 0.333333343 : f32
    %add3A_1511 = vector.broadcast %add3A_1510 : f32 to vector<16xf32>
    %add3A_1512 = arith.addf %add3A_1511, %mul3A_1509 : vector<16xf32>
    %mul3A_1513 = arith.mulf %mul3A_1499, %add3A_1512 : vector<16xf32>
    %add3A_1514 = arith.constant 1.000000e+00 : f32
    %add3A_1515 = vector.broadcast %add3A_1514 : f32 to vector<16xf32>
    %add3A_1516 = arith.addf %add3A_1515, %mul3A_1513 : vector<16xf32>
    %mul3A_1517 = arith.mulf %mul3A_1502, %add3A_1516 : vector<16xf32>
    %convert_element_type3A_1518 = arith.sitofp %add3A_1491 : vector<16xi32> to vector<16xf32>
    %mul3A_1519 = arith.constant 0.693147182 : f32
    %mul3A_1520 = vector.broadcast %mul3A_1519 : f32 to vector<16xf32>
    %mul3A_1521 = arith.mulf %convert_element_type3A_1518, %mul3A_1520 : vector<16xf32>
    %add3A_1522 = arith.addf %mul3A_1521, %mul3A_1517 : vector<16xf32>
    %jit3A_1523 = arith.constant 0.000000e+00 : f32
    %broadcast_in_dim3A_1524 = vector.broadcast %jit3A_1523 : f32 to vector<16xf32>
    %select_n3A_1525 = arith.select %eq3A_1399, %broadcast_in_dim3A_1524, %add3A_1522 : vector<16xi1>, vector<16xf32>
    %add3A_1526 = arith.constant 16 : i32
    %add3A_1527 = vector.broadcast %add3A_1526 : i32 to vector<16xi32>
    %add3A_1528 = arith.addi %add3A_1527, %iota3A : vector<16xi32>
    %mul3A_1529 = arith.constant 324 : i32
    %mul3A_1530 = vector.broadcast %mul3A_1529 : i32 to vector<16xi32>
    %mul3A_1531 = arith.muli %add3A_1528, %mul3A_1530 : vector<16xi32>
    %mul3A_1532 = arith.constant 4 : i32
    %mul3A_1533 = vector.broadcast %mul3A_1532 : i32 to vector<16xi32>
    %mul3A_1534 = arith.muli %gather3A_1342, %mul3A_1533 : vector<16xi32>
    %add3A_1535 = arith.addi %mul3A_1531, %mul3A_1534 : vector<16xi32>
    %mul3A_1536 = arith.constant 81 : i32
    %mul3A_1537 = vector.broadcast %mul3A_1536 : i32 to vector<16xi32>
    %mul3A_1538 = arith.muli %add3A_1528, %mul3A_1537 : vector<16xi32>
    %add3A_1539 = arith.addi %mul3A_1538, %gather3A_1342 : vector<16xi32>
    tpu.vector_store_idx %arg8[%add3A_1535], %select_n3A_1409 : memref<82944xf32, #tpu.memory_space<vmem>>[vector<16xi32>], vector<16xf32>,
    %add3A_1540 = arith.constant 1 : i32
    %add3A_1541 = vector.broadcast %add3A_1540 : i32 to vector<16xi32>
    %add3A_1542 = arith.addi %add3A_1535, %add3A_1541 : vector<16xi32>
    tpu.vector_store_idx %arg8[%add3A_1542], %select_n3A_1404 : memref<82944xf32, #tpu.memory_space<vmem>>[vector<16xi32>], vector<16xf32>,
    %add3A_1543 = arith.constant 2 : i32
    %add3A_1544 = vector.broadcast %add3A_1543 : i32 to vector<16xi32>
    %add3A_1545 = arith.addi %add3A_1535, %add3A_1544 : vector<16xi32>
    tpu.vector_store_idx %arg8[%add3A_1545], %select_n3A_1525 : memref<82944xf32, #tpu.memory_space<vmem>>[vector<16xi32>], vector<16xf32>,
    %add3A_1546 = arith.constant 3 : i32
    %add3A_1547 = vector.broadcast %add3A_1546 : i32 to vector<16xi32>
    %add3A_1548 = arith.addi %add3A_1535, %add3A_1547 : vector<16xi32>
    tpu.vector_store_idx %arg8[%add3A_1548], %select_n3A_1467 : memref<82944xf32, #tpu.memory_space<vmem>>[vector<16xi32>], vector<16xf32>,
    tpu.vector_store_idx %arg9[%add3A_1539], %broadcast_in_dim3A_5 : memref<20736xi32, #tpu.memory_space<vmem>>[vector<16xi32>], vector<16xi32>,
    %get3A_1549 = arith.constant 32 : index
    %get3A_1550 = tpu.vector_load %arg13[%get3A_1549] {strides = array<i32>} : memref<64xi32, #tpu.memory_space<vmem>>, vector<16xi32>,
    %mul3A_1551 = arith.constant 4 : i32
    %mul3A_1552 = vector.broadcast %mul3A_1551 : i32 to vector<16xi32>
    %mul3A_1553 = arith.muli %get3A_1550, %mul3A_1552 : vector<16xi32>
    %gather3A_1554 = tpu.vector_load_idx %arg11[%mul3A_1553] : memref<400xf32, #tpu.memory_space<vmem>>[vector<16xi32>], vector<16xf32>,
    %add3A_1555 = arith.constant 1 : i32
    %add3A_1556 = vector.broadcast %add3A_1555 : i32 to vector<16xi32>
    %add3A_1557 = arith.addi %mul3A_1553, %add3A_1556 : vector<16xi32>
    %gather3A_1558 = tpu.vector_load_idx %arg11[%add3A_1557] : memref<400xf32, #tpu.memory_space<vmem>>[vector<16xi32>], vector<16xf32>,
    %add3A_1559 = arith.constant 2 : i32
    %add3A_1560 = vector.broadcast %add3A_1559 : i32 to vector<16xi32>
    %add3A_1561 = arith.addi %mul3A_1553, %add3A_1560 : vector<16xi32>
    %gather3A_1562 = tpu.vector_load_idx %arg11[%add3A_1561] : memref<400xf32, #tpu.memory_space<vmem>>[vector<16xi32>], vector<16xf32>,
    %add3A_1563 = arith.constant 3 : i32
    %add3A_1564 = vector.broadcast %add3A_1563 : i32 to vector<16xi32>
    %add3A_1565 = arith.addi %mul3A_1553, %add3A_1564 : vector<16xi32>
    %gather3A_1566 = tpu.vector_load_idx %arg11[%add3A_1565] : memref<400xf32, #tpu.memory_space<vmem>>[vector<16xi32>], vector<16xf32>,
    %gather3A_1567 = tpu.vector_load_idx %arg12[%get3A_1550] : memref<104xi32, #tpu.memory_space<vmem>>[vector<16xi32>], vector<16xi32>,
    %mul3A_1568 = arith.constant 4 : i32
    %mul3A_1569 = vector.broadcast %mul3A_1568 : i32 to vector<16xi32>
    %mul3A_1570 = arith.muli %iota3A, %mul3A_1569 : vector<16xi32>
    %add3A_1571 = arith.constant 128 : i32
    %add3A_1572 = vector.broadcast %add3A_1571 : i32 to vector<16xi32>
    %add3A_1573 = arith.addi %mul3A_1570, %add3A_1572 : vector<16xi32>
    %gather3A_1574 = tpu.vector_load_idx %arg10[%add3A_1573] : memref<1024xf32, #tpu.memory_space<vmem>>[vector<16xi32>], vector<16xf32>,
    %add3A_1575 = arith.constant 1 : i32
    %add3A_1576 = vector.broadcast %add3A_1575 : i32 to vector<16xi32>
    %add3A_1577 = arith.addi %add3A_1573, %add3A_1576 : vector<16xi32>
    %gather3A_1578 = tpu.vector_load_idx %arg10[%add3A_1577] : memref<1024xf32, #tpu.memory_space<vmem>>[vector<16xi32>], vector<16xf32>,
    %add3A_1579 = arith.constant 2 : i32
    %add3A_1580 = vector.broadcast %add3A_1579 : i32 to vector<16xi32>
    %add3A_1581 = arith.addi %add3A_1573, %add3A_1580 : vector<16xi32>
    %gather3A_1582 = tpu.vector_load_idx %arg10[%add3A_1581] : memref<1024xf32, #tpu.memory_space<vmem>>[vector<16xi32>], vector<16xf32>,
    %add3A_1583 = arith.constant 3 : i32
    %add3A_1584 = vector.broadcast %add3A_1583 : i32 to vector<16xi32>
    %add3A_1585 = arith.addi %add3A_1573, %add3A_1584 : vector<16xi32>
    %gather3A_1586 = tpu.vector_load_idx %arg10[%add3A_1585] : memref<1024xf32, #tpu.memory_space<vmem>>[vector<16xi32>], vector<16xf32>,
    %sub3A_1587 = arith.subf %gather3A_1586, %gather3A_1578 : vector<16xf32>
    %sub3A_1588 = arith.subf %gather3A_1582, %gather3A_1574 : vector<16xf32>
    %mul3A_1589 = arith.constant 5.000000e-01 : f32
    %mul3A_1590 = vector.broadcast %mul3A_1589 : f32 to vector<16xf32>
    %mul3A_1591 = arith.mulf %mul3A_1590, %sub3A_1587 : vector<16xf32>
    %add3A_1592 = arith.addf %gather3A_1578, %mul3A_1591 : vector<16xf32>
    %mul3A_1593 = arith.constant 5.000000e-01 : f32
    %mul3A_1594 = vector.broadcast %mul3A_1593 : f32 to vector<16xf32>
    %mul3A_1595 = arith.mulf %mul3A_1594, %sub3A_1588 : vector<16xf32>
    %add3A_1596 = arith.addf %gather3A_1574, %mul3A_1595 : vector<16xf32>
    %sub3A_1597 = arith.subf %gather3A_1566, %gather3A_1558 : vector<16xf32>
    %sub3A_1598 = arith.subf %gather3A_1562, %gather3A_1554 : vector<16xf32>
    %mul3A_1599 = arith.constant 5.000000e-01 : f32
    %mul3A_1600 = vector.broadcast %mul3A_1599 : f32 to vector<16xf32>
    %mul3A_1601 = arith.mulf %mul3A_1600, %sub3A_1597 : vector<16xf32>
    %add3A_1602 = arith.addf %gather3A_1558, %mul3A_1601 : vector<16xf32>
    %mul3A_1603 = arith.constant 5.000000e-01 : f32
    %mul3A_1604 = vector.broadcast %mul3A_1603 : f32 to vector<16xf32>
    %mul3A_1605 = arith.mulf %mul3A_1604, %sub3A_1598 : vector<16xf32>
    %add3A_1606 = arith.addf %gather3A_1554, %mul3A_1605 : vector<16xf32>
    %eq3A_1607 = arith.constant 0.000000e+00 : f32
    %eq3A_1608 = vector.broadcast %eq3A_1607 : f32 to vector<16xf32>
    %eq3A_1609 = arith.cmpf oeq, %sub3A_1587, %eq3A_1608 : vector<16xf32>
    %jit3A_1610 = arith.constant 1.000000e-03 : f32
    %broadcast_in_dim3A_1611 = vector.broadcast %jit3A_1610 : f32 to vector<16xf32>
    %select_n3A_1612 = arith.select %eq3A_1609, %broadcast_in_dim3A_1611, %sub3A_1587 : vector<16xi1>, vector<16xf32>
    %eq3A_1613 = arith.constant 0.000000e+00 : f32
    %eq3A_1614 = vector.broadcast %eq3A_1613 : f32 to vector<16xf32>
    %eq3A_1615 = arith.cmpf oeq, %sub3A_1588, %eq3A_1614 : vector<16xf32>
    %jit3A_1616 = arith.constant 1.000000e-03 : f32
    %broadcast_in_dim3A_1617 = vector.broadcast %jit3A_1616 : f32 to vector<16xf32>
    %select_n3A_1618 = arith.select %eq3A_1615, %broadcast_in_dim3A_1617, %sub3A_1588 : vector<16xi1>, vector<16xf32>
    %eq3A_1619 = arith.constant 0.000000e+00 : f32
    %eq3A_1620 = vector.broadcast %eq3A_1619 : f32 to vector<16xf32>
    %eq3A_1621 = arith.cmpf oeq, %sub3A_1597, %eq3A_1620 : vector<16xf32>
    %eq3A_1622 = arith.constant 0.000000e+00 : f32
    %eq3A_1623 = vector.broadcast %eq3A_1622 : f32 to vector<16xf32>
    %eq3A_1624 = arith.cmpf oeq, %sub3A_1598, %eq3A_1623 : vector<16xf32>
    %sub3A_1625 = arith.subf %add3A_1602, %add3A_1592 : vector<16xf32>
    %div3A_1626 = arith.divf %sub3A_1625, %select_n3A_1612 : vector<16xf32>
    %jit3A_1627 = arith.constant 0.000000e+00 : f32
    %broadcast_in_dim3A_1628 = vector.broadcast %jit3A_1627 : f32 to vector<16xf32>
    %select_n3A_1629 = arith.select %eq3A_1621, %broadcast_in_dim3A_1628, %div3A_1626 : vector<16xi1>, vector<16xf32>
    %sub3A_1630 = arith.subf %add3A_1606, %add3A_1596 : vector<16xf32>
    %div3A_1631 = arith.divf %sub3A_1630, %select_n3A_1618 : vector<16xf32>
    %jit3A_1632 = arith.constant 0.000000e+00 : f32
    %broadcast_in_dim3A_1633 = vector.broadcast %jit3A_1632 : f32 to vector<16xf32>
    %select_n3A_1634 = arith.select %eq3A_1624, %broadcast_in_dim3A_1633, %div3A_1631 : vector<16xi1>, vector<16xf32>
    %div3A_1635 = arith.divf %sub3A_1597, %select_n3A_1612 : vector<16xf32>
    %bitcast_convert_type3A_1636 = tpu.bitcast %div3A_1635 : vector<16xf32> -> vector<16xi32>
    %shift_right_arithmetic3A_1637 = arith.constant 23 : i32
    %shift_right_arithmetic3A_1638 = vector.broadcast %shift_right_arithmetic3A_1637 : i32 to vector<16xi32>
    %shift_right_arithmetic3A_1639 = arith.shrsi %bitcast_convert_type3A_1636, %shift_right_arithmetic3A_1638 : vector<16xi32>
    %sub3A_1640 = arith.constant 127 : i32
    %sub3A_1641 = vector.broadcast %sub3A_1640 : i32 to vector<16xi32>
    %sub3A_1642 = arith.subi %shift_right_arithmetic3A_1639, %sub3A_1641 : vector<16xi32>
    %and3A_1643 = arith.constant 8388607 : i32
    %and3A_1644 = vector.broadcast %and3A_1643 : i32 to vector<16xi32>
    %and3A_1645 = arith.andi %bitcast_convert_type3A_1636, %and3A_1644 : vector<16xi32>
    %or3A_1646 = arith.constant 1065353216 : i32
    %or3A_1647 = vector.broadcast %or3A_1646 : i32 to vector<16xi32>
    %or3A_1648 = arith.ori %and3A_1645, %or3A_1647 : vector<16xi32>
    %bitcast_convert_type3A_1649 = tpu.bitcast %or3A_1648 : vector<16xi32> -> vector<16xf32>
    %gt3A_1650 = arith.constant 1.41421354 : f32
    %gt3A_1651 = vector.broadcast %gt3A_1650 : f32 to vector<16xf32>
    %gt3A_1652 = arith.cmpf ogt, %bitcast_convert_type3A_1649, %gt3A_1651 : vector<16xf32>
    %mul3A_1653 = arith.constant 5.000000e-01 : f32
    %mul3A_1654 = vector.broadcast %mul3A_1653 : f32 to vector<16xf32>
    %mul3A_1655 = arith.mulf %bitcast_convert_type3A_1649, %mul3A_1654 : vector<16xf32>
    %select_n3A_1656 = arith.select %gt3A_1652, %mul3A_1655, %bitcast_convert_type3A_1649 : vector<16xi1>, vector<16xf32>
    %convert_element_type3A_1657 = arith.extui %gt3A_1652 : vector<16xi1> to vector<16xi32>
    %add3A_1658 = arith.addi %sub3A_1642, %convert_element_type3A_1657 : vector<16xi32>
    %sub3A_1659 = arith.constant 1.000000e+00 : f32
    %sub3A_1660 = vector.broadcast %sub3A_1659 : f32 to vector<16xf32>
    %sub3A_1661 = arith.subf %select_n3A_1656, %sub3A_1660 : vector<16xf32>
    %add3A_1662 = arith.constant 1.000000e+00 : f32
    %add3A_1663 = vector.broadcast %add3A_1662 : f32 to vector<16xf32>
    %add3A_1664 = arith.addf %select_n3A_1656, %add3A_1663 : vector<16xf32>
    %div3A_1665 = arith.divf %sub3A_1661, %add3A_1664 : vector<16xf32>
    %mul3A_1666 = arith.mulf %div3A_1665, %div3A_1665 : vector<16xf32>
    %mul3A_1667 = arith.constant 2.000000e+00 : f32
    %mul3A_1668 = vector.broadcast %mul3A_1667 : f32 to vector<16xf32>
    %mul3A_1669 = arith.mulf %mul3A_1668, %div3A_1665 : vector<16xf32>
    %mul3A_1670 = arith.constant 0.142857149 : f32
    %mul3A_1671 = vector.broadcast %mul3A_1670 : f32 to vector<16xf32>
    %mul3A_1672 = arith.mulf %mul3A_1666, %mul3A_1671 : vector<16xf32>
    %add3A_1673 = arith.constant 2.000000e-01 : f32
    %add3A_1674 = vector.broadcast %add3A_1673 : f32 to vector<16xf32>
    %add3A_1675 = arith.addf %add3A_1674, %mul3A_1672 : vector<16xf32>
    %mul3A_1676 = arith.mulf %mul3A_1666, %add3A_1675 : vector<16xf32>
    %add3A_1677 = arith.constant 0.333333343 : f32
    %add3A_1678 = vector.broadcast %add3A_1677 : f32 to vector<16xf32>
    %add3A_1679 = arith.addf %add3A_1678, %mul3A_1676 : vector<16xf32>
    %mul3A_1680 = arith.mulf %mul3A_1666, %add3A_1679 : vector<16xf32>
    %add3A_1681 = arith.constant 1.000000e+00 : f32
    %add3A_1682 = vector.broadcast %add3A_1681 : f32 to vector<16xf32>
    %add3A_1683 = arith.addf %add3A_1682, %mul3A_1680 : vector<16xf32>
    %mul3A_1684 = arith.mulf %mul3A_1669, %add3A_1683 : vector<16xf32>
    %convert_element_type3A_1685 = arith.sitofp %add3A_1658 : vector<16xi32> to vector<16xf32>
    %mul3A_1686 = arith.constant 0.693147182 : f32
    %mul3A_1687 = vector.broadcast %mul3A_1686 : f32 to vector<16xf32>
    %mul3A_1688 = arith.mulf %convert_element_type3A_1685, %mul3A_1687 : vector<16xf32>
    %add3A_1689 = arith.addf %mul3A_1688, %mul3A_1684 : vector<16xf32>
    %jit3A_1690 = arith.constant 0.000000e+00 : f32
    %broadcast_in_dim3A_1691 = vector.broadcast %jit3A_1690 : f32 to vector<16xf32>
    %select_n3A_1692 = arith.select %eq3A_1621, %broadcast_in_dim3A_1691, %add3A_1689 : vector<16xi1>, vector<16xf32>
    %div3A_1693 = arith.divf %sub3A_1598, %select_n3A_1618 : vector<16xf32>
    %bitcast_convert_type3A_1694 = tpu.bitcast %div3A_1693 : vector<16xf32> -> vector<16xi32>
    %shift_right_arithmetic3A_1695 = arith.constant 23 : i32
    %shift_right_arithmetic3A_1696 = vector.broadcast %shift_right_arithmetic3A_1695 : i32 to vector<16xi32>
    %shift_right_arithmetic3A_1697 = arith.shrsi %bitcast_convert_type3A_1694, %shift_right_arithmetic3A_1696 : vector<16xi32>
    %sub3A_1698 = arith.constant 127 : i32
    %sub3A_1699 = vector.broadcast %sub3A_1698 : i32 to vector<16xi32>
    %sub3A_1700 = arith.subi %shift_right_arithmetic3A_1697, %sub3A_1699 : vector<16xi32>
    %and3A_1701 = arith.constant 8388607 : i32
    %and3A_1702 = vector.broadcast %and3A_1701 : i32 to vector<16xi32>
    %and3A_1703 = arith.andi %bitcast_convert_type3A_1694, %and3A_1702 : vector<16xi32>
    %or3A_1704 = arith.constant 1065353216 : i32
    %or3A_1705 = vector.broadcast %or3A_1704 : i32 to vector<16xi32>
    %or3A_1706 = arith.ori %and3A_1703, %or3A_1705 : vector<16xi32>
    %bitcast_convert_type3A_1707 = tpu.bitcast %or3A_1706 : vector<16xi32> -> vector<16xf32>
    %gt3A_1708 = arith.constant 1.41421354 : f32
    %gt3A_1709 = vector.broadcast %gt3A_1708 : f32 to vector<16xf32>
    %gt3A_1710 = arith.cmpf ogt, %bitcast_convert_type3A_1707, %gt3A_1709 : vector<16xf32>
    %mul3A_1711 = arith.constant 5.000000e-01 : f32
    %mul3A_1712 = vector.broadcast %mul3A_1711 : f32 to vector<16xf32>
    %mul3A_1713 = arith.mulf %bitcast_convert_type3A_1707, %mul3A_1712 : vector<16xf32>
    %select_n3A_1714 = arith.select %gt3A_1710, %mul3A_1713, %bitcast_convert_type3A_1707 : vector<16xi1>, vector<16xf32>
    %convert_element_type3A_1715 = arith.extui %gt3A_1710 : vector<16xi1> to vector<16xi32>
    %add3A_1716 = arith.addi %sub3A_1700, %convert_element_type3A_1715 : vector<16xi32>
    %sub3A_1717 = arith.constant 1.000000e+00 : f32
    %sub3A_1718 = vector.broadcast %sub3A_1717 : f32 to vector<16xf32>
    %sub3A_1719 = arith.subf %select_n3A_1714, %sub3A_1718 : vector<16xf32>
    %add3A_1720 = arith.constant 1.000000e+00 : f32
    %add3A_1721 = vector.broadcast %add3A_1720 : f32 to vector<16xf32>
    %add3A_1722 = arith.addf %select_n3A_1714, %add3A_1721 : vector<16xf32>
    %div3A_1723 = arith.divf %sub3A_1719, %add3A_1722 : vector<16xf32>
    %mul3A_1724 = arith.mulf %div3A_1723, %div3A_1723 : vector<16xf32>
    %mul3A_1725 = arith.constant 2.000000e+00 : f32
    %mul3A_1726 = vector.broadcast %mul3A_1725 : f32 to vector<16xf32>
    %mul3A_1727 = arith.mulf %mul3A_1726, %div3A_1723 : vector<16xf32>
    %mul3A_1728 = arith.constant 0.142857149 : f32
    %mul3A_1729 = vector.broadcast %mul3A_1728 : f32 to vector<16xf32>
    %mul3A_1730 = arith.mulf %mul3A_1724, %mul3A_1729 : vector<16xf32>
    %add3A_1731 = arith.constant 2.000000e-01 : f32
    %add3A_1732 = vector.broadcast %add3A_1731 : f32 to vector<16xf32>
    %add3A_1733 = arith.addf %add3A_1732, %mul3A_1730 : vector<16xf32>
    %mul3A_1734 = arith.mulf %mul3A_1724, %add3A_1733 : vector<16xf32>
    %add3A_1735 = arith.constant 0.333333343 : f32
    %add3A_1736 = vector.broadcast %add3A_1735 : f32 to vector<16xf32>
    %add3A_1737 = arith.addf %add3A_1736, %mul3A_1734 : vector<16xf32>
    %mul3A_1738 = arith.mulf %mul3A_1724, %add3A_1737 : vector<16xf32>
    %add3A_1739 = arith.constant 1.000000e+00 : f32
    %add3A_1740 = vector.broadcast %add3A_1739 : f32 to vector<16xf32>
    %add3A_1741 = arith.addf %add3A_1740, %mul3A_1738 : vector<16xf32>
    %mul3A_1742 = arith.mulf %mul3A_1727, %add3A_1741 : vector<16xf32>
    %convert_element_type3A_1743 = arith.sitofp %add3A_1716 : vector<16xi32> to vector<16xf32>
    %mul3A_1744 = arith.constant 0.693147182 : f32
    %mul3A_1745 = vector.broadcast %mul3A_1744 : f32 to vector<16xf32>
    %mul3A_1746 = arith.mulf %convert_element_type3A_1743, %mul3A_1745 : vector<16xf32>
    %add3A_1747 = arith.addf %mul3A_1746, %mul3A_1742 : vector<16xf32>
    %jit3A_1748 = arith.constant 0.000000e+00 : f32
    %broadcast_in_dim3A_1749 = vector.broadcast %jit3A_1748 : f32 to vector<16xf32>
    %select_n3A_1750 = arith.select %eq3A_1624, %broadcast_in_dim3A_1749, %add3A_1747 : vector<16xi1>, vector<16xf32>
    %add3A_1751 = arith.constant 32 : i32
    %add3A_1752 = vector.broadcast %add3A_1751 : i32 to vector<16xi32>
    %add3A_1753 = arith.addi %add3A_1752, %iota3A : vector<16xi32>
    %mul3A_1754 = arith.constant 324 : i32
    %mul3A_1755 = vector.broadcast %mul3A_1754 : i32 to vector<16xi32>
    %mul3A_1756 = arith.muli %add3A_1753, %mul3A_1755 : vector<16xi32>
    %mul3A_1757 = arith.constant 4 : i32
    %mul3A_1758 = vector.broadcast %mul3A_1757 : i32 to vector<16xi32>
    %mul3A_1759 = arith.muli %gather3A_1567, %mul3A_1758 : vector<16xi32>
    %add3A_1760 = arith.addi %mul3A_1756, %mul3A_1759 : vector<16xi32>
    %mul3A_1761 = arith.constant 81 : i32
    %mul3A_1762 = vector.broadcast %mul3A_1761 : i32 to vector<16xi32>
    %mul3A_1763 = arith.muli %add3A_1753, %mul3A_1762 : vector<16xi32>
    %add3A_1764 = arith.addi %mul3A_1763, %gather3A_1567 : vector<16xi32>
    tpu.vector_store_idx %arg8[%add3A_1760], %select_n3A_1634 : memref<82944xf32, #tpu.memory_space<vmem>>[vector<16xi32>], vector<16xf32>,
    %add3A_1765 = arith.constant 1 : i32
    %add3A_1766 = vector.broadcast %add3A_1765 : i32 to vector<16xi32>
    %add3A_1767 = arith.addi %add3A_1760, %add3A_1766 : vector<16xi32>
    tpu.vector_store_idx %arg8[%add3A_1767], %select_n3A_1629 : memref<82944xf32, #tpu.memory_space<vmem>>[vector<16xi32>], vector<16xf32>,
    %add3A_1768 = arith.constant 2 : i32
    %add3A_1769 = vector.broadcast %add3A_1768 : i32 to vector<16xi32>
    %add3A_1770 = arith.addi %add3A_1760, %add3A_1769 : vector<16xi32>
    tpu.vector_store_idx %arg8[%add3A_1770], %select_n3A_1750 : memref<82944xf32, #tpu.memory_space<vmem>>[vector<16xi32>], vector<16xf32>,
    %add3A_1771 = arith.constant 3 : i32
    %add3A_1772 = vector.broadcast %add3A_1771 : i32 to vector<16xi32>
    %add3A_1773 = arith.addi %add3A_1760, %add3A_1772 : vector<16xi32>
    tpu.vector_store_idx %arg8[%add3A_1773], %select_n3A_1692 : memref<82944xf32, #tpu.memory_space<vmem>>[vector<16xi32>], vector<16xf32>,
    tpu.vector_store_idx %arg9[%add3A_1764], %broadcast_in_dim3A_5 : memref<20736xi32, #tpu.memory_space<vmem>>[vector<16xi32>], vector<16xi32>,
    %get3A_1774 = arith.constant 48 : index
    %get3A_1775 = tpu.vector_load %arg13[%get3A_1774] {strides = array<i32>} : memref<64xi32, #tpu.memory_space<vmem>>, vector<16xi32>,
    %mul3A_1776 = arith.constant 4 : i32
    %mul3A_1777 = vector.broadcast %mul3A_1776 : i32 to vector<16xi32>
    %mul3A_1778 = arith.muli %get3A_1775, %mul3A_1777 : vector<16xi32>
    %gather3A_1779 = tpu.vector_load_idx %arg11[%mul3A_1778] : memref<400xf32, #tpu.memory_space<vmem>>[vector<16xi32>], vector<16xf32>,
    %add3A_1780 = arith.constant 1 : i32
    %add3A_1781 = vector.broadcast %add3A_1780 : i32 to vector<16xi32>
    %add3A_1782 = arith.addi %mul3A_1778, %add3A_1781 : vector<16xi32>
    %gather3A_1783 = tpu.vector_load_idx %arg11[%add3A_1782] : memref<400xf32, #tpu.memory_space<vmem>>[vector<16xi32>], vector<16xf32>,
    %add3A_1784 = arith.constant 2 : i32
    %add3A_1785 = vector.broadcast %add3A_1784 : i32 to vector<16xi32>
    %add3A_1786 = arith.addi %mul3A_1778, %add3A_1785 : vector<16xi32>
    %gather3A_1787 = tpu.vector_load_idx %arg11[%add3A_1786] : memref<400xf32, #tpu.memory_space<vmem>>[vector<16xi32>], vector<16xf32>,
    %add3A_1788 = arith.constant 3 : i32
    %add3A_1789 = vector.broadcast %add3A_1788 : i32 to vector<16xi32>
    %add3A_1790 = arith.addi %mul3A_1778, %add3A_1789 : vector<16xi32>
    %gather3A_1791 = tpu.vector_load_idx %arg11[%add3A_1790] : memref<400xf32, #tpu.memory_space<vmem>>[vector<16xi32>], vector<16xf32>,
    %gather3A_1792 = tpu.vector_load_idx %arg12[%get3A_1775] : memref<104xi32, #tpu.memory_space<vmem>>[vector<16xi32>], vector<16xi32>,
    %mul3A_1793 = arith.constant 4 : i32
    %mul3A_1794 = vector.broadcast %mul3A_1793 : i32 to vector<16xi32>
    %mul3A_1795 = arith.muli %iota3A, %mul3A_1794 : vector<16xi32>
    %add3A_1796 = arith.constant 192 : i32
    %add3A_1797 = vector.broadcast %add3A_1796 : i32 to vector<16xi32>
    %add3A_1798 = arith.addi %mul3A_1795, %add3A_1797 : vector<16xi32>
    %gather3A_1799 = tpu.vector_load_idx %arg10[%add3A_1798] : memref<1024xf32, #tpu.memory_space<vmem>>[vector<16xi32>], vector<16xf32>,
    %add3A_1800 = arith.constant 1 : i32
    %add3A_1801 = vector.broadcast %add3A_1800 : i32 to vector<16xi32>
    %add3A_1802 = arith.addi %add3A_1798, %add3A_1801 : vector<16xi32>
    %gather3A_1803 = tpu.vector_load_idx %arg10[%add3A_1802] : memref<1024xf32, #tpu.memory_space<vmem>>[vector<16xi32>], vector<16xf32>,
    %add3A_1804 = arith.constant 2 : i32
    %add3A_1805 = vector.broadcast %add3A_1804 : i32 to vector<16xi32>
    %add3A_1806 = arith.addi %add3A_1798, %add3A_1805 : vector<16xi32>
    %gather3A_1807 = tpu.vector_load_idx %arg10[%add3A_1806] : memref<1024xf32, #tpu.memory_space<vmem>>[vector<16xi32>], vector<16xf32>,
    %add3A_1808 = arith.constant 3 : i32
    %add3A_1809 = vector.broadcast %add3A_1808 : i32 to vector<16xi32>
    %add3A_1810 = arith.addi %add3A_1798, %add3A_1809 : vector<16xi32>
    %gather3A_1811 = tpu.vector_load_idx %arg10[%add3A_1810] : memref<1024xf32, #tpu.memory_space<vmem>>[vector<16xi32>], vector<16xf32>,
    %sub3A_1812 = arith.subf %gather3A_1811, %gather3A_1803 : vector<16xf32>
    %sub3A_1813 = arith.subf %gather3A_1807, %gather3A_1799 : vector<16xf32>
    %mul3A_1814 = arith.constant 5.000000e-01 : f32
    %mul3A_1815 = vector.broadcast %mul3A_1814 : f32 to vector<16xf32>
    %mul3A_1816 = arith.mulf %mul3A_1815, %sub3A_1812 : vector<16xf32>
    %add3A_1817 = arith.addf %gather3A_1803, %mul3A_1816 : vector<16xf32>
    %mul3A_1818 = arith.constant 5.000000e-01 : f32
    %mul3A_1819 = vector.broadcast %mul3A_1818 : f32 to vector<16xf32>
    %mul3A_1820 = arith.mulf %mul3A_1819, %sub3A_1813 : vector<16xf32>
    %add3A_1821 = arith.addf %gather3A_1799, %mul3A_1820 : vector<16xf32>
    %sub3A_1822 = arith.subf %gather3A_1791, %gather3A_1783 : vector<16xf32>
    %sub3A_1823 = arith.subf %gather3A_1787, %gather3A_1779 : vector<16xf32>
    %mul3A_1824 = arith.constant 5.000000e-01 : f32
    %mul3A_1825 = vector.broadcast %mul3A_1824 : f32 to vector<16xf32>
    %mul3A_1826 = arith.mulf %mul3A_1825, %sub3A_1822 : vector<16xf32>
    %add3A_1827 = arith.addf %gather3A_1783, %mul3A_1826 : vector<16xf32>
    %mul3A_1828 = arith.constant 5.000000e-01 : f32
    %mul3A_1829 = vector.broadcast %mul3A_1828 : f32 to vector<16xf32>
    %mul3A_1830 = arith.mulf %mul3A_1829, %sub3A_1823 : vector<16xf32>
    %add3A_1831 = arith.addf %gather3A_1779, %mul3A_1830 : vector<16xf32>
    %eq3A_1832 = arith.constant 0.000000e+00 : f32
    %eq3A_1833 = vector.broadcast %eq3A_1832 : f32 to vector<16xf32>
    %eq3A_1834 = arith.cmpf oeq, %sub3A_1812, %eq3A_1833 : vector<16xf32>
    %jit3A_1835 = arith.constant 1.000000e-03 : f32
    %broadcast_in_dim3A_1836 = vector.broadcast %jit3A_1835 : f32 to vector<16xf32>
    %select_n3A_1837 = arith.select %eq3A_1834, %broadcast_in_dim3A_1836, %sub3A_1812 : vector<16xi1>, vector<16xf32>
    %eq3A_1838 = arith.constant 0.000000e+00 : f32
    %eq3A_1839 = vector.broadcast %eq3A_1838 : f32 to vector<16xf32>
    %eq3A_1840 = arith.cmpf oeq, %sub3A_1813, %eq3A_1839 : vector<16xf32>
    %jit3A_1841 = arith.constant 1.000000e-03 : f32
    %broadcast_in_dim3A_1842 = vector.broadcast %jit3A_1841 : f32 to vector<16xf32>
    %select_n3A_1843 = arith.select %eq3A_1840, %broadcast_in_dim3A_1842, %sub3A_1813 : vector<16xi1>, vector<16xf32>
    %eq3A_1844 = arith.constant 0.000000e+00 : f32
    %eq3A_1845 = vector.broadcast %eq3A_1844 : f32 to vector<16xf32>
    %eq3A_1846 = arith.cmpf oeq, %sub3A_1822, %eq3A_1845 : vector<16xf32>
    %eq3A_1847 = arith.constant 0.000000e+00 : f32
    %eq3A_1848 = vector.broadcast %eq3A_1847 : f32 to vector<16xf32>
    %eq3A_1849 = arith.cmpf oeq, %sub3A_1823, %eq3A_1848 : vector<16xf32>
    %sub3A_1850 = arith.subf %add3A_1827, %add3A_1817 : vector<16xf32>
    %div3A_1851 = arith.divf %sub3A_1850, %select_n3A_1837 : vector<16xf32>
    %jit3A_1852 = arith.constant 0.000000e+00 : f32
    %broadcast_in_dim3A_1853 = vector.broadcast %jit3A_1852 : f32 to vector<16xf32>
    %select_n3A_1854 = arith.select %eq3A_1846, %broadcast_in_dim3A_1853, %div3A_1851 : vector<16xi1>, vector<16xf32>
    %sub3A_1855 = arith.subf %add3A_1831, %add3A_1821 : vector<16xf32>
    %div3A_1856 = arith.divf %sub3A_1855, %select_n3A_1843 : vector<16xf32>
    %jit3A_1857 = arith.constant 0.000000e+00 : f32
    %broadcast_in_dim3A_1858 = vector.broadcast %jit3A_1857 : f32 to vector<16xf32>
    %select_n3A_1859 = arith.select %eq3A_1849, %broadcast_in_dim3A_1858, %div3A_1856 : vector<16xi1>, vector<16xf32>
    %div3A_1860 = arith.divf %sub3A_1822, %select_n3A_1837 : vector<16xf32>
    %bitcast_convert_type3A_1861 = tpu.bitcast %div3A_1860 : vector<16xf32> -> vector<16xi32>
    %shift_right_arithmetic3A_1862 = arith.constant 23 : i32
    %shift_right_arithmetic3A_1863 = vector.broadcast %shift_right_arithmetic3A_1862 : i32 to vector<16xi32>
    %shift_right_arithmetic3A_1864 = arith.shrsi %bitcast_convert_type3A_1861, %shift_right_arithmetic3A_1863 : vector<16xi32>
    %sub3A_1865 = arith.constant 127 : i32
    %sub3A_1866 = vector.broadcast %sub3A_1865 : i32 to vector<16xi32>
    %sub3A_1867 = arith.subi %shift_right_arithmetic3A_1864, %sub3A_1866 : vector<16xi32>
    %and3A_1868 = arith.constant 8388607 : i32
    %and3A_1869 = vector.broadcast %and3A_1868 : i32 to vector<16xi32>
    %and3A_1870 = arith.andi %bitcast_convert_type3A_1861, %and3A_1869 : vector<16xi32>
    %or3A_1871 = arith.constant 1065353216 : i32
    %or3A_1872 = vector.broadcast %or3A_1871 : i32 to vector<16xi32>
    %or3A_1873 = arith.ori %and3A_1870, %or3A_1872 : vector<16xi32>
    %bitcast_convert_type3A_1874 = tpu.bitcast %or3A_1873 : vector<16xi32> -> vector<16xf32>
    %gt3A_1875 = arith.constant 1.41421354 : f32
    %gt3A_1876 = vector.broadcast %gt3A_1875 : f32 to vector<16xf32>
    %gt3A_1877 = arith.cmpf ogt, %bitcast_convert_type3A_1874, %gt3A_1876 : vector<16xf32>
    %mul3A_1878 = arith.constant 5.000000e-01 : f32
    %mul3A_1879 = vector.broadcast %mul3A_1878 : f32 to vector<16xf32>
    %mul3A_1880 = arith.mulf %bitcast_convert_type3A_1874, %mul3A_1879 : vector<16xf32>
    %select_n3A_1881 = arith.select %gt3A_1877, %mul3A_1880, %bitcast_convert_type3A_1874 : vector<16xi1>, vector<16xf32>
    %convert_element_type3A_1882 = arith.extui %gt3A_1877 : vector<16xi1> to vector<16xi32>
    %add3A_1883 = arith.addi %sub3A_1867, %convert_element_type3A_1882 : vector<16xi32>
    %sub3A_1884 = arith.constant 1.000000e+00 : f32
    %sub3A_1885 = vector.broadcast %sub3A_1884 : f32 to vector<16xf32>
    %sub3A_1886 = arith.subf %select_n3A_1881, %sub3A_1885 : vector<16xf32>
    %add3A_1887 = arith.constant 1.000000e+00 : f32
    %add3A_1888 = vector.broadcast %add3A_1887 : f32 to vector<16xf32>
    %add3A_1889 = arith.addf %select_n3A_1881, %add3A_1888 : vector<16xf32>
    %div3A_1890 = arith.divf %sub3A_1886, %add3A_1889 : vector<16xf32>
    %mul3A_1891 = arith.mulf %div3A_1890, %div3A_1890 : vector<16xf32>
    %mul3A_1892 = arith.constant 2.000000e+00 : f32
    %mul3A_1893 = vector.broadcast %mul3A_1892 : f32 to vector<16xf32>
    %mul3A_1894 = arith.mulf %mul3A_1893, %div3A_1890 : vector<16xf32>
    %mul3A_1895 = arith.constant 0.142857149 : f32
    %mul3A_1896 = vector.broadcast %mul3A_1895 : f32 to vector<16xf32>
    %mul3A_1897 = arith.mulf %mul3A_1891, %mul3A_1896 : vector<16xf32>
    %add3A_1898 = arith.constant 2.000000e-01 : f32
    %add3A_1899 = vector.broadcast %add3A_1898 : f32 to vector<16xf32>
    %add3A_1900 = arith.addf %add3A_1899, %mul3A_1897 : vector<16xf32>
    %mul3A_1901 = arith.mulf %mul3A_1891, %add3A_1900 : vector<16xf32>
    %add3A_1902 = arith.constant 0.333333343 : f32
    %add3A_1903 = vector.broadcast %add3A_1902 : f32 to vector<16xf32>
    %add3A_1904 = arith.addf %add3A_1903, %mul3A_1901 : vector<16xf32>
    %mul3A_1905 = arith.mulf %mul3A_1891, %add3A_1904 : vector<16xf32>
    %add3A_1906 = arith.constant 1.000000e+00 : f32
    %add3A_1907 = vector.broadcast %add3A_1906 : f32 to vector<16xf32>
    %add3A_1908 = arith.addf %add3A_1907, %mul3A_1905 : vector<16xf32>
    %mul3A_1909 = arith.mulf %mul3A_1894, %add3A_1908 : vector<16xf32>
    %convert_element_type3A_1910 = arith.sitofp %add3A_1883 : vector<16xi32> to vector<16xf32>
    %mul3A_1911 = arith.constant 0.693147182 : f32
    %mul3A_1912 = vector.broadcast %mul3A_1911 : f32 to vector<16xf32>
    %mul3A_1913 = arith.mulf %convert_element_type3A_1910, %mul3A_1912 : vector<16xf32>
    %add3A_1914 = arith.addf %mul3A_1913, %mul3A_1909 : vector<16xf32>
    %jit3A_1915 = arith.constant 0.000000e+00 : f32
    %broadcast_in_dim3A_1916 = vector.broadcast %jit3A_1915 : f32 to vector<16xf32>
    %select_n3A_1917 = arith.select %eq3A_1846, %broadcast_in_dim3A_1916, %add3A_1914 : vector<16xi1>, vector<16xf32>
    %div3A_1918 = arith.divf %sub3A_1823, %select_n3A_1843 : vector<16xf32>
    %bitcast_convert_type3A_1919 = tpu.bitcast %div3A_1918 : vector<16xf32> -> vector<16xi32>
    %shift_right_arithmetic3A_1920 = arith.constant 23 : i32
    %shift_right_arithmetic3A_1921 = vector.broadcast %shift_right_arithmetic3A_1920 : i32 to vector<16xi32>
    %shift_right_arithmetic3A_1922 = arith.shrsi %bitcast_convert_type3A_1919, %shift_right_arithmetic3A_1921 : vector<16xi32>
    %sub3A_1923 = arith.constant 127 : i32
    %sub3A_1924 = vector.broadcast %sub3A_1923 : i32 to vector<16xi32>
    %sub3A_1925 = arith.subi %shift_right_arithmetic3A_1922, %sub3A_1924 : vector<16xi32>
    %and3A_1926 = arith.constant 8388607 : i32
    %and3A_1927 = vector.broadcast %and3A_1926 : i32 to vector<16xi32>
    %and3A_1928 = arith.andi %bitcast_convert_type3A_1919, %and3A_1927 : vector<16xi32>
    %or3A_1929 = arith.constant 1065353216 : i32
    %or3A_1930 = vector.broadcast %or3A_1929 : i32 to vector<16xi32>
    %or3A_1931 = arith.ori %and3A_1928, %or3A_1930 : vector<16xi32>
    %bitcast_convert_type3A_1932 = tpu.bitcast %or3A_1931 : vector<16xi32> -> vector<16xf32>
    %gt3A_1933 = arith.constant 1.41421354 : f32
    %gt3A_1934 = vector.broadcast %gt3A_1933 : f32 to vector<16xf32>
    %gt3A_1935 = arith.cmpf ogt, %bitcast_convert_type3A_1932, %gt3A_1934 : vector<16xf32>
    %mul3A_1936 = arith.constant 5.000000e-01 : f32
    %mul3A_1937 = vector.broadcast %mul3A_1936 : f32 to vector<16xf32>
    %mul3A_1938 = arith.mulf %bitcast_convert_type3A_1932, %mul3A_1937 : vector<16xf32>
    %select_n3A_1939 = arith.select %gt3A_1935, %mul3A_1938, %bitcast_convert_type3A_1932 : vector<16xi1>, vector<16xf32>
    %convert_element_type3A_1940 = arith.extui %gt3A_1935 : vector<16xi1> to vector<16xi32>
    %add3A_1941 = arith.addi %sub3A_1925, %convert_element_type3A_1940 : vector<16xi32>
    %sub3A_1942 = arith.constant 1.000000e+00 : f32
    %sub3A_1943 = vector.broadcast %sub3A_1942 : f32 to vector<16xf32>
    %sub3A_1944 = arith.subf %select_n3A_1939, %sub3A_1943 : vector<16xf32>
    %add3A_1945 = arith.constant 1.000000e+00 : f32
    %add3A_1946 = vector.broadcast %add3A_1945 : f32 to vector<16xf32>
    %add3A_1947 = arith.addf %select_n3A_1939, %add3A_1946 : vector<16xf32>
    %div3A_1948 = arith.divf %sub3A_1944, %add3A_1947 : vector<16xf32>
    %mul3A_1949 = arith.mulf %div3A_1948, %div3A_1948 : vector<16xf32>
    %mul3A_1950 = arith.constant 2.000000e+00 : f32
    %mul3A_1951 = vector.broadcast %mul3A_1950 : f32 to vector<16xf32>
    %mul3A_1952 = arith.mulf %mul3A_1951, %div3A_1948 : vector<16xf32>
    %mul3A_1953 = arith.constant 0.142857149 : f32
    %mul3A_1954 = vector.broadcast %mul3A_1953 : f32 to vector<16xf32>
    %mul3A_1955 = arith.mulf %mul3A_1949, %mul3A_1954 : vector<16xf32>
    %add3A_1956 = arith.constant 2.000000e-01 : f32
    %add3A_1957 = vector.broadcast %add3A_1956 : f32 to vector<16xf32>
    %add3A_1958 = arith.addf %add3A_1957, %mul3A_1955 : vector<16xf32>
    %mul3A_1959 = arith.mulf %mul3A_1949, %add3A_1958 : vector<16xf32>
    %add3A_1960 = arith.constant 0.333333343 : f32
    %add3A_1961 = vector.broadcast %add3A_1960 : f32 to vector<16xf32>
    %add3A_1962 = arith.addf %add3A_1961, %mul3A_1959 : vector<16xf32>
    %mul3A_1963 = arith.mulf %mul3A_1949, %add3A_1962 : vector<16xf32>
    %add3A_1964 = arith.constant 1.000000e+00 : f32
    %add3A_1965 = vector.broadcast %add3A_1964 : f32 to vector<16xf32>
    %add3A_1966 = arith.addf %add3A_1965, %mul3A_1963 : vector<16xf32>
    %mul3A_1967 = arith.mulf %mul3A_1952, %add3A_1966 : vector<16xf32>
    %convert_element_type3A_1968 = arith.sitofp %add3A_1941 : vector<16xi32> to vector<16xf32>
    %mul3A_1969 = arith.constant 0.693147182 : f32
    %mul3A_1970 = vector.broadcast %mul3A_1969 : f32 to vector<16xf32>
    %mul3A_1971 = arith.mulf %convert_element_type3A_1968, %mul3A_1970 : vector<16xf32>
    %add3A_1972 = arith.addf %mul3A_1971, %mul3A_1967 : vector<16xf32>
    %jit3A_1973 = arith.constant 0.000000e+00 : f32
    %broadcast_in_dim3A_1974 = vector.broadcast %jit3A_1973 : f32 to vector<16xf32>
    %select_n3A_1975 = arith.select %eq3A_1849, %broadcast_in_dim3A_1974, %add3A_1972 : vector<16xi1>, vector<16xf32>
    %add3A_1976 = arith.constant 48 : i32
    %add3A_1977 = vector.broadcast %add3A_1976 : i32 to vector<16xi32>
    %add3A_1978 = arith.addi %add3A_1977, %iota3A : vector<16xi32>
    %mul3A_1979 = arith.constant 324 : i32
    %mul3A_1980 = vector.broadcast %mul3A_1979 : i32 to vector<16xi32>
    %mul3A_1981 = arith.muli %add3A_1978, %mul3A_1980 : vector<16xi32>
    %mul3A_1982 = arith.constant 4 : i32
    %mul3A_1983 = vector.broadcast %mul3A_1982 : i32 to vector<16xi32>
    %mul3A_1984 = arith.muli %gather3A_1792, %mul3A_1983 : vector<16xi32>
    %add3A_1985 = arith.addi %mul3A_1981, %mul3A_1984 : vector<16xi32>
    %mul3A_1986 = arith.constant 81 : i32
    %mul3A_1987 = vector.broadcast %mul3A_1986 : i32 to vector<16xi32>
    %mul3A_1988 = arith.muli %add3A_1978, %mul3A_1987 : vector<16xi32>
    %add3A_1989 = arith.addi %mul3A_1988, %gather3A_1792 : vector<16xi32>
    tpu.vector_store_idx %arg8[%add3A_1985], %select_n3A_1859 : memref<82944xf32, #tpu.memory_space<vmem>>[vector<16xi32>], vector<16xf32>,
    %add3A_1990 = arith.constant 1 : i32
    %add3A_1991 = vector.broadcast %add3A_1990 : i32 to vector<16xi32>
    %add3A_1992 = arith.addi %add3A_1985, %add3A_1991 : vector<16xi32>
    tpu.vector_store_idx %arg8[%add3A_1992], %select_n3A_1854 : memref<82944xf32, #tpu.memory_space<vmem>>[vector<16xi32>], vector<16xf32>,
    %add3A_1993 = arith.constant 2 : i32
    %add3A_1994 = vector.broadcast %add3A_1993 : i32 to vector<16xi32>
    %add3A_1995 = arith.addi %add3A_1985, %add3A_1994 : vector<16xi32>
    tpu.vector_store_idx %arg8[%add3A_1995], %select_n3A_1975 : memref<82944xf32, #tpu.memory_space<vmem>>[vector<16xi32>], vector<16xf32>,
    %add3A_1996 = arith.constant 3 : i32
    %add3A_1997 = vector.broadcast %add3A_1996 : i32 to vector<16xi32>
    %add3A_1998 = arith.addi %add3A_1985, %add3A_1997 : vector<16xi32>
    tpu.vector_store_idx %arg8[%add3A_1998], %select_n3A_1917 : memref<82944xf32, #tpu.memory_space<vmem>>[vector<16xi32>], vector<16xf32>,
    tpu.vector_store_idx %arg9[%add3A_1989], %broadcast_in_dim3A_5 : memref<20736xi32, #tpu.memory_space<vmem>>[vector<16xi32>], vector<16xi32>,
    "tpu.region"() ({
      %run_scoped3A = tpu.sem_alloc : memref<!tpu.dma_semaphore, #tpu.memory_space<semaphore_mem>>
      %dma_start3A = arith.constant 0 : i32
      %dma_start3A_1999 = tpu.memref_slice %arg6[%add3A_1034, %dma_start3A] : memref<64x82944xf32, #tpu.memory_space<hbm>> -> memref<1x82944xf32, #tpu.memory_space<hbm>>
      %dma_start3A_2000 = tpu.memref_squeeze %dma_start3A_1999 : memref<1x82944xf32, #tpu.memory_space<hbm>> -> memref<82944xf32, #tpu.memory_space<hbm>>
      %dma_start3A_2001 = arith.constant 0 : i32
      %dma_start3A_2002 = tpu.memref_slice %arg6[%add3A_1034, %dma_start3A_2001] : memref<64x82944xf32, #tpu.memory_space<hbm>> -> memref<1x82944xf32, #tpu.memory_space<hbm>>
      %dma_start3A_2003 = tpu.memref_squeeze %dma_start3A_2002 : memref<1x82944xf32, #tpu.memory_space<hbm>> -> memref<82944xf32, #tpu.memory_space<hbm>>
      tpu.enqueue_dma source(%arg8 : memref<82944xf32, #tpu.memory_space<vmem>>) target(%dma_start3A_2003 : memref<82944xf32, #tpu.memory_space<hbm>>) target_semaphore(%run_scoped3A : memref<!tpu.dma_semaphore, #tpu.memory_space<semaphore_mem>>)
      %dma_wait3A = arith.constant 0 : i32
      %dma_wait3A_2004 = tpu.memref_slice %arg6[%add3A_1034, %dma_wait3A] : memref<64x82944xf32, #tpu.memory_space<hbm>> -> memref<1x82944xf32, #tpu.memory_space<hbm>>
      %dma_wait3A_2005 = tpu.memref_squeeze %dma_wait3A_2004 : memref<1x82944xf32, #tpu.memory_space<hbm>> -> memref<82944xf32, #tpu.memory_space<hbm>>
      %dma_wait3A_2006 = arith.constant 0 : i32
      %dma_wait3A_2007 = tpu.memref_slice %arg6[%add3A_1034, %dma_wait3A_2006] : memref<64x82944xf32, #tpu.memory_space<hbm>> -> memref<1x82944xf32, #tpu.memory_space<hbm>>
      %dma_wait3A_2008 = tpu.memref_squeeze %dma_wait3A_2007 : memref<1x82944xf32, #tpu.memory_space<hbm>> -> memref<82944xf32, #tpu.memory_space<hbm>>
      tpu.wait_dma2 semaphore(%run_scoped3A : memref<!tpu.dma_semaphore, #tpu.memory_space<semaphore_mem>>) src(%arg8 : memref<82944xf32, #tpu.memory_space<vmem>>) dst(%dma_wait3A_2008 : memref<82944xf32, #tpu.memory_space<hbm>>)
      tpu.yield
    }) : () -> ()
    "tpu.region"() ({
      %run_scoped3A = tpu.sem_alloc : memref<!tpu.dma_semaphore, #tpu.memory_space<semaphore_mem>>
      %dma_start3A = arith.constant 0 : i32
      %dma_start3A_1999 = tpu.memref_slice %arg7[%add3A_1034, %dma_start3A] : memref<64x20736xi32, #tpu.memory_space<hbm>> -> memref<1x20736xi32, #tpu.memory_space<hbm>>
      %dma_start3A_2000 = tpu.memref_squeeze %dma_start3A_1999 : memref<1x20736xi32, #tpu.memory_space<hbm>> -> memref<20736xi32, #tpu.memory_space<hbm>>
      %dma_start3A_2001 = arith.constant 0 : i32
      %dma_start3A_2002 = tpu.memref_slice %arg7[%add3A_1034, %dma_start3A_2001] : memref<64x20736xi32, #tpu.memory_space<hbm>> -> memref<1x20736xi32, #tpu.memory_space<hbm>>
      %dma_start3A_2003 = tpu.memref_squeeze %dma_start3A_2002 : memref<1x20736xi32, #tpu.memory_space<hbm>> -> memref<20736xi32, #tpu.memory_space<hbm>>
      tpu.enqueue_dma source(%arg9 : memref<20736xi32, #tpu.memory_space<vmem>>) target(%dma_start3A_2003 : memref<20736xi32, #tpu.memory_space<hbm>>) target_semaphore(%run_scoped3A : memref<!tpu.dma_semaphore, #tpu.memory_space<semaphore_mem>>)
      %dma_wait3A = arith.constant 0 : i32
      %dma_wait3A_2004 = tpu.memref_slice %arg7[%add3A_1034, %dma_wait3A] : memref<64x20736xi32, #tpu.memory_space<hbm>> -> memref<1x20736xi32, #tpu.memory_space<hbm>>
      %dma_wait3A_2005 = tpu.memref_squeeze %dma_wait3A_2004 : memref<1x20736xi32, #tpu.memory_space<hbm>> -> memref<20736xi32, #tpu.memory_space<hbm>>
      %dma_wait3A_2006 = arith.constant 0 : i32
      %dma_wait3A_2007 = tpu.memref_slice %arg7[%add3A_1034, %dma_wait3A_2006] : memref<64x20736xi32, #tpu.memory_space<hbm>> -> memref<1x20736xi32, #tpu.memory_space<hbm>>
      %dma_wait3A_2008 = tpu.memref_squeeze %dma_wait3A_2007 : memref<1x20736xi32, #tpu.memory_space<hbm>> -> memref<20736xi32, #tpu.memory_space<hbm>>
      tpu.wait_dma2 semaphore(%run_scoped3A : memref<!tpu.dma_semaphore, #tpu.memory_space<semaphore_mem>>) src(%arg9 : memref<20736xi32, #tpu.memory_space<vmem>>) dst(%dma_wait3A_2008 : memref<20736xi32, #tpu.memory_space<hbm>>)
      tpu.yield
    }) : () -> ()
    return
  }
}

</mosaic_0001>

<sc_bundles>
// kernel: kernel.3.cloned.1.call-start
scs
__scs_entry_jumppad:
0x0: {  	(pc) =	sbr.rel $0x88, $3  }
0x1: {  	(tag) =	ssettag $0x0;
	lr =	simm.s32 $0x1  }
0x2: {  	[smem:$0x3F9D] =	sst lr;
	_ =	strace $0xD0000000  }
0x3: {  	_ = 	snop  }
0x4: {  	_ = 	snop  }
0x5: {  	_ = 	snop  }
0x6: {  	_ = 	snop  }
0x7: {  	_ = 	snop  }
__scs_overlays_trampoline_lowered:
0x8: {  	[smem:$0x3FAC] =	sst s0  }
0x9: {  	[smem:$0x3FAD] =	sst s1  }
0xa: {  	[smem:$0x3FAE] =	sst s2  }
0xb: {  	[smem:$0x3FAF] =	sst s3  }
0xc: {  	[smem:$0x3FB0] =	sst s4  }
0xd: {  	[smem:$0x3FB1] =	sst s5  }
0xe: {  	[smem:$0x3FB2] =	sst s6  }
0xf: {  	[smem:$0x3FB3] =	sst s7  }
0x10: {  	[smem:$0x3FB4] =	sst s8  }
0x11: {  	[smem:$0x3FB5] =	sst s9;
	s0 =	simm.s32 @!p0 $0x0  }
0x12: {  	s1 =	sld [smem:$0x3F9B];
	s0 =	simm.s32 @p0 $0x1  }
0x13: {  	[smem:$0x3FB6] =	sst s0;
	s0 =	simm.s32 @!p1 $0x0  }
0x14: {  	s2 =	sld [smem:$0x3F9A];
	s0 =	simm.s32 @p1 $0x1  }
0x15: {  	[smem:$0x3FB7] =	sst s0;
	s0 =	simm.s32 @!p2 $0x0  }
0x16: {  	s3 =	sld [smem:$0x3FDB];
	s0 =	simm.s32 @p2 $0x1  }
0x17: {  	s4 =	simm.s32 $0x1BF5;
	[smem:$0x3FB9] =	sst s0  }
0x18: {  	s0 =	sld [smem:$0x3F9C];
	_ =	swait.ge [sflag:s4], $0x0  }
0x19: {  	s7 =	sld [smem:$0x3F9D]  }
0x1a: {  	s8 =	sadd.s32 $0xFFFFE003, lr  }
0x1b: {  	s9 =	sadd.s32 $0xFFFFFEF7, lr;
	s5 =	simm.s32 $0xFFFFFFFF;
	p2 =	slt.u32 s8, $0xFFFFF086  }
0x1c: {  	p1 =	slt.u32 s9, $0xF7A;
	s5 =	simm.s32 @!p2 $0x0  }
0x1d: {  	s5 =	simm.s32 @p1 $0x1;
	p0 =	seq.s32 s7, s2  }
0x1e: {  	s7 =	smul.u32 @!p0 $0xF7A, s2;
	p2 =	seq.s32 @!p0 s5, $0x0  }
0x1f: {  	s9 =	smul.u32 $0xF7A, s1;
	s8 =	simm.s32 @!p0 $0x1BF5;
	p2 =	por !p2, p0  }
0x20: {  	[sflag:s8] =	ssyncset.s32 @!p0 $0xFFFFF086;
	s6 =	sadd.s32 @!p0 s3, s7;
	s7 =	simm.s32 @!p0 $0x108  }
0x21: {  	s3 =	sadd.s32 s3, s9;
	s6 =	sadd.s32 @!p0 $0x88, s6;
	s7 =	simm.s32 @p2 $0x1082  }
0x22: {  	[simem:s7], [sflag:s8] =	dma.local @!p0 [hbm:s6], $0xF7A  }
0x23: {  	s9 =	sor.u32 $0xD0000000, s2;
	s6 =	simm.s32 $0x108;
	_ =	swait.ge @!p0 [sflag:s8], $0x0  }
0x24: {  	s3 =	sadd.s32 $0x88, s3;
	s6 =	simm.s32 @!p1 $0x1082;
	[sflag:s4] =	ssyncset.s32 $0xFFFFF086  }
0x25: {  	[simem:s6], [sflag:s4] =	dma.local [hbm:s3], $0xF7A  }
0x26: {  	[smem:$0x3F9D] =	sst s1;
	(tag) =	ssettag s2;
	_ =	strace s9  }
0x27: {  	s1 =	sld [smem:$0x3FAD]  }
0x28: {  	s2 =	sld [smem:$0x3FAE]  }
0x29: {  	s4 =	sld [smem:$0x3FB0]  }
0x2a: {  	p0 =	seq.s32 s5, $0x0;
	s5 =	sld [smem:$0x3FB1]  }
0x2b: {  	s6 =	sld [smem:$0x3FB2]  }
0x2c: {  	s7 =	sld [smem:$0x3FB3]  }
0x2d: {  	s3 =	simm.s32 $0x108;
	s8 =	sld [smem:$0x3FB4]  }
0x2e: {  	s3 =	simm.s32 @!p0 $0x1082;
	s9 =	sld [smem:$0x3FB5]  }
0x2f: {  	lr =	sadd.s32 s0, s3;
	s0 =	sld [smem:$0x3FAC]  }
0x30: {  	s3 =	sld [smem:$0x3FAF]  }
0x31: {  	[smem:$0x3FB8] =	sst s10  }
0x32: {  	s10 =	sld [smem:$0x3FB6];
	_ =	sdelay $0x3  }
0x33: {  	p0 =	seq.s32 s10, $0x1;
	s10 =	sld [smem:$0x3FB8];
	_ =	sdelay $0x3  }
0x34: {  	[smem:$0x3FB8] =	sst s10  }
0x35: {  	s10 =	sld [smem:$0x3FB7];
	_ =	sdelay $0x3  }
0x36: {  	p1 =	seq.s32 s10, $0x1;
	s10 =	sld [smem:$0x3FB8];
	_ =	sdelay $0x3  }
0x37: {  	[smem:$0x3FB8] =	sst s10  }
0x38: {  	s10 =	sld [smem:$0x3FB9]  }
0x39: {  	_ = 	snop;
	(pc) =	sbr.ind lr, $3  }
0x3a: {  	_ = 	snop  }
0x3b: {  	_ = 	snop  }
0x3c: {  	p2 =	seq.s32 s10, $0x1;
	s10 =	sld [smem:$0x3FB8]  }
0x3d: {  	_ =	shalt  }
0x3e: {  	_ =	shalt  }
0x3f: {  	_ =	shalt  }
0x40: {  	_ =	shalt  }
0x41: {  	_ =	shalt  }
0x42: {  	_ =	shalt  }
0x43: {  	_ =	shalt  }
0x44: {  	_ =	shalt  }
0x45: {  	_ =	shalt  }
0x46: {  	_ =	shalt  }
0x47: {  	_ =	shalt  }
0x48: {  	_ =	shalt  }
0x49: {  	_ =	shalt  }
0x4a: {  	_ =	shalt  }
0x4b: {  	_ =	shalt  }
0x4c: {  	_ =	shalt  }
0x4d: {  	_ =	shalt  }
0x4e: {  	_ =	shalt  }
0x4f: {  	_ =	shalt  }
0x50: {  	_ =	shalt  }
0x51: {  	_ =	shalt  }
0x52: {  	_ =	shalt  }
0x53: {  	_ =	shalt  }
0x54: {  	_ =	shalt  }
0x55: {  	_ =	shalt  }
0x56: {  	_ =	shalt  }
0x57: {  	_ =	shalt  }
0x58: {  	_ =	shalt  }
0x59: {  	_ =	shalt  }
0x5a: {  	_ =	shalt  }
0x5b: {  	_ =	shalt  }
0x5c: {  	_ =	shalt  }
0x5d: {  	_ =	shalt  }
0x5e: {  	_ =	shalt  }
0x5f: {  	_ =	shalt  }
0x60: {  	_ =	shalt  }
0x61: {  	_ =	shalt  }
0x62: {  	_ =	shalt  }
0x63: {  	_ =	shalt  }
0x64: {  	_ =	shalt  }
0x65: {  	_ =	shalt  }
0x66: {  	_ =	shalt  }
0x67: {  	_ =	shalt  }
0x68: {  	_ =	shalt  }
0x69: {  	_ =	shalt  }
0x6a: {  	_ =	shalt  }
0x6b: {  	_ =	shalt  }
0x6c: {  	_ =	shalt  }
0x6d: {  	_ =	shalt  }
0x6e: {  	_ =	shalt  }
0x6f: {  	_ =	shalt  }
0x70: {  	_ =	shalt  }
0x71: {  	_ =	shalt  }
0x72: {  	_ =	shalt  }
0x73: {  	_ =	shalt  }
0x74: {  	_ =	shalt  }
0x75: {  	_ =	shalt  }
0x76: {  	_ =	shalt  }
0x77: {  	_ =	shalt  }
0x78: {  	_ =	shalt  }
0x79: {  	_ =	shalt  }
0x7a: {  	_ =	shalt  }
0x7b: {  	_ =	shalt  }
0x7c: {  	_ =	shalt  }
0x7d: {  	_ =	shalt  }
0x7e: {  	_ =	shalt  }
0x7f: {  	_ =	shalt  }
0x80: {  	_ =	shalt  }
0x81: {  	_ =	shalt  }
0x82: {  	_ =	shalt  }
0x83: {  	_ =	shalt  }
0x84: {  	_ =	shalt  }
0x85: {  	_ =	shalt  }
0x86: {  	_ =	shalt  }
0x87: {  	_ =	shalt  }
.Lfunc_end0:
.L_simem_size_0:
called_computation_lowered:
.L_overlay_start_0:
0x88: {  	s2 =	sld [smem:$0x3FD9]  }
0x89: {  	s3 =	sld [smem:$0x3FFE];
	_ =	sdelay $0x1  }
0x8a: {  	s1 =	srdreg.scid  }
0x8b: {  	s0 =	sand.u32 $0x1, s1  }
0x8c: {  	s14 =	sshll.u32 s0, $0xA;
	s2 =	sadd.s32 s3, s2  }
0x8d: {  	s2 =	sadd.s32 s2, s14  }
0x8e: {  	[smem:$0x3FC4] =	sst s2  }
0x8f: {  	_ = 	snop  }
0x90: {  	s2 =	sld [smem:$0x3FD0];
	_ =	sdelay $0x2  }
0x91: {  	s4 =	simm.s32 $0xA;
	s5 =	simm.s32 $0x10;
	s15 =	sld [smem:$0x3FC6]  }
0x92: {  	[smem:s5], [sflag:s4] =	dma.local [hbm:s2], $0x1  }
0x93: {  	_ =	swait.eq [sflag:s4], $0x1  }
0x94: {  	[sflag:s4] =	ssyncset.done $0x0  }
0x95: {  	s16 =	sld [smem:$0x10];
	[sflag:s4] =	ssyncadd.s32 $0xFFFFFFFF  }
0x96: {  	s17 =	sld [smem:$0x11];
	(tm) =	ssettm $0x1  }
0x97: {  	s18 =	sld [smem:$0x3FFB];
	_ =	sdelay $0x3  }
0x98: {  	_ =	strace s18  }
0x99: {  	s5 =	sld [smem:$0x3FFC];
	_ =	sdelay $0x3  }
0x9a: {  	_ =	strace s5  }
0x9b: {  	s5 =	sld [smem:$0x3FFD];
	_ =	sdelay $0x3  }
0x9c: {  	_ =	strace s5  }
0x9d: {  	_ =	strace $0x8FFFFFFF  }
0x9e: {  	s19 =	sld [smem:$0x3FDB];
	_ =	sdelay $0x1  }
0x9f: {  	s6 =	simm.s32 $_scs_section_size  }
0xa0: {  	s7 =	simm.s32 $_size__tile_overlayer_lowered;
	s8 =	simm.s32 $_tile_overlayer_lowered  }
0xa1: {  	s22 =	simm.s32 $0x1BFF;
	s21 =	sshll.u32 s8, $0x1;
	s5 =	sadd.s32 s6, s19  }
0xa2: {  	s9 =	simm.s32 $0x0;
	s20 =	sshll.u32 s7, $0x1;
	s7 =	sadd.s32 s21, s5  }
0xa3: {  	[timem:s9], [sflag:s22] =	dma.local [hbm:s7], s20  }
0xa4: {  	_ =	swait.ge [sflag:s22], s20  }
0xa5: {  	s6 =	ssub.s32 $0x0, s20;
	[sflag:s22] =	ssyncset.done $0x0  }
0xa6: {  	[sflag:s22] =	ssyncadd.s32 s6;
	_ =	sdelay $0x1  }
0xa7: {  	s23 =	simm.s32 $0x1B8B  }
0xa8: {  	_ =	swait.ge [sflag:s23], $0x1  }
0xa9: {  	[sflag:s23] =	ssyncset.done $0x0  }
0xaa: {  	s25 =	simm.s32 $0x1B8E;
	s24 =	sld [smem:$0x3FFE];
	[sflag:s23] =	ssyncadd.s32 $0xFFFFFFFF  }
0xab: {  	s26 =	simm.s32 $execute0_lowered;
	[smem:$0x3FD2] =	sst s25  }
0xac: {  	s7 =	sshll.u32 s26, $0x1;
	_ =	strace $0x80000046;
	[dreg:$0x1] =	wrdreg $0xFFFFFFFF  }
0xad: {  	s28 =	simm.s32 $_size_execute0_lowered;
	s5 =	sadd.s32 s5, s7;
	[dreg:$0x0] =	wrdreg $0x0  }
0xae: {  	s7 =	sshll.u32 s28, $0x1;
	[dreg:$0x2] =	wrdreg s5  }
0xaf: {  	[dreg:$0x3] =	wrdreg s7  }
0xb0: {  	[dreg:$0x4] =	wrdreg $0xC0  }
0xb1: {  	_ =	task [dreg:s9], $0x5FFFF  }
0xb2: {  	[dreg:$0x1] =	wrdreg $0xFFFFFFFF  }
0xb3: {  	[dreg:$0x0] =	wrdreg $0x60  }
0xb4: {  	[dreg:$0x2] =	wrdreg s24  }
0xb5: {  	[dreg:$0x3] =	wrdreg s15  }
0xb6: {  	[dreg:$0x4] =	wrdreg s16  }
0xb7: {  	[dreg:$0x5] =	wrdreg s17  }
0xb8: {  	[dreg:$0x6] =	wrdreg $0x9  }
0xb9: {  	_ =	task.clear_ibuf [dreg:s9], $0x7FFFF;
	_ =	strace $0x90000046  }
0xba: {  	s29 =	simm.s32 $0x9;
	_ =	strace $0x80000048  }
0xbb: {  	_ =	swait.ge [sflag:s29], $0x1  }
0xbc: {  	[sflag:s29] =	ssyncadd.s32 $0xFFFFFFFF  }
0xbd: {  	_ =	strace $0x90000048  }
0xbe: {  	_ =	sfence  }
0xbf: {  	s30 =	sld [smem:$0x0];
	_ =	sdelay $0x2  }
0xc0: {  	s31 =	sshll.u32 s1, $0xD;
	s1 =	sshrl.u32 s1, $0x2  }
0xc1: {  	s3 =	sand.u32 $0x4000, s31;
	s1 =	sadd.s32 s1, s30  }
0xc2: {  	s0 =	sor.u32 s3, s0;
	s1 =	sshll.u32 s1, $0x11  }
0xc3: {  	s0 =	sor.u32 s1, s0  }
0xc4: {  	s0 =	sadd.s32 $0x8F2B, s0  }
0xc5: {  	[sflag:s0] =	ssyncadd.remote.s32 $0x1  }
0xc6: {  	_ =	sfence.sel $0xFFFF  }
0xc7: {  	[dreg:$0x0] =	wrdreg $0xFFFFFFFF;
	(pc) =	sbr.abs _section_cstart, $3  }
0xc8: {  	[dreg:$0x1] =	wrdreg $0xFFFFFFFF  }
0xc9: {  	_ =	task.clear_ibuf [dreg:s9], $0x2FFFF;
	_ =	strace $0x9FFFFFFF  }
0xca: {  	(tm) =	ssettm $0x7FFFFFFF  }
0xcb: {  	_ =	shalt  }
tec
execute0_lowered:
.L_overlay_start_1:
0x0: {  	(tag) =	ssettag $0x1  }
0x1: {  	s3 =	rddreg [dreg:$0x0]  }
0x2: {  	s12 =	rddreg [dreg:$0x1]  }
0x3: {  	s13 =	rddreg [dreg:$0x2]  }
0x4: {  	s14 =	rddreg [dreg:$0x3]  }
0x5: {  	s0 =	rddreg [dreg:$0x4];
	s2 =	simm.s32 $0x0;
	s4 =	srdreg.scid  }
0x6: {  	s1 =	stileid.u32;
	[smem:$0x7FF] =	sst s2;
	s9 =	sadd.s32 $0x2000, s3  }
0x7: {  	s4 =	sand.u32 $0x1, s4;
	s5 =	sshll.u32 s1, $0x9;
	s7 =	sshrl.u32 s1, $0x1  }
0x8: {  	s11 =	sadd.s32 $0x1000, s3;
	s16 =	sadd.s32 $0x4000, s3;
	_ =	strace $0x80000047  }
0x9: {  	v17 =	vlaneseq.u32;
	s6 =	sshll.u32 s4, $0x8;
	s5 =	sand.u32 $0x200, s5;
	s4 =	ssub.s32 $0x2, s4  }
0xa: {  	v1 =	vimm.f32 $0.0e+00;
	v2 =	vimm.s32 $0x0;
	v0 =	vmul.u32 $0x51, v17;
	s10 =	sshll.u32 s7, $0xD;
	s17 =	sshll.u32 s7, $0xC;
	s18 =	sshll.u32 s7, $0xA  }
0xb: {  	v4 =	vimm.s32 $0x1;
	v14 =	vmul.u32 $0x4, v17;
	v17 =	vmul.u32 $0x144, v17;
	s19 =	smul.u32 $0xA2000, s7;
	s8 =	sor.u32 s6, s5;
	s21 =	sshrl.u32 s4, $0x1  }
0xc: {  	s20 =	smul.u32 $0x28800, s7;
	v3 =	vadd.s32 $0x1490, v0;
	v10 =	vadd.s32 $0x32F0, v0;
	v11 =	vor.u32 $0x3800, v0;
	s6 =	sor.u32 s10, s8;
	s15 =	ssub.s32 s4, s21  }
0xd: {  	v12 =	vadd.s32 $0x3D10, v0;
	v13 =	vadd.s32 $0x4220, v0;
	v15 =	vadd.s32 $0x4730, v0;
	s23 =	sor.u32 s17, s8;
	s24 =	sor.u32 s18, s8;
	s26 =	sor.u32 s19, s8  }
0xe: {  	v16 =	vadd.s32 $0x4C40, v0;
	v18 =	vor.u32 $0x1, v14;
	v19 =	vor.u32 $0x2, v14;
	s21 =	sor.u32 s20, s8;
	s22 =	sshrl.u32 s6, $0x3;
	s4 =	sshrl.u32 s23, $0x3  }
0xf: {  	v20 =	vor.u32 $0x3, v14;
	v21 =	vor.u32 $0x1, v17;
	v22 =	vor.u32 $0x2, v17;
	s25 =	sshrl.u32 s24, $0x3;
	s7 =	sshrl.u32 s26, $0x3;
	s21 =	sshrl.u32 s21, $0x3  }
0x10: {  	v23 =	vor.u32 $0x3, v17;
	v24 =	vor.u32 $0x40, v14;
	v25 =	vor.u32 $0x41, v14;
	s15 =	smax.u32 s15, $0x1;
	s23 =	simm.s32 $0x19B80;
	s24 =	simm.s32 $0x0  }
0x11: {  	v26 =	vor.u32 $0x42, v14;
	v27 =	vor.u32 $0x43, v14;
	v28 =	vadd.s32 $0x1440, v17;
	s3 =	sadd.s32 s9, s22;
	s4 =	sadd.s32 s11, s4;
	s5 =	sadd.s32 s16, s25  }
0x12: {  	v29 =	vadd.s32 $0x510, v0;
	v30 =	vadd.s32 $0x1441, v17;
	v31 =	vadd.s32 $0x1442, v17;
	s6 =	sadd.s32 s12, s25;
	s7 =	sadd.s32 s13, s7;
	s22 =	sor.u32 $0x80, s8  }
0x13: {  	v32 =	vadd.s32 $0x1443, v17;
	v33 =	vor.u32 $0x80, v14;
	v34 =	vor.u32 $0x81, v14;
	s8 =	sadd.s32 s14, s21;
	s21 =	simm.s32 $0x19900;
	s10 =	sor.u32 s10, s22  }
0x14: {  	v35 =	vor.u32 $0x82, v14;
	v36 =	vor.u32 $0x83, v14;
	v37 =	vadd.s32 $0x2880, v17;
	s17 =	sor.u32 s17, s22;
	s18 =	sor.u32 s18, s22;
	s29 =	sor.u32 s19, s22  }
0x15: {  	v38 =	vadd.s32 $0xA20, v0;
	v39 =	vadd.s32 $0x2881, v17;
	[tilespmem:$0x1FFA0] =	vst v3;
	v3 =	vadd.s32 $0x19A0, v0;
	s30 =	sor.u32 s20, s22;
	s19 =	simm.s32 $0x19500;
	s20 =	simm.s32 $0x1  }
0x16: {  	v40 =	vadd.s32 $0x2882, v17;
	v41 =	vadd.s32 $0x2883, v17;
	[tilespmem:$0x1FFB0] =	vst v3;
	v3 =	vadd.s32 $0x1EB0, v0;
	s22 =	simm.s32 $0x19B00;
	s10 =	sshrl.u32 s10, $0x3;
	s17 =	sshrl.u32 s17, $0x3  }
0x17: {  	v42 =	vor.u32 $0xC0, v14;
	v43 =	vor.u32 $0xC1, v14;
	[tilespmem:$0x1FFC0] =	vst v3;
	v3 =	vadd.s32 $0x23C0, v0;
	s28 =	sshrl.u32 s18, $0x3;
	s31 =	sshrl.u32 s30, $0x3;
	s18 =	simm.s32 $0x400  }
0x18: {  	v44 =	vor.u32 $0xC2, v14;
	v45 =	vor.u32 $0xC3, v14;
	[tilespmem:$0x1FFD0] =	vst v3;
	v3 =	vadd.s32 $0x28D0, v0;
	s9 =	sadd.s32 s9, s10;
	s10 =	sadd.s32 s11, s17;
	s11 =	sadd.s32 s16, s28  }
0x19: {  	v46 =	vadd.s32 $0x3CC0, v17;
	v47 =	vadd.s32 $0xF30, v0;
	[tilespmem:$0x1FFE0] =	vst v3;
	v3 =	vadd.s32 $0x2DE0, v0;
	s12 =	sadd.s32 s12, s28;
	s16 =	sshrl.u32 s29, $0x3;
	s14 =	sadd.s32 s14, s31  }
0x1a: {  	v48 =	vadd.s32 $0x3CC1, v17;
	v49 =	vadd.s32 $0x3CC2, v17;
	v50 =	vadd.s32 $0x3CC3, v17;
	[tilespmem:$0x1FFF0] =	vst v3;
	s17 =	simm.s32 $0x80;
	s13 =	sadd.s32 s13, s16;
	s16 =	simm.s32 $0x14400  }
.LBB2_1:
0x1b: {  	s25 =	simm.s32 $0x0;
	s26 =	simm.s32 $0x400  }
.LBB2_2:
0x1c: {  	p0 =	sne.s32 s26, $0x50C00;
	[tilespmem:s25+$0xF0] =	vst v1  }
0x1d: {  	[tilespmem:s25+$0x0] =	vst v1  }
0x1e: {  	[tilespmem:s25+$0x10] =	vst v1  }
0x1f: {  	[tilespmem:s25+$0x20] =	vst v1  }
0x20: {  	[tilespmem:s25+$0x30] =	vst v1  }
0x21: {  	[tilespmem:s25+$0x40] =	vst v1  }
0x22: {  	[tilespmem:s25+$0x50] =	vst v1  }
0x23: {  	[tilespmem:s25+$0x60] =	vst v1  }
0x24: {  	[tilespmem:s25+$0x70] =	vst v1  }
0x25: {  	[tilespmem:s25+$0x80] =	vst v1  }
0x26: {  	[tilespmem:s25+$0x90] =	vst v1  }
.Ltmp0:
0x27: {  	[tilespmem:s25+$0xA0] =	vst v1;
	(pc) =	sbr.rel @p0 .LBB2_2-.Ltmp0, $4  }
0x28: {  	[tilespmem:s25+$0xB0] =	vst v1  }
0x29: {  	[tilespmem:s25+$0xC0] =	vst v1  }
0x2a: {  	[tilespmem:s25+$0xD0] =	vst v1  }
0x2b: {  	[tilespmem:s25+$0xE0] =	vst v1;
	s25 =	sshra.s32 s26, $0x2;
	s26 =	sadd.s32 $0x400, s26  }
0x2c: {  	[tilespmem:s25+$0xF0] =	vst v1  }
0x2d: {  	[tilespmem:s25+$0x0] =	vst v1  }
0x2e: {  	[tilespmem:s25+$0x10] =	vst v1  }
0x2f: {  	[tilespmem:s25+$0x20] =	vst v1  }
0x30: {  	[tilespmem:s25+$0x30] =	vst v1  }
0x31: {  	[tilespmem:s25+$0x40] =	vst v1  }
0x32: {  	[tilespmem:s25+$0x50] =	vst v1  }
0x33: {  	[tilespmem:s25+$0x60] =	vst v1  }
0x34: {  	[tilespmem:s25+$0x70] =	vst v1  }
0x35: {  	[tilespmem:s25+$0x80] =	vst v1  }
0x36: {  	[tilespmem:s25+$0x90] =	vst v1  }
0x37: {  	[tilespmem:s25+$0xA0] =	vst v1  }
0x38: {  	[tilespmem:s25+$0xB0] =	vst v1  }
0x39: {  	[tilespmem:s25+$0xC0] =	vst v1  }
0x3a: {  	[tilespmem:s25+$0xD0] =	vst v1  }
0x3b: {  	[tilespmem:s25+$0xE0] =	vst v1;
	s25 =	simm.s32 $0x0;
	s26 =	simm.s32 $0x400  }
.LBB2_4:
0x3c: {  	p0 =	sne.s32 s26, $0x14000;
	[tilespmem:s25+$0x144F0] =	vst v2  }
0x3d: {  	[tilespmem:s25+$0x14400] =	vst v2  }
0x3e: {  	[tilespmem:s25+$0x14410] =	vst v2  }
0x3f: {  	[tilespmem:s25+$0x14420] =	vst v2  }
0x40: {  	[tilespmem:s25+$0x14430] =	vst v2  }
0x41: {  	[tilespmem:s25+$0x14440] =	vst v2  }
0x42: {  	[tilespmem:s25+$0x14450] =	vst v2  }
0x43: {  	[tilespmem:s25+$0x14460] =	vst v2  }
0x44: {  	[tilespmem:s25+$0x14470] =	vst v2  }
0x45: {  	[tilespmem:s25+$0x14480] =	vst v2  }
0x46: {  	[tilespmem:s25+$0x14490] =	vst v2  }
.Ltmp1:
0x47: {  	[tilespmem:s25+$0x144A0] =	vst v2;
	(pc) =	sbr.rel @p0 .LBB2_4-.Ltmp1, $4  }
0x48: {  	[tilespmem:s25+$0x144B0] =	vst v2  }
0x49: {  	[tilespmem:s25+$0x144C0] =	vst v2  }
0x4a: {  	[tilespmem:s25+$0x144D0] =	vst v2  }
0x4b: {  	[tilespmem:s25+$0x144E0] =	vst v2;
	s25 =	sshra.s32 s26, $0x2;
	s26 =	sadd.s32 $0x400, s26  }
0x4c: {  	[tilespmem:s25+$0x144F0] =	vst v2  }
0x4d: {  	[tilespmem:s25+$0x14400] =	vst v2  }
0x4e: {  	[tilespmem:s25+$0x14410] =	vst v2  }
0x4f: {  	[tilespmem:s25+$0x14420] =	vst v2  }
0x50: {  	[tilespmem:s25+$0x14430] =	vst v2  }
0x51: {  	[tilespmem:s25+$0x14440] =	vst v2  }
0x52: {  	[tilespmem:s25+$0x14450] =	vst v2  }
0x53: {  	[tilespmem:s25+$0x14460] =	vst v2  }
0x54: {  	[tilespmem:s25+$0x14470] =	vst v2;
	v3 =	vld [tilespmem:$0x1FFA0]  }
0x55: {  	[tilespmem:s25+$0x14480] =	vst v2  }
0x56: {  	[tilespmem:s25+$0x14490] =	vst v2  }
0x57: {  	[tilespmem:s25+$0x144A0] =	vst v2  }
0x58: {  	[tilespmem:s25+$0x144B0] =	vst v2  }
0x59: {  	[tilespmem:s25+$0x144C0] =	vst v2  }
0x5a: {  	[tilespmem:s25+$0x144D0] =	vst v2  }
0x5b: {  	[tilespmem:s25+$0x144E0] =	vst v2  }
0x5c: {  	[tilespmem:v3+s16+$0x0] =	vst.idx.msk $0xffff, v4;
	v3 =	vld [tilespmem:$0x1FFB0];
	_ =	sdelay $0x7  }
0x5d: {  	[tilespmem:v3+s16+$0x0] =	vst.idx.msk $0xffff, v4;
	v3 =	vld [tilespmem:$0x1FFC0];
	_ =	sdelay $0x7  }
0x5e: {  	[tilespmem:v3+s16+$0x0] =	vst.idx.msk $0xffff, v4;
	v3 =	vld [tilespmem:$0x1FFD0];
	_ =	sdelay $0x7  }
0x5f: {  	[tilespmem:v3+s16+$0x0] =	vst.idx.msk $0xffff, v4;
	v3 =	vld [tilespmem:$0x1FFE0];
	_ =	sdelay $0x7  }
0x60: {  	[tilespmem:v3+s16+$0x0] =	vst.idx.msk $0xffff, v4;
	v3 =	vld [tilespmem:$0x1FFF0];
	_ =	sdelay $0x7  }
0x61: {  	[tilespmem:v3+s16+$0x0] =	vst.idx.msk $0xffff, v4  }
0x62: {  	[tilespmem:v10+s16+$0x0] =	vst.idx.msk $0xffff, v4  }
0x63: {  	[tilespmem:v11+s16+$0x0] =	vst.idx.msk $0xffff, v4  }
0x64: {  	[tilespmem:v12+s16+$0x0] =	vst.idx.msk $0xffff, v4  }
0x65: {  	[tilespmem:v13+s16+$0x0] =	vst.idx.msk $0xffff, v4  }
0x66: {  	[tilespmem:v15+s16+$0x0] =	vst.idx.msk $0xffff, v4  }
0x67: {  	[tilespmem:v16+s16+$0x0] =	vst.idx.msk $0xffff, v4  }
0x68: {  	[tilespmem:s19], [sflag:$0x1] =	stream.strided.gather [hbm4b:s3+s17], $0x400, s18, s17, $0x38;
	[tilespmem:$0x19C80] =	vst v63  }
0x69: {  	_ =	swait.ge [sflag:s20], $0x400  }
0x6a: {  	[sflag:s20] =	ssyncset.done $0x0  }
0x6b: {  	[sflag:s20] =	ssyncadd.s32 $0xFFFFFC00  }
0x6c: {  	[tilespmem:s21], [sflag:$0x1] =	stream.strided.gather [hbm4b:s4+s17], $0x200, s18, s17, $0x38;
	[tilespmem:$0x19C80] =	vst v63  }
0x6d: {  	_ =	swait.ge [sflag:s20], $0x200  }
0x6e: {  	[sflag:s20] =	ssyncset.done $0x0  }
0x6f: {  	[sflag:s20] =	ssyncadd.s32 $0xFFFFFE00  }
0x70: {  	[tilespmem:s22], [sflag:$0x1] =	stream.linear.gather [hbm4b:s5+s2], $0x80, $0x38;
	[tilespmem:$0x19C80] =	vst v63  }
0x71: {  	_ =	swait.ge [sflag:s20], $0x80  }
0x72: {  	[sflag:s20] =	ssyncset.done $0x0  }
0x73: {  	[sflag:s20] =	ssyncadd.s32 $0xFFFFFF80  }
0x74: {  	[tilespmem:s23], [sflag:$0x1] =	stream.linear.gather [hbm4b:s6+s2], $0x80, $0x38;
	[tilespmem:$0x19C80] =	vst v63  }
0x75: {  	_ =	swait.ge [sflag:s20], $0x80  }
0x76: {  	[sflag:s20] =	ssyncset.done $0x0  }
0x77: {  	[sflag:s20] =	ssyncadd.s32 $0xFFFFFF80  }
0x78: {  	v51 =	vld [tilespmem:$0x19B80]  }
0x79: {  	v52 =	vld.idx.msk [tilespmem:v14+s19+$0x0], $0xffff  }
0x7a: {  	v53 =	vld.idx.msk [tilespmem:v18+s19+$0x0], $0xffff  }
0x7b: {  	v54 =	vld.idx.msk [tilespmem:v20+s19+$0x0], $0xffff  }
0x7c: {  	v55 =	vld.idx.msk [tilespmem:v19+s19+$0x0], $0xffff;
	_ =	sdelay $0x3  }
0x7d: {  	v56 =	vshll.u32 v51, $0x2;
	v54 =	vsub.f32 v54, v53  }
0x7e: {  	v55 =	vsub.f32 v55, v52;
	v57 =	vor.u32 $0x1, v56  }
0x7f: {  	v58 =	vor.u32 $0x3, v56;
	vm0 =	veq.f32 v54, $0.0e+00  }
0x80: {  	v59 =	vor.u32 $0x2, v56;
	vm7 =	veq.f32 v55, $0.0e+00;
	v60 =	vsel vm0, $0x3A83126F, v54  }
0x81: {  	v61 =	vsel vm7, $0x3A83126F, v55;
	(erf) = vrcp.f32 v60  }
0x82: {  	v56 =	vld.idx.msk [tilespmem:v56+s21+$0x0], $0xffff;
	(erf) = vrcp.f32 v61  }
0x83: {  	v57 =	vld.idx.msk [tilespmem:v57+s21+$0x0], $0xffff  }
0x84: {  	v58 =	vld.idx.msk [tilespmem:v58+s21+$0x0], $0xffff  }
0x85: {  	v59 =	vld.idx.msk [tilespmem:v59+s21+$0x0], $0xffff;
	_ =	sdelay $0x3  }
0x86: {  	v58 =	vsub.f32 v58, v57  }
0x87: {  	v59 =	vsub.f32 v59, v56;
	v60 =	vpop (erf)  }
0x88: {  	v61 =	vpop (erf);
	v62 =	vmul.f32 v60, v58  }
0x89: {  	v63 =	vmul.f32 v61, v59  }
0x8a: {  	v3 =	vand.u32 $0x7FFFFF, v62  }
0x8b: {  	v3 =	vor.u32 $0x3F800000, v3;
	v5 =	vand.u32 $0x7FFFFF, v63  }
0x8c: {  	v6 =	vmul.f32 $5.000000000e-01, v3;
	v5 =	vor.u32 $0x3F800000, v5  }
0x8d: {  	vm2 =	vgt.f32 v3, $1.414213540e+00;
	v7 =	vmul.f32 $5.000000000e-01, v5  }
0x8e: {  	vm1 =	vgt.f32 v5, $1.414213540e+00;
	v3 =	vsel vm2, v6, v3  }
0x8f: {  	v6 =	vadd.f32 $1.000000000e+00, v3;
	v5 =	vsel vm1, v7, v5  }
0x90: {  	v7 =	vadd.f32 $1.000000000e+00, v5  }
0x91: {  	(erf) = vrcp.f32 v6  }
0x92: {  	(erf) = vrcp.f32 v7;
	_ =	sdelay $0x7  }
0x93: {  	v5 =	vadd.f32 $-1.000000000e+00, v5;
	v6 =	vpop (erf)  }
0x94: {  	v3 =	vadd.f32 $-1.000000000e+00, v3;
	v7 =	vpop (erf)  }
0x95: {  	v8 =	vmul.f32 $5.000000000e-01, v59;
	v5 =	vmul.f32 v7, v5  }
0x96: {  	v3 =	vmul.f32 v6, v3;
	v6 =	vmul.f32 $5.000000000e-01, v54  }
0x97: {  	v7 =	vmul.f32 $5.000000000e-01, v55;
	v55 =	vmul.f32 v5, v5  }
0x98: {  	vm8 =	veq.f32 v58, $0.0e+00;
	vm9 =	veq.f32 v59, $0.0e+00;
	v54 =	vmul.f32 v3, v3  }
0x99: {  	v8 =	vadd.f32 v8, v56;
	v6 =	vadd.f32 v6, v53;
	v9 =	vmul.f32 $1.428571490e-01, v55  }
0x9a: {  	v53 =	vmul.f32 $5.000000000e-01, v58;
	v7 =	vadd.f32 v7, v52;
	v52 =	vmul.f32 $1.428571490e-01, v54  }
0x9b: {  	v59 =	vshra.s32 v62, $0x17;
	v3 =	vadd.f32 v3, v3;
	v9 =	vadd.f32 $2.000000030e-01, v9  }
0x9c: {  	v56 =	vsel vm2, $0x1, v2;
	v53 =	vadd.f32 v53, v57;
	v52 =	vadd.f32 $2.000000030e-01, v52  }
0x9d: {  	v5 =	vadd.f32 v5, v5;
	v7 =	vsub.f32 v8, v7;
	v8 =	vld.idx.msk [tilespmem:v51+s22+$0x0], $0xffff;
	v9 =	vmul.f32 v9, v55  }
0x9e: {  	v51 =	vadd.s32 v56, v59;
	v6 =	vsub.f32 v53, v6;
	v52 =	vmul.f32 v52, v54  }
0x9f: {  	v7 =	vmul.f32 v61, v7;
	v61 =	vsel vm1, $0x1, v2;
	v9 =	vadd.f32 $3.333333430e-01, v9  }
0xa0: {  	v6 =	vmul.f32 v60, v6;
	v60 =	vshra.s32 v63, $0x17;
	v52 =	vadd.f32 $3.333333430e-01, v52  }
0xa1: {  	v51 =	vadd.s32 $0xFFFFFF81, v51;
	v53 =	vadd.s32 v61, v60;
	v9 =	vmul.f32 v9, v55  }
0xa2: {  	v53 =	vadd.s32 $0xFFFFFF81, v53;
	v62 =	vshll.u32 v8, $0x2;
	v52 =	vmul.f32 v52, v54  }
0xa3: {  	v53 =	vcvt.s32.f32 v53;
	v63 =	vadd.s32 v17, v62;
	v9 =	vadd.f32 $1.000000000e+00, v9  }
0xa4: {  	v51 =	vcvt.s32.f32 v51;
	v60 =	vadd.s32 v21, v62;
	v52 =	vadd.f32 $1.000000000e+00, v52  }
0xa5: {  	v61 =	vadd.s32 v22, v62;
	v5 =	vmul.f32 v9, v5;
	v9 =	vmul.f32 $6.931471820e-01, v53  }
0xa6: {  	v51 =	vmul.f32 $6.931471820e-01, v51;
	v62 =	vadd.s32 v23, v62;
	v3 =	vmul.f32 v52, v3  }
0xa7: {  	v7 =	vsel vm9, $0x0, v7;
	v8 =	vadd.s32 v0, v8;
	v5 =	vadd.f32 v5, v9  }
0xa8: {  	v6 =	vsel vm8, $0x0, v6;
	[tilespmem:v63+s2+$0x0] =	vst.idx.msk $0xffff, v7;
	v3 =	vadd.f32 v3, v51  }
0xa9: {  	[tilespmem:v60+s2+$0x0] =	vst.idx.msk $0xffff, v6;
	v5 =	vsel vm9, $0x0, v5  }
0xaa: {  	v3 =	vsel vm8, $0x0, v3;
	[tilespmem:v61+s2+$0x0] =	vst.idx.msk $0xffff, v5  }
0xab: {  	[tilespmem:v62+s2+$0x0] =	vst.idx.msk $0xffff, v3  }
0xac: {  	[tilespmem:v8+s16+$0x0] =	vst.idx.msk $0xffff, v4  }
0xad: {  	[tilespmem:$0x19C00] =	vst v63  }
0xae: {  	[tilespmem:$0x19C40] =	vst v8;
	v3 =	vld [tilespmem:$0x19B90]  }
0xaf: {  	v5 =	vld.idx.msk [tilespmem:v24+s19+$0x0], $0xffff  }
0xb0: {  	v6 =	vld.idx.msk [tilespmem:v25+s19+$0x0], $0xffff  }
0xb1: {  	v7 =	vld.idx.msk [tilespmem:v27+s19+$0x0], $0xffff  }
0xb2: {  	v8 =	vld.idx.msk [tilespmem:v26+s19+$0x0], $0xffff;
	_ =	sdelay $0x3  }
0xb3: {  	v9 =	vshll.u32 v3, $0x2;
	v7 =	vsub.f32 v7, v6  }
0xb4: {  	v63 =	vor.u32 $0x1, v9;
	v8 =	vsub.f32 v8, v5  }
0xb5: {  	v57 =	vor.u32 $0x3, v9;
	vm10 =	veq.f32 v7, $0.0e+00  }
0xb6: {  	v58 =	vor.u32 $0x2, v9;
	vm11 =	veq.f32 v8, $0.0e+00;
	v59 =	vsel vm10, $0x3A83126F, v7  }
0xb7: {  	v60 =	vsel vm11, $0x3A83126F, v8;
	(erf) = vrcp.f32 v59  }
0xb8: {  	v9 =	vld.idx.msk [tilespmem:v9+s21+$0x0], $0xffff;
	(erf) = vrcp.f32 v60  }
0xb9: {  	v51 =	vld.idx.msk [tilespmem:v63+s21+$0x0], $0xffff  }
0xba: {  	v52 =	vld.idx.msk [tilespmem:v57+s21+$0x0], $0xffff  }
0xbb: {  	v53 =	vld.idx.msk [tilespmem:v58+s21+$0x0], $0xffff;
	_ =	sdelay $0x3  }
0xbc: {  	v52 =	vsub.f32 v52, v51  }
0xbd: {  	v53 =	vsub.f32 v53, v9;
	v54 =	vpop (erf)  }
0xbe: {  	v55 =	vpop (erf);
	v56 =	vmul.f32 v54, v52  }
0xbf: {  	v57 =	vmul.f32 v55, v53  }
0xc0: {  	v61 =	vand.u32 $0x7FFFFF, v56  }
0xc1: {  	v58 =	vor.u32 $0x3F800000, v61;
	v59 =	vand.u32 $0x7FFFFF, v57  }
0xc2: {  	v60 =	vmul.f32 $5.000000000e-01, v58;
	v59 =	vor.u32 $0x3F800000, v59  }
0xc3: {  	vm12 =	vgt.f32 v58, $1.414213540e+00;
	v61 =	vmul.f32 $5.000000000e-01, v59  }
0xc4: {  	vm13 =	vgt.f32 v59, $1.414213540e+00;
	v58 =	vsel vm12, v60, v58  }
0xc5: {  	v60 =	vadd.f32 $1.000000000e+00, v58;
	v59 =	vsel vm13, v61, v59  }
0xc6: {  	v61 =	vadd.f32 $1.000000000e+00, v59  }
0xc7: {  	(erf) = vrcp.f32 v60  }
0xc8: {  	(erf) = vrcp.f32 v61;
	_ =	sdelay $0x7  }
0xc9: {  	v59 =	vadd.f32 $-1.000000000e+00, v59;
	v60 =	vpop (erf)  }
0xca: {  	v58 =	vadd.f32 $-1.000000000e+00, v58;
	v61 =	vpop (erf)  }
0xcb: {  	v7 =	vmul.f32 $5.000000000e-01, v7;
	v59 =	vmul.f32 v61, v59  }
0xcc: {  	v8 =	vmul.f32 $5.000000000e-01, v8;
	v58 =	vmul.f32 v60, v58  }
0xcd: {  	v6 =	vadd.f32 v7, v6;
	v7 =	vmul.f32 $5.000000000e-01, v52;
	v61 =	vmul.f32 v59, v59  }
0xce: {  	v62 =	vmul.f32 $5.000000000e-01, v53;
	v60 =	vmul.f32 v58, v58  }
0xcf: {  	v5 =	vadd.f32 v8, v5;
	v7 =	vadd.f32 v7, v51;
	v63 =	vmul.f32 $1.428571490e-01, v61  }
0xd0: {  	vm14 =	veq.f32 v52, $0.0e+00;
	v9 =	vadd.f32 v62, v9;
	v8 =	vmul.f32 $1.428571490e-01, v60  }
0xd1: {  	vm15 =	veq.f32 v53, $0.0e+00;
	v6 =	vsub.f32 v7, v6;
	v63 =	vadd.f32 $2.000000030e-01, v63  }
0xd2: {  	v3 =	vld.idx.msk [tilespmem:v3+s22+$0x0], $0xffff;
	v5 =	vsub.f32 v9, v5;
	v7 =	vshra.s32 v56, $0x17;
	v8 =	vadd.f32 $2.000000030e-01, v8  }
0xd3: {  	v57 =	vshra.s32 v57, $0x17;
	v6 =	vmul.f32 v54, v6;
	v9 =	vmul.f32 v63, v61  }
0xd4: {  	v5 =	vmul.f32 v55, v5;
	v62 =	vsel vm12, $0x1, v2;
	v8 =	vmul.f32 v8, v60  }
0xd5: {  	v51 =	vadd.f32 v58, v58;
	v58 =	vsel vm13, $0x1, v2;
	v9 =	vadd.f32 $3.333333430e-01, v9  }
0xd6: {  	v7 =	vadd.s32 v62, v7;
	v52 =	vadd.s32 v58, v57;
	v8 =	vadd.f32 $3.333333430e-01, v8  }
0xd7: {  	v62 =	vshll.u32 v3, $0x2;
	v52 =	vadd.s32 $0xFFFFFF81, v52;
	v9 =	vmul.f32 v9, v61  }
0xd8: {  	v7 =	vadd.s32 $0xFFFFFF81, v7;
	v52 =	vcvt.s32.f32 v52;
	v8 =	vmul.f32 v8, v60  }
0xd9: {  	v63 =	vadd.s32 v28, v62;
	v61 =	vadd.f32 v59, v59;
	v9 =	vadd.f32 $1.000000000e+00, v9  }
0xda: {  	v7 =	vcvt.s32.f32 v7;
	v60 =	vadd.s32 v30, v62;
	v8 =	vadd.f32 $1.000000000e+00, v8  }
0xdb: {  	v52 =	vmul.f32 $6.931471820e-01, v52;
	v9 =	vmul.f32 v9, v61;
	v61 =	vadd.s32 v31, v62  }
0xdc: {  	v7 =	vmul.f32 $6.931471820e-01, v7;
	v8 =	vmul.f32 v8, v51;
	v62 =	vadd.s32 v32, v62  }
0xdd: {  	v5 =	vsel vm15, $0x0, v5;
	v3 =	vadd.s32 v29, v3;
	v9 =	vadd.f32 v9, v52  }
0xde: {  	v6 =	vsel vm14, $0x0, v6;
	[tilespmem:v63+s2+$0x0] =	vst.idx.msk $0xffff, v5;
	v7 =	vadd.f32 v8, v7  }
0xdf: {  	[tilespmem:v60+s2+$0x0] =	vst.idx.msk $0xffff, v6;
	v5 =	vsel vm15, $0x0, v9  }
0xe0: {  	v6 =	vsel vm14, $0x0, v7;
	[tilespmem:v61+s2+$0x0] =	vst.idx.msk $0xffff, v5  }
0xe1: {  	[tilespmem:v62+s2+$0x0] =	vst.idx.msk $0xffff, v6  }
0xe2: {  	[tilespmem:v3+s16+$0x0] =	vst.idx.msk $0xffff, v4  }
0xe3: {  	[tilespmem:$0x19C10] =	vst v63  }
0xe4: {  	[tilespmem:$0x19C50] =	vst v3;
	v3 =	vld [tilespmem:$0x19BA0]  }
0xe5: {  	v5 =	vld.idx.msk [tilespmem:v33+s19+$0x0], $0xffff  }
0xe6: {  	v6 =	vld.idx.msk [tilespmem:v34+s19+$0x0], $0xffff  }
0xe7: {  	v7 =	vld.idx.msk [tilespmem:v36+s19+$0x0], $0xffff  }
0xe8: {  	v8 =	vld.idx.msk [tilespmem:v35+s19+$0x0], $0xffff;
	_ =	sdelay $0x3  }
0xe9: {  	v9 =	vshll.u32 v3, $0x2;
	v7 =	vsub.f32 v7, v6  }
0xea: {  	v63 =	vor.u32 $0x1, v9;
	v8 =	vsub.f32 v8, v5  }
0xeb: {  	v57 =	vor.u32 $0x3, v9;
	vm4 =	veq.f32 v7, $0.0e+00  }
0xec: {  	v58 =	vor.u32 $0x2, v9;
	vm5 =	veq.f32 v8, $0.0e+00;
	v59 =	vsel vm4, $0x3A83126F, v7  }
0xed: {  	v60 =	vsel vm5, $0x3A83126F, v8;
	(erf) = vrcp.f32 v59  }
0xee: {  	v9 =	vld.idx.msk [tilespmem:v9+s21+$0x0], $0xffff;
	(erf) = vrcp.f32 v60  }
0xef: {  	v51 =	vld.idx.msk [tilespmem:v63+s21+$0x0], $0xffff  }
0xf0: {  	v52 =	vld.idx.msk [tilespmem:v57+s21+$0x0], $0xffff  }
0xf1: {  	v53 =	vld.idx.msk [tilespmem:v58+s21+$0x0], $0xffff;
	_ =	sdelay $0x3  }
0xf2: {  	v52 =	vsub.f32 v52, v51  }
0xf3: {  	v53 =	vsub.f32 v53, v9;
	v54 =	vpop (erf)  }
0xf4: {  	v55 =	vpop (erf);
	v56 =	vmul.f32 v54, v52  }
0xf5: {  	v57 =	vmul.f32 v55, v53  }
0xf6: {  	v61 =	vand.u32 $0x7FFFFF, v56  }
0xf7: {  	v58 =	vor.u32 $0x3F800000, v61;
	v59 =	vand.u32 $0x7FFFFF, v57  }
0xf8: {  	v60 =	vmul.f32 $5.000000000e-01, v58;
	v59 =	vor.u32 $0x3F800000, v59  }
0xf9: {  	vm6 =	vgt.f32 v58, $1.414213540e+00;
	v61 =	vmul.f32 $5.000000000e-01, v59  }
0xfa: {  	vm7 =	vgt.f32 v59, $1.414213540e+00;
	v58 =	vsel vm6, v60, v58  }
0xfb: {  	v60 =	vadd.f32 $1.000000000e+00, v58;
	v59 =	vsel vm7, v61, v59  }
0xfc: {  	v61 =	vadd.f32 $1.000000000e+00, v59  }
0xfd: {  	(erf) = vrcp.f32 v60  }
0xfe: {  	(erf) = vrcp.f32 v61;
	_ =	sdelay $0x7  }
0xff: {  	v59 =	vadd.f32 $-1.000000000e+00, v59;
	v60 =	vpop (erf)  }
0x100: {  	v58 =	vadd.f32 $-1.000000000e+00, v58;
	v61 =	vpop (erf)  }
0x101: {  	v7 =	vmul.f32 $5.000000000e-01, v7;
	v59 =	vmul.f32 v61, v59  }
0x102: {  	v8 =	vmul.f32 $5.000000000e-01, v8;
	v58 =	vmul.f32 v60, v58  }
0x103: {  	v6 =	vadd.f32 v7, v6;
	v7 =	vmul.f32 $5.000000000e-01, v52;
	v61 =	vmul.f32 v59, v59  }
0x104: {  	v62 =	vmul.f32 $5.000000000e-01, v53;
	v60 =	vmul.f32 v58, v58  }
0x105: {  	v5 =	vadd.f32 v8, v5;
	v7 =	vadd.f32 v7, v51;
	v63 =	vmul.f32 $1.428571490e-01, v61  }
0x106: {  	vm8 =	veq.f32 v52, $0.0e+00;
	v9 =	vadd.f32 v62, v9;
	v8 =	vmul.f32 $1.428571490e-01, v60  }
0x107: {  	vm9 =	veq.f32 v53, $0.0e+00;
	v6 =	vsub.f32 v7, v6;
	v63 =	vadd.f32 $2.000000030e-01, v63  }
0x108: {  	v3 =	vld.idx.msk [tilespmem:v3+s22+$0x0], $0xffff;
	v5 =	vsub.f32 v9, v5;
	v7 =	vshra.s32 v56, $0x17;
	v8 =	vadd.f32 $2.000000030e-01, v8  }
0x109: {  	v57 =	vshra.s32 v57, $0x17;
	v6 =	vmul.f32 v54, v6;
	v9 =	vmul.f32 v63, v61  }
0x10a: {  	v5 =	vmul.f32 v55, v5;
	v62 =	vsel vm6, $0x1, v2;
	v8 =	vmul.f32 v8, v60  }
0x10b: {  	v51 =	vadd.f32 v58, v58;
	v58 =	vsel vm7, $0x1, v2;
	v9 =	vadd.f32 $3.333333430e-01, v9  }
0x10c: {  	v7 =	vadd.s32 v62, v7;
	v52 =	vadd.s32 v58, v57;
	v8 =	vadd.f32 $3.333333430e-01, v8  }
0x10d: {  	v62 =	vshll.u32 v3, $0x2;
	v52 =	vadd.s32 $0xFFFFFF81, v52;
	v9 =	vmul.f32 v9, v61  }
0x10e: {  	v7 =	vadd.s32 $0xFFFFFF81, v7;
	v52 =	vcvt.s32.f32 v52;
	v8 =	vmul.f32 v8, v60  }
0x10f: {  	v63 =	vadd.s32 v37, v62;
	v61 =	vadd.f32 v59, v59;
	v9 =	vadd.f32 $1.000000000e+00, v9  }
0x110: {  	v7 =	vcvt.s32.f32 v7;
	v60 =	vadd.s32 v39, v62;
	v8 =	vadd.f32 $1.000000000e+00, v8  }
0x111: {  	v52 =	vmul.f32 $6.931471820e-01, v52;
	v9 =	vmul.f32 v9, v61;
	v61 =	vadd.s32 v40, v62  }
0x112: {  	v7 =	vmul.f32 $6.931471820e-01, v7;
	v8 =	vmul.f32 v8, v51;
	v62 =	vadd.s32 v41, v62  }
0x113: {  	v5 =	vsel vm9, $0x0, v5;
	v3 =	vadd.s32 v38, v3;
	v9 =	vadd.f32 v9, v52  }
0x114: {  	v6 =	vsel vm8, $0x0, v6;
	[tilespmem:v63+s2+$0x0] =	vst.idx.msk $0xffff, v5;
	v7 =	vadd.f32 v8, v7  }
0x115: {  	[tilespmem:v60+s2+$0x0] =	vst.idx.msk $0xffff, v6;
	v5 =	vsel vm9, $0x0, v9  }
0x116: {  	v6 =	vsel vm8, $0x0, v7;
	[tilespmem:v61+s2+$0x0] =	vst.idx.msk $0xffff, v5  }
0x117: {  	[tilespmem:v62+s2+$0x0] =	vst.idx.msk $0xffff, v6  }
0x118: {  	[tilespmem:v3+s16+$0x0] =	vst.idx.msk $0xffff, v4  }
0x119: {  	[tilespmem:$0x19C20] =	vst v63  }
0x11a: {  	[tilespmem:$0x19C60] =	vst v3;
	v3 =	vld [tilespmem:$0x19BB0]  }
0x11b: {  	v5 =	vld.idx.msk [tilespmem:v42+s19+$0x0], $0xffff  }
0x11c: {  	v6 =	vld.idx.msk [tilespmem:v43+s19+$0x0], $0xffff  }
0x11d: {  	v7 =	vld.idx.msk [tilespmem:v45+s19+$0x0], $0xffff  }
0x11e: {  	v8 =	vld.idx.msk [tilespmem:v44+s19+$0x0], $0xffff;
	_ =	sdelay $0x3  }
0x11f: {  	v9 =	vshll.u32 v3, $0x2;
	v7 =	vsub.f32 v7, v6  }
0x120: {  	v63 =	vor.u32 $0x1, v9;
	v8 =	vsub.f32 v8, v5  }
0x121: {  	v57 =	vor.u32 $0x3, v9;
	vm10 =	veq.f32 v7, $0.0e+00  }
0x122: {  	v58 =	vor.u32 $0x2, v9;
	vm11 =	veq.f32 v8, $0.0e+00;
	v59 =	vsel vm10, $0x3A83126F, v7  }
0x123: {  	v60 =	vsel vm11, $0x3A83126F, v8;
	(erf) = vrcp.f32 v59  }
0x124: {  	v9 =	vld.idx.msk [tilespmem:v9+s21+$0x0], $0xffff;
	(erf) = vrcp.f32 v60  }
0x125: {  	v51 =	vld.idx.msk [tilespmem:v63+s21+$0x0], $0xffff  }
0x126: {  	v52 =	vld.idx.msk [tilespmem:v57+s21+$0x0], $0xffff  }
0x127: {  	v53 =	vld.idx.msk [tilespmem:v58+s21+$0x0], $0xffff;
	_ =	sdelay $0x3  }
0x128: {  	v52 =	vsub.f32 v52, v51  }
0x129: {  	v53 =	vsub.f32 v53, v9;
	v54 =	vpop (erf)  }
0x12a: {  	v55 =	vpop (erf);
	v56 =	vmul.f32 v54, v52  }
0x12b: {  	v57 =	vmul.f32 v55, v53  }
0x12c: {  	v61 =	vand.u32 $0x7FFFFF, v56  }
0x12d: {  	v58 =	vor.u32 $0x3F800000, v61;
	v59 =	vand.u32 $0x7FFFFF, v57  }
0x12e: {  	v60 =	vmul.f32 $5.000000000e-01, v58;
	v59 =	vor.u32 $0x3F800000, v59  }
0x12f: {  	vm12 =	vgt.f32 v58, $1.414213540e+00;
	v61 =	vmul.f32 $5.000000000e-01, v59  }
0x130: {  	vm13 =	vgt.f32 v59, $1.414213540e+00;
	v58 =	vsel vm12, v60, v58  }
0x131: {  	v60 =	vadd.f32 $1.000000000e+00, v58;
	v59 =	vsel vm13, v61, v59  }
0x132: {  	v61 =	vadd.f32 $1.000000000e+00, v59  }
0x133: {  	(erf) = vrcp.f32 v60  }
0x134: {  	(erf) = vrcp.f32 v61;
	_ =	sdelay $0x7  }
0x135: {  	v59 =	vadd.f32 $-1.000000000e+00, v59;
	v60 =	vpop (erf)  }
0x136: {  	v58 =	vadd.f32 $-1.000000000e+00, v58;
	v61 =	vpop (erf)  }
0x137: {  	v7 =	vmul.f32 $5.000000000e-01, v7;
	v59 =	vmul.f32 v61, v59  }
0x138: {  	v8 =	vmul.f32 $5.000000000e-01, v8;
	v58 =	vmul.f32 v60, v58  }
0x139: {  	v6 =	vadd.f32 v7, v6;
	v7 =	vmul.f32 $5.000000000e-01, v52;
	v61 =	vmul.f32 v59, v59  }
0x13a: {  	v62 =	vmul.f32 $5.000000000e-01, v53;
	v60 =	vmul.f32 v58, v58  }
0x13b: {  	v5 =	vadd.f32 v8, v5;
	v7 =	vadd.f32 v7, v51;
	v63 =	vmul.f32 $1.428571490e-01, v61  }
0x13c: {  	vm14 =	veq.f32 v52, $0.0e+00;
	v9 =	vadd.f32 v62, v9;
	v8 =	vmul.f32 $1.428571490e-01, v60  }
0x13d: {  	vm15 =	veq.f32 v53, $0.0e+00;
	v6 =	vsub.f32 v7, v6;
	v63 =	vadd.f32 $2.000000030e-01, v63  }
0x13e: {  	v3 =	vld.idx.msk [tilespmem:v3+s22+$0x0], $0xffff;
	v5 =	vsub.f32 v9, v5;
	v7 =	vshra.s32 v56, $0x17;
	v8 =	vadd.f32 $2.000000030e-01, v8  }
0x13f: {  	v57 =	vshra.s32 v57, $0x17;
	v6 =	vmul.f32 v54, v6;
	v9 =	vmul.f32 v63, v61  }
0x140: {  	v5 =	vmul.f32 v55, v5;
	v62 =	vsel vm12, $0x1, v2;
	v8 =	vmul.f32 v8, v60  }
0x141: {  	v51 =	vadd.f32 v58, v58;
	v58 =	vsel vm13, $0x1, v2;
	v9 =	vadd.f32 $3.333333430e-01, v9  }
0x142: {  	v7 =	vadd.s32 v62, v7;
	v52 =	vadd.s32 v58, v57;
	v8 =	vadd.f32 $3.333333430e-01, v8  }
0x143: {  	v62 =	vshll.u32 v3, $0x2;
	v52 =	vadd.s32 $0xFFFFFF81, v52;
	v9 =	vmul.f32 v9, v61  }
0x144: {  	v7 =	vadd.s32 $0xFFFFFF81, v7;
	v52 =	vcvt.s32.f32 v52;
	v8 =	vmul.f32 v8, v60  }
0x145: {  	v63 =	vadd.s32 v46, v62;
	v61 =	vadd.f32 v59, v59;
	v9 =	vadd.f32 $1.000000000e+00, v9  }
0x146: {  	v7 =	vcvt.s32.f32 v7;
	v60 =	vadd.s32 v48, v62;
	v8 =	vadd.f32 $1.000000000e+00, v8  }
0x147: {  	v52 =	vmul.f32 $6.931471820e-01, v52;
	v9 =	vmul.f32 v9, v61;
	v61 =	vadd.s32 v49, v62  }
0x148: {  	v7 =	vmul.f32 $6.931471820e-01, v7;
	v8 =	vmul.f32 v8, v51;
	v62 =	vadd.s32 v50, v62  }
0x149: {  	v5 =	vsel vm15, $0x0, v5;
	v3 =	vadd.s32 v47, v3;
	v9 =	vadd.f32 v9, v52  }
0x14a: {  	v6 =	vsel vm14, $0x0, v6;
	[tilespmem:v63+s2+$0x0] =	vst.idx.msk $0xffff, v5;
	v7 =	vadd.f32 v8, v7  }
0x14b: {  	[tilespmem:v60+s2+$0x0] =	vst.idx.msk $0xffff, v6;
	v5 =	vsel vm15, $0x0, v9  }
0x14c: {  	v6 =	vsel vm14, $0x0, v7;
	[tilespmem:v61+s2+$0x0] =	vst.idx.msk $0xffff, v5  }
0x14d: {  	[tilespmem:v62+s2+$0x0] =	vst.idx.msk $0xffff, v6  }
0x14e: {  	[tilespmem:v3+s16+$0x0] =	vst.idx.msk $0xffff, v4  }
0x14f: {  	[tilespmem:$0x19C30] =	vst v63  }
0x150: {  	[tilespmem:$0x19C70] =	vst v3  }
0x151: {  	[hbm4b:s7+s17] =	stream.strided.scatter [tilespmem:s2], [sflag:$0x1], $0x14400, s18, s17, $0x38;
	[tilespmem:$0x19C80] =	vst v63  }
0x152: {  	_ =	swait.ge [sflag:s20], $0x14400  }
0x153: {  	[sflag:s20] =	ssyncset.done $0x0  }
0x154: {  	[sflag:s20] =	ssyncadd.s32 $0xFFFEBC00  }
0x155: {  	[hbm4b:s8+s17] =	stream.strided.scatter [tilespmem:s16], [sflag:$0x1], $0x5100, s18, s17, $0x38;
	[tilespmem:$0x19C80] =	vst v63  }
0x156: {  	_ =	swait.ge [sflag:s20], $0x5100  }
0x157: {  	[sflag:s20] =	ssyncset.done $0x0  }
0x158: {  	[sflag:s20] =	ssyncadd.s32 $0xFFFFAF00  }
0x159: {  	[tilespmem:s19], [sflag:$0x1] =	stream.strided.gather [hbm4b:s9+s17], $0x400, s18, s17, $0x38;
	[tilespmem:$0x19C80] =	vst v63  }
0x15a: {  	_ =	swait.ge [sflag:s20], $0x400  }
0x15b: {  	[sflag:s20] =	ssyncset.done $0x0  }
0x15c: {  	[sflag:s20] =	ssyncadd.s32 $0xFFFFFC00  }
0x15d: {  	[tilespmem:s21], [sflag:$0x1] =	stream.strided.gather [hbm4b:s10+s17], $0x200, s18, s17, $0x38;
	[tilespmem:$0x19C80] =	vst v63  }
0x15e: {  	_ =	swait.ge [sflag:s20], $0x200  }
0x15f: {  	[sflag:s20] =	ssyncset.done $0x0  }
0x160: {  	[sflag:s20] =	ssyncadd.s32 $0xFFFFFE00  }
0x161: {  	[tilespmem:s22], [sflag:$0x1] =	stream.linear.gather [hbm4b:s11+s2], $0x80, $0x38;
	[tilespmem:$0x19C80] =	vst v63  }
0x162: {  	_ =	swait.ge [sflag:s20], $0x80  }
0x163: {  	[sflag:s20] =	ssyncset.done $0x0  }
0x164: {  	[sflag:s20] =	ssyncadd.s32 $0xFFFFFF80  }
0x165: {  	[tilespmem:s23], [sflag:$0x1] =	stream.linear.gather [hbm4b:s12+s2], $0x80, $0x38;
	[tilespmem:$0x19C80] =	vst v63  }
0x166: {  	_ =	swait.ge [sflag:s20], $0x80  }
0x167: {  	[sflag:s20] =	ssyncset.done $0x0  }
0x168: {  	[sflag:s20] =	ssyncadd.s32 $0xFFFFFF80  }
0x169: {  	v3 =	vld [tilespmem:$0x19C00];
	_ =	sdelay $0x4  }
0x16a: {  	v5 =	vadd.s32 $0x1, v3  }
0x16b: {  	v6 =	vadd.s32 $0x2, v3  }
0x16c: {  	v7 =	vadd.s32 $0x3, v3;
	_ =	sdelay $0x1  }
0x16d: {  	[tilespmem:v3+s2+$0x0] =	vst.idx.msk $0xffff, v1  }
0x16e: {  	[tilespmem:v5+s2+$0x0] =	vst.idx.msk $0xffff, v1  }
0x16f: {  	[tilespmem:v6+s2+$0x0] =	vst.idx.msk $0xffff, v1  }
0x170: {  	[tilespmem:v7+s2+$0x0] =	vst.idx.msk $0xffff, v1  }
0x171: {  	v3 =	vld [tilespmem:$0x19C40];
	_ =	sdelay $0x7  }
0x172: {  	[tilespmem:v3+s16+$0x0] =	vst.idx.msk $0xffff, v2  }
0x173: {  	v3 =	vld [tilespmem:$0x19C10];
	_ =	sdelay $0x4  }
0x174: {  	v5 =	vadd.s32 $0x1, v3  }
0x175: {  	v6 =	vadd.s32 $0x2, v3  }
0x176: {  	v7 =	vadd.s32 $0x3, v3;
	_ =	sdelay $0x1  }
0x177: {  	[tilespmem:v3+s2+$0x0] =	vst.idx.msk $0xffff, v1  }
0x178: {  	[tilespmem:v5+s2+$0x0] =	vst.idx.msk $0xffff, v1  }
0x179: {  	[tilespmem:v6+s2+$0x0] =	vst.idx.msk $0xffff, v1  }
0x17a: {  	[tilespmem:v7+s2+$0x0] =	vst.idx.msk $0xffff, v1  }
0x17b: {  	v3 =	vld [tilespmem:$0x19C50];
	_ =	sdelay $0x7  }
0x17c: {  	[tilespmem:v3+s16+$0x0] =	vst.idx.msk $0xffff, v2  }
0x17d: {  	v3 =	vld [tilespmem:$0x19C20];
	_ =	sdelay $0x4  }
0x17e: {  	v5 =	vadd.s32 $0x1, v3  }
0x17f: {  	v6 =	vadd.s32 $0x2, v3  }
0x180: {  	v7 =	vadd.s32 $0x3, v3;
	_ =	sdelay $0x1  }
0x181: {  	[tilespmem:v3+s2+$0x0] =	vst.idx.msk $0xffff, v1  }
0x182: {  	[tilespmem:v5+s2+$0x0] =	vst.idx.msk $0xffff, v1  }
0x183: {  	[tilespmem:v6+s2+$0x0] =	vst.idx.msk $0xffff, v1  }
0x184: {  	[tilespmem:v7+s2+$0x0] =	vst.idx.msk $0xffff, v1  }
0x185: {  	v3 =	vld [tilespmem:$0x19C60];
	_ =	sdelay $0x7  }
0x186: {  	[tilespmem:v3+s16+$0x0] =	vst.idx.msk $0xffff, v2  }
0x187: {  	v3 =	vld [tilespmem:$0x19C30];
	_ =	sdelay $0x4  }
0x188: {  	v5 =	vadd.s32 $0x1, v3  }
0x189: {  	v6 =	vadd.s32 $0x2, v3  }
0x18a: {  	v7 =	vadd.s32 $0x3, v3;
	_ =	sdelay $0x1  }
0x18b: {  	[tilespmem:v3+s2+$0x0] =	vst.idx.msk $0xffff, v1  }
0x18c: {  	[tilespmem:v5+s2+$0x0] =	vst.idx.msk $0xffff, v1  }
0x18d: {  	[tilespmem:v6+s2+$0x0] =	vst.idx.msk $0xffff, v1  }
0x18e: {  	[tilespmem:v7+s2+$0x0] =	vst.idx.msk $0xffff, v1  }
0x18f: {  	v3 =	vld [tilespmem:$0x19C70];
	_ =	sdelay $0x7  }
0x190: {  	[tilespmem:v3+s16+$0x0] =	vst.idx.msk $0xffff, v2  }
0x191: {  	v3 =	vld [tilespmem:$0x19B80]  }
0x192: {  	v5 =	vld.idx.msk [tilespmem:v14+s19+$0x0], $0xffff  }
0x193: {  	v6 =	vld.idx.msk [tilespmem:v18+s19+$0x0], $0xffff  }
0x194: {  	v7 =	vld.idx.msk [tilespmem:v20+s19+$0x0], $0xffff  }
0x195: {  	v8 =	vld.idx.msk [tilespmem:v19+s19+$0x0], $0xffff;
	_ =	sdelay $0x3  }
0x196: {  	v9 =	vshll.u32 v3, $0x2;
	v7 =	vsub.f32 v7, v6  }
0x197: {  	v8 =	vsub.f32 v8, v5;
	v63 =	vor.u32 $0x1, v9  }
0x198: {  	v57 =	vor.u32 $0x3, v9;
	vm4 =	veq.f32 v7, $0.0e+00  }
0x199: {  	v58 =	vor.u32 $0x2, v9;
	vm5 =	veq.f32 v8, $0.0e+00;
	v59 =	vsel vm4, $0x3A83126F, v7  }
0x19a: {  	v60 =	vsel vm5, $0x3A83126F, v8;
	(erf) = vrcp.f32 v59  }
0x19b: {  	v9 =	vld.idx.msk [tilespmem:v9+s21+$0x0], $0xffff;
	(erf) = vrcp.f32 v60  }
0x19c: {  	v51 =	vld.idx.msk [tilespmem:v63+s21+$0x0], $0xffff  }
0x19d: {  	v52 =	vld.idx.msk [tilespmem:v57+s21+$0x0], $0xffff  }
0x19e: {  	v53 =	vld.idx.msk [tilespmem:v58+s21+$0x0], $0xffff;
	_ =	sdelay $0x3  }
0x19f: {  	v52 =	vsub.f32 v52, v51  }
0x1a0: {  	v53 =	vsub.f32 v53, v9;
	v54 =	vpop (erf)  }
0x1a1: {  	v55 =	vpop (erf);
	v56 =	vmul.f32 v54, v52  }
0x1a2: {  	v57 =	vmul.f32 v55, v53  }
0x1a3: {  	v61 =	vand.u32 $0x7FFFFF, v56  }
0x1a4: {  	v58 =	vor.u32 $0x3F800000, v61;
	v59 =	vand.u32 $0x7FFFFF, v57  }
0x1a5: {  	v60 =	vmul.f32 $5.000000000e-01, v58;
	v59 =	vor.u32 $0x3F800000, v59  }
0x1a6: {  	vm6 =	vgt.f32 v58, $1.414213540e+00;
	v61 =	vmul.f32 $5.000000000e-01, v59  }
0x1a7: {  	vm7 =	vgt.f32 v59, $1.414213540e+00;
	v58 =	vsel vm6, v60, v58  }
0x1a8: {  	v60 =	vadd.f32 $1.000000000e+00, v58;
	v59 =	vsel vm7, v61, v59  }
0x1a9: {  	v61 =	vadd.f32 $1.000000000e+00, v59  }
0x1aa: {  	(erf) = vrcp.f32 v60  }
0x1ab: {  	(erf) = vrcp.f32 v61;
	_ =	sdelay $0x7  }
0x1ac: {  	v59 =	vadd.f32 $-1.000000000e+00, v59;
	v60 =	vpop (erf)  }
0x1ad: {  	v58 =	vadd.f32 $-1.000000000e+00, v58;
	v61 =	vpop (erf)  }
0x1ae: {  	v7 =	vmul.f32 $5.000000000e-01, v7;
	v59 =	vmul.f32 v61, v59  }
0x1af: {  	v8 =	vmul.f32 $5.000000000e-01, v8;
	v58 =	vmul.f32 v60, v58  }
0x1b0: {  	v6 =	vadd.f32 v7, v6;
	v7 =	vmul.f32 $5.000000000e-01, v52;
	v61 =	vmul.f32 v59, v59  }
0x1b1: {  	v62 =	vmul.f32 $5.000000000e-01, v53;
	v60 =	vmul.f32 v58, v58  }
0x1b2: {  	v5 =	vadd.f32 v8, v5;
	v7 =	vadd.f32 v7, v51;
	v63 =	vmul.f32 $1.428571490e-01, v61  }
0x1b3: {  	vm8 =	veq.f32 v52, $0.0e+00;
	v9 =	vadd.f32 v62, v9;
	v8 =	vmul.f32 $1.428571490e-01, v60  }
0x1b4: {  	vm9 =	veq.f32 v53, $0.0e+00;
	v6 =	vsub.f32 v7, v6;
	v63 =	vadd.f32 $2.000000030e-01, v63  }
0x1b5: {  	v3 =	vld.idx.msk [tilespmem:v3+s22+$0x0], $0xffff;
	v5 =	vsub.f32 v9, v5;
	v7 =	vshra.s32 v56, $0x17;
	v8 =	vadd.f32 $2.000000030e-01, v8  }
0x1b6: {  	v57 =	vshra.s32 v57, $0x17;
	v6 =	vmul.f32 v54, v6;
	v9 =	vmul.f32 v63, v61  }
0x1b7: {  	v62 =	vsel vm6, $0x1, v2;
	v5 =	vmul.f32 v55, v5;
	v8 =	vmul.f32 v8, v60  }
0x1b8: {  	v51 =	vadd.f32 v58, v58;
	v58 =	vsel vm7, $0x1, v2;
	v9 =	vadd.f32 $3.333333430e-01, v9  }
0x1b9: {  	v7 =	vadd.s32 v62, v7;
	v52 =	vadd.s32 v58, v57;
	v8 =	vadd.f32 $3.333333430e-01, v8  }
0x1ba: {  	v62 =	vshll.u32 v3, $0x2;
	v52 =	vadd.s32 $0xFFFFFF81, v52;
	v9 =	vmul.f32 v9, v61  }
0x1bb: {  	v7 =	vadd.s32 $0xFFFFFF81, v7;
	v52 =	vcvt.s32.f32 v52;
	v8 =	vmul.f32 v8, v60  }
0x1bc: {  	v63 =	vadd.s32 v17, v62;
	v61 =	vadd.f32 v59, v59;
	v9 =	vadd.f32 $1.000000000e+00, v9  }
0x1bd: {  	v7 =	vcvt.s32.f32 v7;
	v60 =	vadd.s32 v21, v62;
	v8 =	vadd.f32 $1.000000000e+00, v8  }
0x1be: {  	v52 =	vmul.f32 $6.931471820e-01, v52;
	v9 =	vmul.f32 v9, v61;
	v61 =	vadd.s32 v22, v62  }
0x1bf: {  	v7 =	vmul.f32 $6.931471820e-01, v7;
	v8 =	vmul.f32 v8, v51;
	v62 =	vadd.s32 v23, v62  }
0x1c0: {  	v3 =	vadd.s32 v0, v3;
	v5 =	vsel vm9, $0x0, v5;
	v9 =	vadd.f32 v9, v52  }
0x1c1: {  	v6 =	vsel vm8, $0x0, v6;
	[tilespmem:v63+s2+$0x0] =	vst.idx.msk $0xffff, v5;
	v7 =	vadd.f32 v8, v7  }
0x1c2: {  	[tilespmem:v60+s2+$0x0] =	vst.idx.msk $0xffff, v6;
	v5 =	vsel vm9, $0x0, v9  }
0x1c3: {  	v6 =	vsel vm8, $0x0, v7;
	[tilespmem:v61+s2+$0x0] =	vst.idx.msk $0xffff, v5  }
0x1c4: {  	[tilespmem:v62+s2+$0x0] =	vst.idx.msk $0xffff, v6  }
0x1c5: {  	[tilespmem:v3+s16+$0x0] =	vst.idx.msk $0xffff, v4  }
0x1c6: {  	v3 =	vld [tilespmem:$0x19B90]  }
0x1c7: {  	v5 =	vld.idx.msk [tilespmem:v24+s19+$0x0], $0xffff  }
0x1c8: {  	v6 =	vld.idx.msk [tilespmem:v25+s19+$0x0], $0xffff  }
0x1c9: {  	v7 =	vld.idx.msk [tilespmem:v27+s19+$0x0], $0xffff  }
0x1ca: {  	v8 =	vld.idx.msk [tilespmem:v26+s19+$0x0], $0xffff;
	_ =	sdelay $0x3  }
0x1cb: {  	v9 =	vshll.u32 v3, $0x2;
	v7 =	vsub.f32 v7, v6  }
0x1cc: {  	v8 =	vsub.f32 v8, v5;
	v63 =	vor.u32 $0x1, v9  }
0x1cd: {  	v57 =	vor.u32 $0x3, v9;
	vm10 =	veq.f32 v7, $0.0e+00  }
0x1ce: {  	v58 =	vor.u32 $0x2, v9;
	vm11 =	veq.f32 v8, $0.0e+00;
	v59 =	vsel vm10, $0x3A83126F, v7  }
0x1cf: {  	v60 =	vsel vm11, $0x3A83126F, v8;
	(erf) = vrcp.f32 v59  }
0x1d0: {  	v9 =	vld.idx.msk [tilespmem:v9+s21+$0x0], $0xffff;
	(erf) = vrcp.f32 v60  }
0x1d1: {  	v51 =	vld.idx.msk [tilespmem:v63+s21+$0x0], $0xffff  }
0x1d2: {  	v52 =	vld.idx.msk [tilespmem:v57+s21+$0x0], $0xffff  }
0x1d3: {  	v53 =	vld.idx.msk [tilespmem:v58+s21+$0x0], $0xffff;
	_ =	sdelay $0x3  }
0x1d4: {  	v52 =	vsub.f32 v52, v51  }
0x1d5: {  	v53 =	vsub.f32 v53, v9;
	v54 =	vpop (erf)  }
0x1d6: {  	v55 =	vpop (erf);
	v56 =	vmul.f32 v54, v52  }
0x1d7: {  	v57 =	vmul.f32 v55, v53  }
0x1d8: {  	v61 =	vand.u32 $0x7FFFFF, v56  }
0x1d9: {  	v58 =	vor.u32 $0x3F800000, v61;
	v59 =	vand.u32 $0x7FFFFF, v57  }
0x1da: {  	v60 =	vmul.f32 $5.000000000e-01, v58;
	v59 =	vor.u32 $0x3F800000, v59  }
0x1db: {  	vm12 =	vgt.f32 v58, $1.414213540e+00;
	v61 =	vmul.f32 $5.000000000e-01, v59  }
0x1dc: {  	vm13 =	vgt.f32 v59, $1.414213540e+00;
	v58 =	vsel vm12, v60, v58  }
0x1dd: {  	v60 =	vadd.f32 $1.000000000e+00, v58;
	v59 =	vsel vm13, v61, v59  }
0x1de: {  	v61 =	vadd.f32 $1.000000000e+00, v59  }
0x1df: {  	(erf) = vrcp.f32 v60  }
0x1e0: {  	(erf) = vrcp.f32 v61;
	_ =	sdelay $0x7  }
0x1e1: {  	v59 =	vadd.f32 $-1.000000000e+00, v59;
	v60 =	vpop (erf)  }
0x1e2: {  	v58 =	vadd.f32 $-1.000000000e+00, v58;
	v61 =	vpop (erf)  }
0x1e3: {  	v7 =	vmul.f32 $5.000000000e-01, v7;
	v59 =	vmul.f32 v61, v59  }
0x1e4: {  	v8 =	vmul.f32 $5.000000000e-01, v8;
	v58 =	vmul.f32 v60, v58  }
0x1e5: {  	v6 =	vadd.f32 v7, v6;
	v7 =	vmul.f32 $5.000000000e-01, v52;
	v61 =	vmul.f32 v59, v59  }
0x1e6: {  	v62 =	vmul.f32 $5.000000000e-01, v53;
	v60 =	vmul.f32 v58, v58  }
0x1e7: {  	v5 =	vadd.f32 v8, v5;
	v7 =	vadd.f32 v7, v51;
	v63 =	vmul.f32 $1.428571490e-01, v61  }
0x1e8: {  	vm14 =	veq.f32 v52, $0.0e+00;
	v9 =	vadd.f32 v62, v9;
	v8 =	vmul.f32 $1.428571490e-01, v60  }
0x1e9: {  	vm15 =	veq.f32 v53, $0.0e+00;
	v6 =	vsub.f32 v7, v6;
	v63 =	vadd.f32 $2.000000030e-01, v63  }
0x1ea: {  	v3 =	vld.idx.msk [tilespmem:v3+s22+$0x0], $0xffff;
	v5 =	vsub.f32 v9, v5;
	v7 =	vshra.s32 v56, $0x17;
	v8 =	vadd.f32 $2.000000030e-01, v8  }
0x1eb: {  	v57 =	vshra.s32 v57, $0x17;
	v6 =	vmul.f32 v54, v6;
	v9 =	vmul.f32 v63, v61  }
0x1ec: {  	v62 =	vsel vm12, $0x1, v2;
	v5 =	vmul.f32 v55, v5;
	v8 =	vmul.f32 v8, v60  }
0x1ed: {  	v51 =	vadd.f32 v58, v58;
	v58 =	vsel vm13, $0x1, v2;
	v9 =	vadd.f32 $3.333333430e-01, v9  }
0x1ee: {  	v7 =	vadd.s32 v62, v7;
	v52 =	vadd.s32 v58, v57;
	v8 =	vadd.f32 $3.333333430e-01, v8  }
0x1ef: {  	v62 =	vshll.u32 v3, $0x2;
	v52 =	vadd.s32 $0xFFFFFF81, v52;
	v9 =	vmul.f32 v9, v61  }
0x1f0: {  	v7 =	vadd.s32 $0xFFFFFF81, v7;
	v52 =	vcvt.s32.f32 v52;
	v8 =	vmul.f32 v8, v60  }
0x1f1: {  	v63 =	vadd.s32 v28, v62;
	v61 =	vadd.f32 v59, v59;
	v9 =	vadd.f32 $1.000000000e+00, v9  }
0x1f2: {  	v7 =	vcvt.s32.f32 v7;
	v60 =	vadd.s32 v30, v62;
	v8 =	vadd.f32 $1.000000000e+00, v8  }
0x1f3: {  	v52 =	vmul.f32 $6.931471820e-01, v52;
	v9 =	vmul.f32 v9, v61;
	v61 =	vadd.s32 v31, v62  }
0x1f4: {  	v7 =	vmul.f32 $6.931471820e-01, v7;
	v8 =	vmul.f32 v8, v51;
	v62 =	vadd.s32 v32, v62  }
0x1f5: {  	v3 =	vadd.s32 v29, v3;
	v5 =	vsel vm15, $0x0, v5;
	v9 =	vadd.f32 v9, v52  }
0x1f6: {  	v6 =	vsel vm14, $0x0, v6;
	[tilespmem:v63+s2+$0x0] =	vst.idx.msk $0xffff, v5;
	v7 =	vadd.f32 v8, v7  }
0x1f7: {  	[tilespmem:v60+s2+$0x0] =	vst.idx.msk $0xffff, v6;
	v5 =	vsel vm15, $0x0, v9  }
0x1f8: {  	v6 =	vsel vm14, $0x0, v7;
	[tilespmem:v61+s2+$0x0] =	vst.idx.msk $0xffff, v5  }
0x1f9: {  	[tilespmem:v62+s2+$0x0] =	vst.idx.msk $0xffff, v6  }
0x1fa: {  	[tilespmem:v3+s16+$0x0] =	vst.idx.msk $0xffff, v4  }
0x1fb: {  	v3 =	vld [tilespmem:$0x19BA0]  }
0x1fc: {  	v5 =	vld.idx.msk [tilespmem:v33+s19+$0x0], $0xffff  }
0x1fd: {  	v6 =	vld.idx.msk [tilespmem:v34+s19+$0x0], $0xffff  }
0x1fe: {  	v7 =	vld.idx.msk [tilespmem:v36+s19+$0x0], $0xffff  }
0x1ff: {  	v8 =	vld.idx.msk [tilespmem:v35+s19+$0x0], $0xffff;
	_ =	sdelay $0x3  }
0x200: {  	v9 =	vshll.u32 v3, $0x2;
	v7 =	vsub.f32 v7, v6  }
0x201: {  	v8 =	vsub.f32 v8, v5;
	v63 =	vor.u32 $0x1, v9  }
0x202: {  	v57 =	vor.u32 $0x3, v9;
	vm4 =	veq.f32 v7, $0.0e+00  }
0x203: {  	v58 =	vor.u32 $0x2, v9;
	vm5 =	veq.f32 v8, $0.0e+00;
	v59 =	vsel vm4, $0x3A83126F, v7  }
0x204: {  	v60 =	vsel vm5, $0x3A83126F, v8;
	(erf) = vrcp.f32 v59  }
0x205: {  	v9 =	vld.idx.msk [tilespmem:v9+s21+$0x0], $0xffff;
	(erf) = vrcp.f32 v60  }
0x206: {  	v51 =	vld.idx.msk [tilespmem:v63+s21+$0x0], $0xffff  }
0x207: {  	v52 =	vld.idx.msk [tilespmem:v57+s21+$0x0], $0xffff  }
0x208: {  	v53 =	vld.idx.msk [tilespmem:v58+s21+$0x0], $0xffff;
	_ =	sdelay $0x3  }
0x209: {  	v52 =	vsub.f32 v52, v51  }
0x20a: {  	v53 =	vsub.f32 v53, v9;
	v54 =	vpop (erf)  }
0x20b: {  	v55 =	vpop (erf);
	v56 =	vmul.f32 v54, v52  }
0x20c: {  	v57 =	vmul.f32 v55, v53  }
0x20d: {  	v61 =	vand.u32 $0x7FFFFF, v56  }
0x20e: {  	v58 =	vor.u32 $0x3F800000, v61;
	v59 =	vand.u32 $0x7FFFFF, v57  }
0x20f: {  	v60 =	vmul.f32 $5.000000000e-01, v58;
	v59 =	vor.u32 $0x3F800000, v59  }
0x210: {  	vm6 =	vgt.f32 v58, $1.414213540e+00;
	v61 =	vmul.f32 $5.000000000e-01, v59  }
0x211: {  	vm7 =	vgt.f32 v59, $1.414213540e+00;
	v58 =	vsel vm6, v60, v58  }
0x212: {  	v60 =	vadd.f32 $1.000000000e+00, v58;
	v59 =	vsel vm7, v61, v59  }
0x213: {  	v61 =	vadd.f32 $1.000000000e+00, v59  }
0x214: {  	(erf) = vrcp.f32 v60  }
0x215: {  	(erf) = vrcp.f32 v61;
	_ =	sdelay $0x7  }
0x216: {  	v59 =	vadd.f32 $-1.000000000e+00, v59;
	v60 =	vpop (erf)  }
0x217: {  	v58 =	vadd.f32 $-1.000000000e+00, v58;
	v61 =	vpop (erf)  }
0x218: {  	v7 =	vmul.f32 $5.000000000e-01, v7;
	v59 =	vmul.f32 v61, v59  }
0x219: {  	v8 =	vmul.f32 $5.000000000e-01, v8;
	v58 =	vmul.f32 v60, v58  }
0x21a: {  	v6 =	vadd.f32 v7, v6;
	v7 =	vmul.f32 $5.000000000e-01, v52;
	v61 =	vmul.f32 v59, v59  }
0x21b: {  	v62 =	vmul.f32 $5.000000000e-01, v53;
	v60 =	vmul.f32 v58, v58  }
0x21c: {  	v5 =	vadd.f32 v8, v5;
	v7 =	vadd.f32 v7, v51;
	v63 =	vmul.f32 $1.428571490e-01, v61  }
0x21d: {  	vm8 =	veq.f32 v52, $0.0e+00;
	v9 =	vadd.f32 v62, v9;
	v8 =	vmul.f32 $1.428571490e-01, v60  }
0x21e: {  	vm9 =	veq.f32 v53, $0.0e+00;
	v6 =	vsub.f32 v7, v6;
	v63 =	vadd.f32 $2.000000030e-01, v63  }
0x21f: {  	v5 =	vsub.f32 v9, v5;
	v7 =	vshra.s32 v56, $0x17;
	v8 =	vadd.f32 $2.000000030e-01, v8  }
0x220: {  	v3 =	vld.idx.msk [tilespmem:v3+s22+$0x0], $0xffff;
	v62 =	vsel vm6, $0x1, v2;
	v6 =	vmul.f32 v54, v6;
	v9 =	vmul.f32 v63, v61  }
0x221: {  	v7 =	vadd.s32 v62, v7;
	v62 =	vsel vm7, $0x1, v2;
	v8 =	vmul.f32 v8, v60  }
0x222: {  	v51 =	vadd.f32 v58, v58;
	v58 =	vshra.s32 v57, $0x17;
	v9 =	vadd.f32 $3.333333430e-01, v9  }
0x223: {  	v5 =	vmul.f32 v55, v5;
	v52 =	vadd.s32 v62, v58;
	v8 =	vadd.f32 $3.333333430e-01, v8  }
0x224: {  	v7 =	vadd.s32 $0xFFFFFF81, v7;
	v52 =	vadd.s32 $0xFFFFFF81, v52;
	v9 =	vmul.f32 v9, v61  }
0x225: {  	v52 =	vcvt.s32.f32 v52;
	v8 =	vmul.f32 v8, v60;
	v60 =	vshll.u32 v3, $0x2  }
0x226: {  	v63 =	vadd.f32 v59, v59;
	v61 =	vadd.s32 v37, v60;
	v9 =	vadd.f32 $1.000000000e+00, v9  }
0x227: {  	v7 =	vcvt.s32.f32 v7;
	v62 =	vadd.s32 v39, v60;
	v8 =	vadd.f32 $1.000000000e+00, v8  }
0x228: {  	v52 =	vmul.f32 $6.931471820e-01, v52;
	v9 =	vmul.f32 v9, v63;
	v63 =	vadd.s32 v40, v60  }
0x229: {  	v7 =	vmul.f32 $6.931471820e-01, v7;
	v57 =	vadd.s32 v41, v60;
	v8 =	vmul.f32 v8, v51  }
0x22a: {  	v5 =	vsel vm9, $0x0, v5;
	v3 =	vadd.s32 v38, v3;
	v9 =	vadd.f32 v9, v52  }
0x22b: {  	v6 =	vsel vm8, $0x0, v6;
	v7 =	vadd.f32 v8, v7;
	[tilespmem:v61+s2+$0x0] =	vst.idx.msk $0xffff, v5  }
0x22c: {  	[tilespmem:v62+s2+$0x0] =	vst.idx.msk $0xffff, v6;
	v5 =	vsel vm9, $0x0, v9  }
0x22d: {  	v6 =	vsel vm8, $0x0, v7;
	[tilespmem:v63+s2+$0x0] =	vst.idx.msk $0xffff, v5  }
0x22e: {  	[tilespmem:v57+s2+$0x0] =	vst.idx.msk $0xffff, v6  }
0x22f: {  	[tilespmem:v3+s16+$0x0] =	vst.idx.msk $0xffff, v4  }
0x230: {  	v3 =	vld [tilespmem:$0x19BB0]  }
0x231: {  	v5 =	vld.idx.msk [tilespmem:v42+s19+$0x0], $0xffff  }
0x232: {  	v6 =	vld.idx.msk [tilespmem:v43+s19+$0x0], $0xffff  }
0x233: {  	v7 =	vld.idx.msk [tilespmem:v45+s19+$0x0], $0xffff  }
0x234: {  	v8 =	vld.idx.msk [tilespmem:v44+s19+$0x0], $0xffff;
	_ =	sdelay $0x3  }
0x235: {  	v9 =	vshll.u32 v3, $0x2;
	v7 =	vsub.f32 v7, v6  }
0x236: {  	v8 =	vsub.f32 v8, v5;
	v58 =	vor.u32 $0x1, v9  }
0x237: {  	v59 =	vor.u32 $0x3, v9;
	vm10 =	veq.f32 v7, $0.0e+00  }
0x238: {  	v60 =	vor.u32 $0x2, v9;
	vm11 =	veq.f32 v8, $0.0e+00;
	v61 =	vsel vm10, $0x3A83126F, v7  }
0x239: {  	v62 =	vsel vm11, $0x3A83126F, v8;
	(erf) = vrcp.f32 v61  }
0x23a: {  	v9 =	vld.idx.msk [tilespmem:v9+s21+$0x0], $0xffff;
	(erf) = vrcp.f32 v62  }
0x23b: {  	v51 =	vld.idx.msk [tilespmem:v58+s21+$0x0], $0xffff  }
0x23c: {  	v52 =	vld.idx.msk [tilespmem:v59+s21+$0x0], $0xffff  }
0x23d: {  	v53 =	vld.idx.msk [tilespmem:v60+s21+$0x0], $0xffff;
	_ =	sdelay $0x3  }
0x23e: {  	v52 =	vsub.f32 v52, v51  }
0x23f: {  	v53 =	vsub.f32 v53, v9;
	v54 =	vpop (erf)  }
0x240: {  	v55 =	vpop (erf);
	v56 =	vmul.f32 v54, v52  }
0x241: {  	v57 =	vmul.f32 v55, v53  }
0x242: {  	v63 =	vand.u32 $0x7FFFFF, v56  }
0x243: {  	v58 =	vor.u32 $0x3F800000, v63;
	v59 =	vand.u32 $0x7FFFFF, v57  }
0x244: {  	v60 =	vmul.f32 $5.000000000e-01, v58;
	v59 =	vor.u32 $0x3F800000, v59  }
0x245: {  	vm12 =	vgt.f32 v58, $1.414213540e+00;
	v61 =	vmul.f32 $5.000000000e-01, v59  }
0x246: {  	vm13 =	vgt.f32 v59, $1.414213540e+00;
	v58 =	vsel vm12, v60, v58  }
0x247: {  	v60 =	vadd.f32 $1.000000000e+00, v58;
	v59 =	vsel vm13, v61, v59  }
0x248: {  	v61 =	vadd.f32 $1.000000000e+00, v59  }
0x249: {  	(erf) = vrcp.f32 v60  }
0x24a: {  	(erf) = vrcp.f32 v61;
	_ =	sdelay $0x7  }
0x24b: {  	v59 =	vadd.f32 $-1.000000000e+00, v59;
	v60 =	vpop (erf)  }
0x24c: {  	v58 =	vadd.f32 $-1.000000000e+00, v58;
	v62 =	vpop (erf)  }
0x24d: {  	v7 =	vmul.f32 $5.000000000e-01, v7;
	v59 =	vmul.f32 v62, v59  }
0x24e: {  	v61 =	vmul.f32 $5.000000000e-01, v52;
	v58 =	vmul.f32 v60, v58  }
0x24f: {  	v8 =	vmul.f32 $5.000000000e-01, v8;
	v3 =	vld.idx.msk [tilespmem:v3+s22+$0x0], $0xffff;
	v60 =	vmul.f32 v59, v59  }
0x250: {  	v6 =	vadd.f32 v7, v6;
	v7 =	vadd.f32 v61, v51;
	v51 =	vmul.f32 v58, v58  }
0x251: {  	v5 =	vadd.f32 v8, v5;
	v61 =	vmul.f32 $5.000000000e-01, v53;
	v62 =	vmul.f32 $1.428571490e-01, v60  }
0x252: {  	vm14 =	veq.f32 v52, $0.0e+00;
	v6 =	vsub.f32 v7, v6;
	v7 =	vmul.f32 $1.428571490e-01, v51  }
0x253: {  	vm15 =	veq.f32 v53, $0.0e+00;
	v8 =	vadd.f32 v61, v9;
	v9 =	vadd.f32 $2.000000030e-01, v62  }
0x254: {  	v57 =	vshra.s32 v57, $0x17;
	v63 =	vshll.u32 v3, $0x2;
	v7 =	vadd.f32 $2.000000030e-01, v7  }
0x255: {  	v6 =	vmul.f32 v54, v6;
	v5 =	vsub.f32 v8, v5;
	v9 =	vmul.f32 v9, v60  }
0x256: {  	v8 =	vshra.s32 v56, $0x17;
	v56 =	vsel vm12, $0x1, v2;
	v7 =	vmul.f32 v7, v51  }
0x257: {  	v8 =	vadd.s32 v56, v8;
	v5 =	vmul.f32 v55, v5;
	v9 =	vadd.f32 $3.333333430e-01, v9  }
0x258: {  	v52 =	vadd.f32 v58, v58;
	v58 =	vsel vm13, $0x1, v2;
	v7 =	vadd.f32 $3.333333430e-01, v7  }
0x259: {  	v8 =	vadd.s32 $0xFFFFFF81, v8;
	v61 =	vadd.s32 v58, v57;
	v9 =	vmul.f32 v9, v60  }
0x25a: {  	v62 =	vadd.f32 v59, v59;
	v7 =	vmul.f32 v7, v51;
	v51 =	vadd.s32 $0xFFFFFF81, v61  }
0x25b: {  	v51 =	vcvt.s32.f32 v51;
	v60 =	vadd.s32 v46, v63;
	v9 =	vadd.f32 $1.000000000e+00, v9  }
0x25c: {  	v8 =	vcvt.s32.f32 v8;
	v61 =	vadd.s32 v48, v63;
	v7 =	vadd.f32 $1.000000000e+00, v7  }
0x25d: {  	v51 =	vmul.f32 $6.931471820e-01, v51;
	v9 =	vmul.f32 v9, v62;
	v62 =	vadd.s32 v49, v63  }
0x25e: {  	v8 =	vmul.f32 $6.931471820e-01, v8;
	v7 =	vmul.f32 v7, v52;
	v63 =	vadd.s32 v50, v63  }
0x25f: {  	v3 =	vadd.s32 v47, v3;
	v5 =	vsel vm15, $0x0, v5;
	v9 =	vadd.f32 v9, v51  }
0x260: {  	v6 =	vsel vm14, $0x0, v6;
	v7 =	vadd.f32 v7, v8;
	[tilespmem:v60+s2+$0x0] =	vst.idx.msk $0xffff, v5  }
0x261: {  	[tilespmem:v61+s2+$0x0] =	vst.idx.msk $0xffff, v6;
	v5 =	vsel vm15, $0x0, v9  }
0x262: {  	v6 =	vsel vm14, $0x0, v7;
	[tilespmem:v62+s2+$0x0] =	vst.idx.msk $0xffff, v5  }
0x263: {  	[tilespmem:v63+s2+$0x0] =	vst.idx.msk $0xffff, v6  }
0x264: {  	[tilespmem:v3+s16+$0x0] =	vst.idx.msk $0xffff, v4  }
0x265: {  	[hbm4b:s13+s17] =	stream.strided.scatter [tilespmem:s2], [sflag:$0x1], $0x14400, s18, s17, $0x38;
	[tilespmem:$0x19C80] =	vst v63  }
0x266: {  	s24 =	sadd.s32 $0x1, s24;
	_ =	swait.ge [sflag:s20], $0x14400  }
0x267: {  	p0 =	sne.s32 s24, s15;
	[sflag:s20] =	ssyncset.done $0x0  }
.Ltmp2:
0x268: {  	[sflag:s20] =	ssyncadd.s32 $0xFFFEBC00;
	(pc) =	sbr.rel @p0 .LBB2_1-.Ltmp2, $4  }
0x269: {  	[hbm4b:s14+s17] =	stream.strided.scatter [tilespmem:s16], [sflag:$0x1], $0x5100, s18, s17, $0x38;
	[tilespmem:$0x19C80] =	vst v63  }
0x26a: {  	_ =	swait.ge [sflag:s20], $0x5100  }
0x26b: {  	[sflag:s20] =	ssyncset.done $0x0  }
0x26c: {  	[sflag:s20] =	ssyncadd.s32 $0xFFFFAF00  }
0x26d: {  	_ =	sfence.sel $0x180000  }
0x26e: {  	[bflag:$0x0] =	sbarrier.arrive $0xFFFF  }
0x26f: {  	p0 =	sne.s32 s1, $0x0;
	_ =	strace $0x90000047  }
0x270: {  	s0 =	sadd.s32 @!p0 $0x100000, s0;
	[bflag:$0x2] =	sbarrier.arrive $0xFFFF  }
0x271: {  	[sflag:s0] =	ssyncadd.tile.s32 @!p0 $0x1;
	_ =	shalt  }
.Lfunc_end2:
_tile_overlayer_lowered:
.L_overlay_start_2:
0x272: {  	(tag) =	ssettag $0x2  }
0x273: {  	s0 =	rddreg [dreg:$0x0];
	s2 =	stileid.u32  }
0x274: {  	s1 =	rddreg [dreg:$0x1];
	p0 =	sne.s32 s2, $0x0  }
0x275: {  	s3 =	rddreg [dreg:$0x2];
	[bflag:$0x3] =	sbarrier.arrive $0xFFFF;
	s2 =	simm.s32 @!p0 $0x1C01  }
0x276: {  	[timem:s3], [sflag:s2] =	dma.local @!p0 [hbm:s0], s1  }
0x277: {  	s0 =	simm.s32 @!p0 $0x1  }
0x278: {  	_ =	swait.ge @!p0 [sflag:s0], s1  }
0x279: {  	s1 =	ssub.s32 @!p0 $0x0, s1;
	[sflag:s0] =	ssyncset.done @!p0 $0x0  }
0x27a: {  	[sflag:s0] =	ssyncadd.s32 @!p0 s1  }
0x27b: {  	[bflag:$0x3] =	sbarrier.arrive $0xFFFF  }
0x27c: {  	_ =	shalt  }

</sc_bundles>
